<compile_context>
chip_gen: v7x
topology: tpu7x:2x2x1
jax: 0.10.2.dev20260603
libtpu: 0.0.44.dev20260713+nightly
codegen_flags: <defaults>
</compile_context>

<pallas_src>
import jax
import jax.numpy as jnp
from jax import lax
from jax.experimental import pallas as pl
from jax.experimental.pallas import tpu as pltpu
from jax.experimental.pallas import tpu_sc as plsc

_N = 10000
_E = 320000
_H = 128
_B = 32

_NC = 2
_NS = 16
_NW = _NC * _NS
_EPT = _E // _NW
_CH = 80
_NCH = _EPT // _CH
_RPS = 624
_REM = _N - _NS * _RPS
_ZR = 16

_BLK = 1000
_GRID = _N // _BLK


def _enc_body(fnode_ref, w_in_ref, b_in_ref, w_msg_ref, b_msg_ref,
              h_ref, p_ref):
    h = jnp.maximum(
        jnp.dot(fnode_ref[...], w_in_ref[...],
                preferred_element_type=jnp.float32) + b_in_ref[...], 0.0)
    h_ref[...] = h
    p_ref[...] = jnp.maximum(
        jnp.dot(h, w_msg_ref[...],
                preferred_element_type=jnp.float32) + b_msg_ref[...], 0.0)


def _sc_body(p_hbm, u_hbm, v_hbm, agg_hbm,
             u0, u1, v0, v1, rows0, rows1, zbuf, shared, sem0, sem1):
    c = lax.axis_index("c")
    s = lax.axis_index("s")
    wid = s * _NC + c
    ebase = wid * _EPT

    zero16 = jnp.zeros((16,), jnp.float32)
    for i in range(_ZR):
        for j in range(_H // 16):
            zbuf[i, pl.ds(j * 16, 16)] = zero16
    for t in range(_RPS // _ZR):
        pltpu.sync_copy(zbuf, shared.at[pl.ds(s * _RPS + t * _ZR, _ZR)])

    @pl.when(s == 0)
    def _zero_rem():
        pltpu.sync_copy(zbuf, shared.at[pl.ds(_NS * _RPS, _REM)])

    plsc.subcore_barrier()

    def _stage(ck, u_b, v_b):
        pltpu.sync_copy(u_hbm.at[pl.ds(ebase + ck * _CH, _CH)], u_b)
        pltpu.sync_copy(v_hbm.at[pl.ds(ebase + ck * _CH, _CH)], v_b)

    _stage(0, u0, v0)
    pltpu.async_copy(p_hbm.at[u0], rows0, sem0)

    @pl.loop(0, (_NCH - 1) // 2)
    def _chunks(g):
        c0 = 2 * g
        _stage(c0 + 1, u1, v1)
        pltpu.async_copy(p_hbm.at[u1], rows1, sem1)
        pltpu.make_async_copy(p_hbm.at[u0], rows0, sem0).wait()
        pltpu.sync_copy(rows0, shared.at[v0], add=True)
        _stage(c0 + 2, u0, v0)
        pltpu.async_copy(p_hbm.at[u0], rows0, sem0)
        pltpu.make_async_copy(p_hbm.at[u1], rows1, sem1).wait()
        pltpu.sync_copy(rows1, shared.at[v1], add=True)

    pltpu.make_async_copy(p_hbm.at[u0], rows0, sem0).wait()
    pltpu.sync_copy(rows0, shared.at[v0], add=True)

    plsc.subcore_barrier()
    pltpu.sync_copy(shared.at[pl.ds(s * _RPS, _RPS)],
                    agg_hbm.at[c, pl.ds(s * _RPS, _RPS)])

    @pl.when(s == 0)
    def _copy_rem():
        pltpu.sync_copy(shared.at[pl.ds(_NS * _RPS, _REM)],
                        agg_hbm.at[c, pl.ds(_NS * _RPS, _REM)])


def _gru_pool_body(h_ref, agg_ref, st_ref, ln_ref,
                   w_ih_ref, b_ih_ref, w_hh_ref, b_hh_ref,
                   w_out_ref, b_out_ref, out_ref, acc_ref):
    k = pl.program_id(0)
    h = h_ref[...]
    agg = agg_ref[0] + agg_ref[1]
    gi = jnp.dot(agg, w_ih_ref[...],
                 preferred_element_type=jnp.float32) + b_ih_ref[...]
    gh = jnp.dot(h, w_hh_ref[...],
                 preferred_element_type=jnp.float32) + b_hh_ref[...]
    r = jax.nn.sigmoid(gi[:, :_H] + gh[:, :_H])
    z = jax.nn.sigmoid(gi[:, _H:2 * _H] + gh[:, _H:2 * _H])
    n = jnp.tanh(gi[:, 2 * _H:] + r * gh[:, 2 * _H:])
    h2 = jnp.maximum((1.0 - z) * n + z * h, 0.0)

    ids = k * _BLK + lax.broadcasted_iota(jnp.int32, (_B, _BLK), 1)
    st = st_ref[...]
    ln = ln_ref[...]
    mask = (ids >= st) & (ids < st + ln)

    @pl.when(k == 0)
    def _init():
        acc_ref[...] = jnp.zeros_like(acc_ref)

    acc_ref[...] += jnp.dot(mask.astype(jnp.float32), h2,
                            preferred_element_type=jnp.float32)

    @pl.when(k == pl.num_programs(0) - 1)
    def _fin():
        denom = jnp.maximum(ln, 1).astype(jnp.float32)
        g = jnp.where(ln > 0, acc_ref[...] / denom, 0.0)
        out_ref[...] = jnp.dot(g, w_out_ref[...],
                               preferred_element_type=jnp.float32) \
            + b_out_ref[...]


def kernel(fnode, fmess, agraph, bgraph, atom_scope, bond_scope,
           W_in, b_in, W_msg, b_msg, W_ih, b_ih, W_hh, b_hh, W_out, b_out):
    h, p = pl.pallas_call(
        _enc_body,
        grid=(_GRID,),
        in_specs=[
            pl.BlockSpec((_BLK, _H), lambda k: (k, 0)),
            pl.BlockSpec((_H, _H), lambda k: (0, 0)),
            pl.BlockSpec((1, _H), lambda k: (0, 0)),
            pl.BlockSpec((_H, _H), lambda k: (0, 0)),
            pl.BlockSpec((1, _H), lambda k: (0, 0)),
        ],
        out_specs=[
            pl.BlockSpec((_BLK, _H), lambda k: (k, 0)),
            pl.BlockSpec((_BLK, _H), lambda k: (k, 0)),
        ],
        out_shape=[
            jax.ShapeDtypeStruct((_N, _H), jnp.float32),
            jax.ShapeDtypeStruct((_N, _H), jnp.float32),
        ],
    )(fnode, W_in, b_in.reshape(1, _H), W_msg, b_msg.reshape(1, _H))

    u1d = fmess[:, 0]
    v1d = fmess[:, 1]
    mesh = plsc.VectorSubcoreMesh(core_axis_name="c", subcore_axis_name="s",
                                  num_cores=_NC, num_subcores=_NS)
    agg2 = pl.kernel(
        _sc_body,
        out_type=jax.ShapeDtypeStruct((_NC, _N, _H), jnp.float32),
        mesh=mesh,
        scratch_types=[
            pltpu.VMEM((_CH,), jnp.int32),
            pltpu.VMEM((_CH,), jnp.int32),
            pltpu.VMEM((_CH,), jnp.int32),
            pltpu.VMEM((_CH,), jnp.int32),
            pltpu.VMEM((_CH, _H), jnp.float32),
            pltpu.VMEM((_CH, _H), jnp.float32),
            pltpu.VMEM((_ZR, _H), jnp.float32),
            pltpu.VMEM_SHARED((_N, _H), jnp.float32),
            pltpu.SemaphoreType.DMA,
            pltpu.SemaphoreType.DMA,
        ],
    )(p, u1d, v1d)

    st = atom_scope[:, 0, 0]
    ln = atom_scope[:, -1, 0] + atom_scope[:, -1, 1] - st
    out = pl.pallas_call(
        _gru_pool_body,
        grid=(_GRID,),
        in_specs=[
            pl.BlockSpec((_BLK, _H), lambda k: (k, 0)),
            pl.BlockSpec((_NC, _BLK, _H), lambda k: (0, k, 0)),
            pl.BlockSpec((_B, 1), lambda k: (0, 0)),
            pl.BlockSpec((_B, 1), lambda k: (0, 0)),
            pl.BlockSpec((_H, 3 * _H), lambda k: (0, 0)),
            pl.BlockSpec((1, 3 * _H), lambda k: (0, 0)),
            pl.BlockSpec((_H, 3 * _H), lambda k: (0, 0)),
            pl.BlockSpec((1, 3 * _H), lambda k: (0, 0)),
            pl.BlockSpec((_H, _H), lambda k: (0, 0)),
            pl.BlockSpec((1, _H), lambda k: (0, 0)),
        ],
        out_specs=pl.BlockSpec((_B, _H), lambda k: (0, 0)),
        out_shape=jax.ShapeDtypeStruct((_B, _H), jnp.float32),
        scratch_shapes=[pltpu.VMEM((_B, _H), jnp.float32)],
    )(h, agg2, st.reshape(_B, 1), ln.reshape(_B, 1),
      W_ih, b_ih.reshape(1, 3 * _H), W_hh, b_hh.reshape(1, 3 * _H),
      W_out, b_out.reshape(1, _H))
    return out

# --- scband reference (transcript-rebuilt; emitter-appended) ---
"""Pipeline reference for scband-g2-smpnencoder-36756330119413 (READ-ONLY COPY).

The authoritative reference and input builder live on the scoring server;
editing this copy changes nothing except your own understanding.
"""

import jax, jax.numpy as jnp
import numpy as np

N = 10000
E = 320000
D = 128
H = 128
B = 32


def setup_inputs(seed: int = 0) -> dict:
    key = jax.random.key(seed)
    ks = jax.random.split(key, 12)
    scale = 0.05
    fnode = jax.random.normal(ks[0], (N, D), dtype=jnp.float32)
    fmess = jax.random.randint(ks[1], (E, 2), 0, N, dtype=jnp.int32)
    agraph = jax.random.randint(ks[2], (N, 32), 0, E, dtype=jnp.int32)
    bgraph = jax.random.randint(ks[3], (E, 32), 0, E, dtype=jnp.int32)
    atom_scope = jnp.arange(B * 1 * 2, dtype=jnp.int32).reshape(B, 1, 2)
    bond_scope = jnp.arange(B * 1 * 2, dtype=jnp.int32).reshape(B, 1, 2)
    W_in = jax.random.normal(ks[4], (D, H), dtype=jnp.float32) * scale
    b_in = jnp.zeros((H,), dtype=jnp.float32)
    W_msg = jax.random.normal(ks[5], (H, H), dtype=jnp.float32) * scale
    b_msg = jnp.zeros((H,), dtype=jnp.float32)
    W_ih = jax.random.normal(ks[6], (H, 3 * H), dtype=jnp.float32) * scale
    b_ih = jnp.zeros((3 * H,), dtype=jnp.float32)
    W_hh = jax.random.normal(ks[7], (H, 3 * H), dtype=jnp.float32) * scale
    b_hh = jnp.zeros((3 * H,), dtype=jnp.float32)
    W_out = jax.random.normal(ks[8], (H, H), dtype=jnp.float32) * scale
    b_out = jnp.zeros((H,), dtype=jnp.float32)
    return {"fnode": fnode, "fmess": fmess, "agraph": agraph, "bgraph": bgraph,
            "atom_scope": atom_scope, "bond_scope": bond_scope,
            "W_in": W_in, "b_in": b_in, "W_msg": W_msg, "b_msg": b_msg,
            "W_ih": W_ih, "b_ih": b_ih, "W_hh": W_hh, "b_hh": b_hh,
            "W_out": W_out, "b_out": b_out}


def _gru_cell(x, h, W_ih, b_ih, W_hh, b_hh):
    gi = x @ W_ih + b_ih
    gh = h @ W_hh + b_hh
    i_r, i_z, i_n = jnp.split(gi, 3, axis=1)
    h_r, h_z, h_n = jnp.split(gh, 3, axis=1)
    r = jax.nn.sigmoid(i_r + h_r)
    z = jax.nn.sigmoid(i_z + h_z)
    n = jnp.tanh(i_n + r * h_n)
    return (1.0 - z) * n + z * h


def reference(fnode, fmess, agraph, bgraph, atom_scope, bond_scope,
              W_in, b_in, W_msg, b_msg, W_ih, b_ih, W_hh, b_hh, W_out, b_out):
    h = jax.nn.relu(fnode @ W_in + b_in)
    u = fmess[:, 0]
    v = fmess[:, 1]
    m = jax.nn.relu(jnp.take(h, u, axis=0) @ W_msg + b_msg)
    agg = jnp.zeros_like(h).at[v].add(m)
    h2 = jax.nn.relu(_gru_cell(agg, h, W_ih, b_ih, W_hh, b_hh))
    st = atom_scope[:, 0, 0]
    ln = atom_scope[:, -1, 0] + atom_scope[:, -1, 1] - st
    idx = jnp.arange(h2.shape[0], dtype=jnp.int32)
    mask = (idx[None, :] >= st[:, None]) & (idx[None, :] < (st + ln)[:, None])
    sums = jnp.sum(jnp.where(mask[:, :, None], h2[None, :, :], 0.0), axis=1)
    denom = jnp.maximum(ln, 1).astype(h2.dtype)
    G = jnp.where(ln[:, None] > 0, sums / denom[:, None],
                  jnp.zeros((H,), dtype=jnp.float32))
    return G @ W_out + b_out

if __name__ == "__main__":
    import jax
    _d = setup_inputs()
    print(jax.jit(kernel)(*tuple(_d.values())))

</pallas_src>

<mosaic_0001>
#map = affine_map<(d0, d1) -> (0, 0)>
#map1 = affine_map<(d0, d1) -> (0)>
#map2 = affine_map<(d0, d1) -> (0, 0, 0)>
module attributes {stable_mosaic.version = 14 : i64} {
  func.func @_sc_body(%arg0: i32, %arg1: i32, %arg2: memref<10000x128xf32, #tpu.memory_space<hbm>>, %arg3: memref<320000xi32, #tpu.memory_space<hbm>>, %arg4: memref<320000xi32, #tpu.memory_space<hbm>>, %arg5: memref<2x10000x128xf32, #tpu.memory_space<hbm>>, %arg6: memref<80xi32, #tpu.memory_space<vmem>>, %arg7: memref<80xi32, #tpu.memory_space<vmem>>, %arg8: memref<80xi32, #tpu.memory_space<vmem>>, %arg9: memref<80xi32, #tpu.memory_space<vmem>>, %arg10: memref<80x128xf32, #tpu.memory_space<vmem>>, %arg11: memref<80x128xf32, #tpu.memory_space<vmem>>, %arg12: memref<16x128xf32, #tpu.memory_space<vmem>>, %arg13: memref<10000x128xf32, #tpu.memory_space<vmem_shared>>, %arg14: memref<!tpu.dma_semaphore, #tpu.memory_space<semaphore_mem>>, %arg15: memref<!tpu.dma_semaphore, #tpu.memory_space<semaphore_mem>>) attributes {dimension_semantics = [#tpu.dimension_semantics<core_parallel>, #tpu.dimension_semantics<subcore_parallel>], iteration_bounds = array<i64: 2, 16>, scalar_prefetch = 0 : i64, scratch_operands = 10 : i64, tpu.core_type = #tpu.core_type<sc_vector_subcore>, window_params = [{transform_indices = #map}, {transform_indices = #map1}, {transform_indices = #map1}, {transform_indices = #map2}]} {
    %mul3A = arith.constant 2 : i32
    %mul3A_0 = arith.muli %arg1, %mul3A : i32
    %add3A = arith.addi %mul3A_0, %arg0 : i32
    %mul3A_1 = arith.constant 10000 : i32
    %mul3A_2 = arith.muli %add3A, %mul3A_1 : i32
    %broadcast_in_dim3A = arith.constant 0.000000e+00 : f32
    %broadcast_in_dim3A_3 = vector.broadcast %broadcast_in_dim3A : f32 to vector<16xf32>
    %swap3A = arith.constant 0 : i32
    %swap3A_4 = arith.index_cast %swap3A : i32 to index
    %swap3A_5 = arith.constant 0 : index
    %swap3A_6 = tpu.vector_load %arg12[%swap3A_4, %swap3A_5] {strides = array<i32>} : memref<16x128xf32, #tpu.memory_space<vmem>>, vector<1x16xf32>,
    %swap3A_7 = vector.shape_cast %swap3A_6 : vector<1x16xf32> to vector<16xf32>
    %swap3A_8 = vector.shape_cast %broadcast_in_dim3A_3 : vector<16xf32> to vector<1x16xf32>
    tpu.vector_store %arg12[%swap3A_4, %swap3A_5], %swap3A_8 {strides = array<i32>} : memref<16x128xf32, #tpu.memory_space<vmem>>, vector<1x16xf32>,
    %swap3A_9 = arith.constant 0 : i32
    %swap3A_10 = arith.index_cast %swap3A_9 : i32 to index
    %swap3A_11 = arith.constant 16 : index
    %swap3A_12 = tpu.vector_load %arg12[%swap3A_10, %swap3A_11] {strides = array<i32>} : memref<16x128xf32, #tpu.memory_space<vmem>>, vector<1x16xf32>,
    %swap3A_13 = vector.shape_cast %swap3A_12 : vector<1x16xf32> to vector<16xf32>
    %swap3A_14 = vector.shape_cast %broadcast_in_dim3A_3 : vector<16xf32> to vector<1x16xf32>
    tpu.vector_store %arg12[%swap3A_10, %swap3A_11], %swap3A_14 {strides = array<i32>} : memref<16x128xf32, #tpu.memory_space<vmem>>, vector<1x16xf32>,
    %swap3A_15 = arith.constant 0 : i32
    %swap3A_16 = arith.index_cast %swap3A_15 : i32 to index
    %swap3A_17 = arith.constant 32 : index
    %swap3A_18 = tpu.vector_load %arg12[%swap3A_16, %swap3A_17] {strides = array<i32>} : memref<16x128xf32, #tpu.memory_space<vmem>>, vector<1x16xf32>,
    %swap3A_19 = vector.shape_cast %swap3A_18 : vector<1x16xf32> to vector<16xf32>
    %swap3A_20 = vector.shape_cast %broadcast_in_dim3A_3 : vector<16xf32> to vector<1x16xf32>
    tpu.vector_store %arg12[%swap3A_16, %swap3A_17], %swap3A_20 {strides = array<i32>} : memref<16x128xf32, #tpu.memory_space<vmem>>, vector<1x16xf32>,
    %swap3A_21 = arith.constant 0 : i32
    %swap3A_22 = arith.index_cast %swap3A_21 : i32 to index
    %swap3A_23 = arith.constant 48 : index
    %swap3A_24 = tpu.vector_load %arg12[%swap3A_22, %swap3A_23] {strides = array<i32>} : memref<16x128xf32, #tpu.memory_space<vmem>>, vector<1x16xf32>,
    %swap3A_25 = vector.shape_cast %swap3A_24 : vector<1x16xf32> to vector<16xf32>
    %swap3A_26 = vector.shape_cast %broadcast_in_dim3A_3 : vector<16xf32> to vector<1x16xf32>
    tpu.vector_store %arg12[%swap3A_22, %swap3A_23], %swap3A_26 {strides = array<i32>} : memref<16x128xf32, #tpu.memory_space<vmem>>, vector<1x16xf32>,
    %swap3A_27 = arith.constant 0 : i32
    %swap3A_28 = arith.index_cast %swap3A_27 : i32 to index
    %swap3A_29 = arith.constant 64 : index
    %swap3A_30 = tpu.vector_load %arg12[%swap3A_28, %swap3A_29] {strides = array<i32>} : memref<16x128xf32, #tpu.memory_space<vmem>>, vector<1x16xf32>,
    %swap3A_31 = vector.shape_cast %swap3A_30 : vector<1x16xf32> to vector<16xf32>
    %swap3A_32 = vector.shape_cast %broadcast_in_dim3A_3 : vector<16xf32> to vector<1x16xf32>
    tpu.vector_store %arg12[%swap3A_28, %swap3A_29], %swap3A_32 {strides = array<i32>} : memref<16x128xf32, #tpu.memory_space<vmem>>, vector<1x16xf32>,
    %swap3A_33 = arith.constant 0 : i32
    %swap3A_34 = arith.index_cast %swap3A_33 : i32 to index
    %swap3A_35 = arith.constant 80 : index
    %swap3A_36 = tpu.vector_load %arg12[%swap3A_34, %swap3A_35] {strides = array<i32>} : memref<16x128xf32, #tpu.memory_space<vmem>>, vector<1x16xf32>,
    %swap3A_37 = vector.shape_cast %swap3A_36 : vector<1x16xf32> to vector<16xf32>
    %swap3A_38 = vector.shape_cast %broadcast_in_dim3A_3 : vector<16xf32> to vector<1x16xf32>
    tpu.vector_store %arg12[%swap3A_34, %swap3A_35], %swap3A_38 {strides = array<i32>} : memref<16x128xf32, #tpu.memory_space<vmem>>, vector<1x16xf32>,
    %swap3A_39 = arith.constant 0 : i32
    %swap3A_40 = arith.index_cast %swap3A_39 : i32 to index
    %swap3A_41 = arith.constant 96 : index
    %swap3A_42 = tpu.vector_load %arg12[%swap3A_40, %swap3A_41] {strides = array<i32>} : memref<16x128xf32, #tpu.memory_space<vmem>>, vector<1x16xf32>,
    %swap3A_43 = vector.shape_cast %swap3A_42 : vector<1x16xf32> to vector<16xf32>
    %swap3A_44 = vector.shape_cast %broadcast_in_dim3A_3 : vector<16xf32> to vector<1x16xf32>
    tpu.vector_store %arg12[%swap3A_40, %swap3A_41], %swap3A_44 {strides = array<i32>} : memref<16x128xf32, #tpu.memory_space<vmem>>, vector<1x16xf32>,
    %swap3A_45 = arith.constant 0 : i32
    %swap3A_46 = arith.index_cast %swap3A_45 : i32 to index
    %swap3A_47 = arith.constant 112 : index
    %swap3A_48 = tpu.vector_load %arg12[%swap3A_46, %swap3A_47] {strides = array<i32>} : memref<16x128xf32, #tpu.memory_space<vmem>>, vector<1x16xf32>,
    %swap3A_49 = vector.shape_cast %swap3A_48 : vector<1x16xf32> to vector<16xf32>
    %swap3A_50 = vector.shape_cast %broadcast_in_dim3A_3 : vector<16xf32> to vector<1x16xf32>
    tpu.vector_store %arg12[%swap3A_46, %swap3A_47], %swap3A_50 {strides = array<i32>} : memref<16x128xf32, #tpu.memory_space<vmem>>, vector<1x16xf32>,
    %swap3A_51 = arith.constant 1 : i32
    %swap3A_52 = arith.index_cast %swap3A_51 : i32 to index
    %swap3A_53 = arith.constant 0 : index
    %swap3A_54 = tpu.vector_load %arg12[%swap3A_52, %swap3A_53] {strides = array<i32>} : memref<16x128xf32, #tpu.memory_space<vmem>>, vector<1x16xf32>,
    %swap3A_55 = vector.shape_cast %swap3A_54 : vector<1x16xf32> to vector<16xf32>
    %swap3A_56 = vector.shape_cast %broadcast_in_dim3A_3 : vector<16xf32> to vector<1x16xf32>
    tpu.vector_store %arg12[%swap3A_52, %swap3A_53], %swap3A_56 {strides = array<i32>} : memref<16x128xf32, #tpu.memory_space<vmem>>, vector<1x16xf32>,
    %swap3A_57 = arith.constant 1 : i32
    %swap3A_58 = arith.index_cast %swap3A_57 : i32 to index
    %swap3A_59 = arith.constant 16 : index
    %swap3A_60 = tpu.vector_load %arg12[%swap3A_58, %swap3A_59] {strides = array<i32>} : memref<16x128xf32, #tpu.memory_space<vmem>>, vector<1x16xf32>,
    %swap3A_61 = vector.shape_cast %swap3A_60 : vector<1x16xf32> to vector<16xf32>
    %swap3A_62 = vector.shape_cast %broadcast_in_dim3A_3 : vector<16xf32> to vector<1x16xf32>
    tpu.vector_store %arg12[%swap3A_58, %swap3A_59], %swap3A_62 {strides = array<i32>} : memref<16x128xf32, #tpu.memory_space<vmem>>, vector<1x16xf32>,
    %swap3A_63 = arith.constant 1 : i32
    %swap3A_64 = arith.index_cast %swap3A_63 : i32 to index
    %swap3A_65 = arith.constant 32 : index
    %swap3A_66 = tpu.vector_load %arg12[%swap3A_64, %swap3A_65] {strides = array<i32>} : memref<16x128xf32, #tpu.memory_space<vmem>>, vector<1x16xf32>,
    %swap3A_67 = vector.shape_cast %swap3A_66 : vector<1x16xf32> to vector<16xf32>
    %swap3A_68 = vector.shape_cast %broadcast_in_dim3A_3 : vector<16xf32> to vector<1x16xf32>
    tpu.vector_store %arg12[%swap3A_64, %swap3A_65], %swap3A_68 {strides = array<i32>} : memref<16x128xf32, #tpu.memory_space<vmem>>, vector<1x16xf32>,
    %swap3A_69 = arith.constant 1 : i32
    %swap3A_70 = arith.index_cast %swap3A_69 : i32 to index
    %swap3A_71 = arith.constant 48 : index
    %swap3A_72 = tpu.vector_load %arg12[%swap3A_70, %swap3A_71] {strides = array<i32>} : memref<16x128xf32, #tpu.memory_space<vmem>>, vector<1x16xf32>,
    %swap3A_73 = vector.shape_cast %swap3A_72 : vector<1x16xf32> to vector<16xf32>
    %swap3A_74 = vector.shape_cast %broadcast_in_dim3A_3 : vector<16xf32> to vector<1x16xf32>
    tpu.vector_store %arg12[%swap3A_70, %swap3A_71], %swap3A_74 {strides = array<i32>} : memref<16x128xf32, #tpu.memory_space<vmem>>, vector<1x16xf32>,
    %swap3A_75 = arith.constant 1 : i32
    %swap3A_76 = arith.index_cast %swap3A_75 : i32 to index
    %swap3A_77 = arith.constant 64 : index
    %swap3A_78 = tpu.vector_load %arg12[%swap3A_76, %swap3A_77] {strides = array<i32>} : memref<16x128xf32, #tpu.memory_space<vmem>>, vector<1x16xf32>,
    %swap3A_79 = vector.shape_cast %swap3A_78 : vector<1x16xf32> to vector<16xf32>
    %swap3A_80 = vector.shape_cast %broadcast_in_dim3A_3 : vector<16xf32> to vector<1x16xf32>
    tpu.vector_store %arg12[%swap3A_76, %swap3A_77], %swap3A_80 {strides = array<i32>} : memref<16x128xf32, #tpu.memory_space<vmem>>, vector<1x16xf32>,
    %swap3A_81 = arith.constant 1 : i32
    %swap3A_82 = arith.index_cast %swap3A_81 : i32 to index
    %swap3A_83 = arith.constant 80 : index
    %swap3A_84 = tpu.vector_load %arg12[%swap3A_82, %swap3A_83] {strides = array<i32>} : memref<16x128xf32, #tpu.memory_space<vmem>>, vector<1x16xf32>,
    %swap3A_85 = vector.shape_cast %swap3A_84 : vector<1x16xf32> to vector<16xf32>
    %swap3A_86 = vector.shape_cast %broadcast_in_dim3A_3 : vector<16xf32> to vector<1x16xf32>
    tpu.vector_store %arg12[%swap3A_82, %swap3A_83], %swap3A_86 {strides = array<i32>} : memref<16x128xf32, #tpu.memory_space<vmem>>, vector<1x16xf32>,
    %swap3A_87 = arith.constant 1 : i32
    %swap3A_88 = arith.index_cast %swap3A_87 : i32 to index
    %swap3A_89 = arith.constant 96 : index
    %swap3A_90 = tpu.vector_load %arg12[%swap3A_88, %swap3A_89] {strides = array<i32>} : memref<16x128xf32, #tpu.memory_space<vmem>>, vector<1x16xf32>,
    %swap3A_91 = vector.shape_cast %swap3A_90 : vector<1x16xf32> to vector<16xf32>
    %swap3A_92 = vector.shape_cast %broadcast_in_dim3A_3 : vector<16xf32> to vector<1x16xf32>
    tpu.vector_store %arg12[%swap3A_88, %swap3A_89], %swap3A_92 {strides = array<i32>} : memref<16x128xf32, #tpu.memory_space<vmem>>, vector<1x16xf32>,
    %swap3A_93 = arith.constant 1 : i32
    %swap3A_94 = arith.index_cast %swap3A_93 : i32 to index
    %swap3A_95 = arith.constant 112 : index
    %swap3A_96 = tpu.vector_load %arg12[%swap3A_94, %swap3A_95] {strides = array<i32>} : memref<16x128xf32, #tpu.memory_space<vmem>>, vector<1x16xf32>,
    %swap3A_97 = vector.shape_cast %swap3A_96 : vector<1x16xf32> to vector<16xf32>
    %swap3A_98 = vector.shape_cast %broadcast_in_dim3A_3 : vector<16xf32> to vector<1x16xf32>
    tpu.vector_store %arg12[%swap3A_94, %swap3A_95], %swap3A_98 {strides = array<i32>} : memref<16x128xf32, #tpu.memory_space<vmem>>, vector<1x16xf32>,
    %swap3A_99 = arith.constant 2 : i32
    %swap3A_100 = arith.index_cast %swap3A_99 : i32 to index
    %swap3A_101 = arith.constant 0 : index
    %swap3A_102 = tpu.vector_load %arg12[%swap3A_100, %swap3A_101] {strides = array<i32>} : memref<16x128xf32, #tpu.memory_space<vmem>>, vector<1x16xf32>,
    %swap3A_103 = vector.shape_cast %swap3A_102 : vector<1x16xf32> to vector<16xf32>
    %swap3A_104 = vector.shape_cast %broadcast_in_dim3A_3 : vector<16xf32> to vector<1x16xf32>
    tpu.vector_store %arg12[%swap3A_100, %swap3A_101], %swap3A_104 {strides = array<i32>} : memref<16x128xf32, #tpu.memory_space<vmem>>, vector<1x16xf32>,
    %swap3A_105 = arith.constant 2 : i32
    %swap3A_106 = arith.index_cast %swap3A_105 : i32 to index
    %swap3A_107 = arith.constant 16 : index
    %swap3A_108 = tpu.vector_load %arg12[%swap3A_106, %swap3A_107] {strides = array<i32>} : memref<16x128xf32, #tpu.memory_space<vmem>>, vector<1x16xf32>,
    %swap3A_109 = vector.shape_cast %swap3A_108 : vector<1x16xf32> to vector<16xf32>
    %swap3A_110 = vector.shape_cast %broadcast_in_dim3A_3 : vector<16xf32> to vector<1x16xf32>
    tpu.vector_store %arg12[%swap3A_106, %swap3A_107], %swap3A_110 {strides = array<i32>} : memref<16x128xf32, #tpu.memory_space<vmem>>, vector<1x16xf32>,
    %swap3A_111 = arith.constant 2 : i32
    %swap3A_112 = arith.index_cast %swap3A_111 : i32 to index
    %swap3A_113 = arith.constant 32 : index
    %swap3A_114 = tpu.vector_load %arg12[%swap3A_112, %swap3A_113] {strides = array<i32>} : memref<16x128xf32, #tpu.memory_space<vmem>>, vector<1x16xf32>,
    %swap3A_115 = vector.shape_cast %swap3A_114 : vector<1x16xf32> to vector<16xf32>
    %swap3A_116 = vector.shape_cast %broadcast_in_dim3A_3 : vector<16xf32> to vector<1x16xf32>
    tpu.vector_store %arg12[%swap3A_112, %swap3A_113], %swap3A_116 {strides = array<i32>} : memref<16x128xf32, #tpu.memory_space<vmem>>, vector<1x16xf32>,
    %swap3A_117 = arith.constant 2 : i32
    %swap3A_118 = arith.index_cast %swap3A_117 : i32 to index
    %swap3A_119 = arith.constant 48 : index
    %swap3A_120 = tpu.vector_load %arg12[%swap3A_118, %swap3A_119] {strides = array<i32>} : memref<16x128xf32, #tpu.memory_space<vmem>>, vector<1x16xf32>,
    %swap3A_121 = vector.shape_cast %swap3A_120 : vector<1x16xf32> to vector<16xf32>
    %swap3A_122 = vector.shape_cast %broadcast_in_dim3A_3 : vector<16xf32> to vector<1x16xf32>
    tpu.vector_store %arg12[%swap3A_118, %swap3A_119], %swap3A_122 {strides = array<i32>} : memref<16x128xf32, #tpu.memory_space<vmem>>, vector<1x16xf32>,
    %swap3A_123 = arith.constant 2 : i32
    %swap3A_124 = arith.index_cast %swap3A_123 : i32 to index
    %swap3A_125 = arith.constant 64 : index
    %swap3A_126 = tpu.vector_load %arg12[%swap3A_124, %swap3A_125] {strides = array<i32>} : memref<16x128xf32, #tpu.memory_space<vmem>>, vector<1x16xf32>,
    %swap3A_127 = vector.shape_cast %swap3A_126 : vector<1x16xf32> to vector<16xf32>
    %swap3A_128 = vector.shape_cast %broadcast_in_dim3A_3 : vector<16xf32> to vector<1x16xf32>
    tpu.vector_store %arg12[%swap3A_124, %swap3A_125], %swap3A_128 {strides = array<i32>} : memref<16x128xf32, #tpu.memory_space<vmem>>, vector<1x16xf32>,
    %swap3A_129 = arith.constant 2 : i32
    %swap3A_130 = arith.index_cast %swap3A_129 : i32 to index
    %swap3A_131 = arith.constant 80 : index
    %swap3A_132 = tpu.vector_load %arg12[%swap3A_130, %swap3A_131] {strides = array<i32>} : memref<16x128xf32, #tpu.memory_space<vmem>>, vector<1x16xf32>,
    %swap3A_133 = vector.shape_cast %swap3A_132 : vector<1x16xf32> to vector<16xf32>
    %swap3A_134 = vector.shape_cast %broadcast_in_dim3A_3 : vector<16xf32> to vector<1x16xf32>
    tpu.vector_store %arg12[%swap3A_130, %swap3A_131], %swap3A_134 {strides = array<i32>} : memref<16x128xf32, #tpu.memory_space<vmem>>, vector<1x16xf32>,
    %swap3A_135 = arith.constant 2 : i32
    %swap3A_136 = arith.index_cast %swap3A_135 : i32 to index
    %swap3A_137 = arith.constant 96 : index
    %swap3A_138 = tpu.vector_load %arg12[%swap3A_136, %swap3A_137] {strides = array<i32>} : memref<16x128xf32, #tpu.memory_space<vmem>>, vector<1x16xf32>,
    %swap3A_139 = vector.shape_cast %swap3A_138 : vector<1x16xf32> to vector<16xf32>
    %swap3A_140 = vector.shape_cast %broadcast_in_dim3A_3 : vector<16xf32> to vector<1x16xf32>
    tpu.vector_store %arg12[%swap3A_136, %swap3A_137], %swap3A_140 {strides = array<i32>} : memref<16x128xf32, #tpu.memory_space<vmem>>, vector<1x16xf32>,
    %swap3A_141 = arith.constant 2 : i32
    %swap3A_142 = arith.index_cast %swap3A_141 : i32 to index
    %swap3A_143 = arith.constant 112 : index
    %swap3A_144 = tpu.vector_load %arg12[%swap3A_142, %swap3A_143] {strides = array<i32>} : memref<16x128xf32, #tpu.memory_space<vmem>>, vector<1x16xf32>,
    %swap3A_145 = vector.shape_cast %swap3A_144 : vector<1x16xf32> to vector<16xf32>
    %swap3A_146 = vector.shape_cast %broadcast_in_dim3A_3 : vector<16xf32> to vector<1x16xf32>
    tpu.vector_store %arg12[%swap3A_142, %swap3A_143], %swap3A_146 {strides = array<i32>} : memref<16x128xf32, #tpu.memory_space<vmem>>, vector<1x16xf32>,
    %swap3A_147 = arith.constant 3 : i32
    %swap3A_148 = arith.index_cast %swap3A_147 : i32 to index
    %swap3A_149 = arith.constant 0 : index
    %swap3A_150 = tpu.vector_load %arg12[%swap3A_148, %swap3A_149] {strides = array<i32>} : memref<16x128xf32, #tpu.memory_space<vmem>>, vector<1x16xf32>,
    %swap3A_151 = vector.shape_cast %swap3A_150 : vector<1x16xf32> to vector<16xf32>
    %swap3A_152 = vector.shape_cast %broadcast_in_dim3A_3 : vector<16xf32> to vector<1x16xf32>
    tpu.vector_store %arg12[%swap3A_148, %swap3A_149], %swap3A_152 {strides = array<i32>} : memref<16x128xf32, #tpu.memory_space<vmem>>, vector<1x16xf32>,
    %swap3A_153 = arith.constant 3 : i32
    %swap3A_154 = arith.index_cast %swap3A_153 : i32 to index
    %swap3A_155 = arith.constant 16 : index
    %swap3A_156 = tpu.vector_load %arg12[%swap3A_154, %swap3A_155] {strides = array<i32>} : memref<16x128xf32, #tpu.memory_space<vmem>>, vector<1x16xf32>,
    %swap3A_157 = vector.shape_cast %swap3A_156 : vector<1x16xf32> to vector<16xf32>
    %swap3A_158 = vector.shape_cast %broadcast_in_dim3A_3 : vector<16xf32> to vector<1x16xf32>
    tpu.vector_store %arg12[%swap3A_154, %swap3A_155], %swap3A_158 {strides = array<i32>} : memref<16x128xf32, #tpu.memory_space<vmem>>, vector<1x16xf32>,
    %swap3A_159 = arith.constant 3 : i32
    %swap3A_160 = arith.index_cast %swap3A_159 : i32 to index
    %swap3A_161 = arith.constant 32 : index
    %swap3A_162 = tpu.vector_load %arg12[%swap3A_160, %swap3A_161] {strides = array<i32>} : memref<16x128xf32, #tpu.memory_space<vmem>>, vector<1x16xf32>,
    %swap3A_163 = vector.shape_cast %swap3A_162 : vector<1x16xf32> to vector<16xf32>
    %swap3A_164 = vector.shape_cast %broadcast_in_dim3A_3 : vector<16xf32> to vector<1x16xf32>
    tpu.vector_store %arg12[%swap3A_160, %swap3A_161], %swap3A_164 {strides = array<i32>} : memref<16x128xf32, #tpu.memory_space<vmem>>, vector<1x16xf32>,
    %swap3A_165 = arith.constant 3 : i32
    %swap3A_166 = arith.index_cast %swap3A_165 : i32 to index
    %swap3A_167 = arith.constant 48 : index
    %swap3A_168 = tpu.vector_load %arg12[%swap3A_166, %swap3A_167] {strides = array<i32>} : memref<16x128xf32, #tpu.memory_space<vmem>>, vector<1x16xf32>,
    %swap3A_169 = vector.shape_cast %swap3A_168 : vector<1x16xf32> to vector<16xf32>
    %swap3A_170 = vector.shape_cast %broadcast_in_dim3A_3 : vector<16xf32> to vector<1x16xf32>
    tpu.vector_store %arg12[%swap3A_166, %swap3A_167], %swap3A_170 {strides = array<i32>} : memref<16x128xf32, #tpu.memory_space<vmem>>, vector<1x16xf32>,
    %swap3A_171 = arith.constant 3 : i32
    %swap3A_172 = arith.index_cast %swap3A_171 : i32 to index
    %swap3A_173 = arith.constant 64 : index
    %swap3A_174 = tpu.vector_load %arg12[%swap3A_172, %swap3A_173] {strides = array<i32>} : memref<16x128xf32, #tpu.memory_space<vmem>>, vector<1x16xf32>,
    %swap3A_175 = vector.shape_cast %swap3A_174 : vector<1x16xf32> to vector<16xf32>
    %swap3A_176 = vector.shape_cast %broadcast_in_dim3A_3 : vector<16xf32> to vector<1x16xf32>
    tpu.vector_store %arg12[%swap3A_172, %swap3A_173], %swap3A_176 {strides = array<i32>} : memref<16x128xf32, #tpu.memory_space<vmem>>, vector<1x16xf32>,
    %swap3A_177 = arith.constant 3 : i32
    %swap3A_178 = arith.index_cast %swap3A_177 : i32 to index
    %swap3A_179 = arith.constant 80 : index
    %swap3A_180 = tpu.vector_load %arg12[%swap3A_178, %swap3A_179] {strides = array<i32>} : memref<16x128xf32, #tpu.memory_space<vmem>>, vector<1x16xf32>,
    %swap3A_181 = vector.shape_cast %swap3A_180 : vector<1x16xf32> to vector<16xf32>
    %swap3A_182 = vector.shape_cast %broadcast_in_dim3A_3 : vector<16xf32> to vector<1x16xf32>
    tpu.vector_store %arg12[%swap3A_178, %swap3A_179], %swap3A_182 {strides = array<i32>} : memref<16x128xf32, #tpu.memory_space<vmem>>, vector<1x16xf32>,
    %swap3A_183 = arith.constant 3 : i32
    %swap3A_184 = arith.index_cast %swap3A_183 : i32 to index
    %swap3A_185 = arith.constant 96 : index
    %swap3A_186 = tpu.vector_load %arg12[%swap3A_184, %swap3A_185] {strides = array<i32>} : memref<16x128xf32, #tpu.memory_space<vmem>>, vector<1x16xf32>,
    %swap3A_187 = vector.shape_cast %swap3A_186 : vector<1x16xf32> to vector<16xf32>
    %swap3A_188 = vector.shape_cast %broadcast_in_dim3A_3 : vector<16xf32> to vector<1x16xf32>
    tpu.vector_store %arg12[%swap3A_184, %swap3A_185], %swap3A_188 {strides = array<i32>} : memref<16x128xf32, #tpu.memory_space<vmem>>, vector<1x16xf32>,
    %swap3A_189 = arith.constant 3 : i32
    %swap3A_190 = arith.index_cast %swap3A_189 : i32 to index
    %swap3A_191 = arith.constant 112 : index
    %swap3A_192 = tpu.vector_load %arg12[%swap3A_190, %swap3A_191] {strides = array<i32>} : memref<16x128xf32, #tpu.memory_space<vmem>>, vector<1x16xf32>,
    %swap3A_193 = vector.shape_cast %swap3A_192 : vector<1x16xf32> to vector<16xf32>
    %swap3A_194 = vector.shape_cast %broadcast_in_dim3A_3 : vector<16xf32> to vector<1x16xf32>
    tpu.vector_store %arg12[%swap3A_190, %swap3A_191], %swap3A_194 {strides = array<i32>} : memref<16x128xf32, #tpu.memory_space<vmem>>, vector<1x16xf32>,
    %swap3A_195 = arith.constant 4 : i32
    %swap3A_196 = arith.index_cast %swap3A_195 : i32 to index
    %swap3A_197 = arith.constant 0 : index
    %swap3A_198 = tpu.vector_load %arg12[%swap3A_196, %swap3A_197] {strides = array<i32>} : memref<16x128xf32, #tpu.memory_space<vmem>>, vector<1x16xf32>,
    %swap3A_199 = vector.shape_cast %swap3A_198 : vector<1x16xf32> to vector<16xf32>
    %swap3A_200 = vector.shape_cast %broadcast_in_dim3A_3 : vector<16xf32> to vector<1x16xf32>
    tpu.vector_store %arg12[%swap3A_196, %swap3A_197], %swap3A_200 {strides = array<i32>} : memref<16x128xf32, #tpu.memory_space<vmem>>, vector<1x16xf32>,
    %swap3A_201 = arith.constant 4 : i32
    %swap3A_202 = arith.index_cast %swap3A_201 : i32 to index
    %swap3A_203 = arith.constant 16 : index
    %swap3A_204 = tpu.vector_load %arg12[%swap3A_202, %swap3A_203] {strides = array<i32>} : memref<16x128xf32, #tpu.memory_space<vmem>>, vector<1x16xf32>,
    %swap3A_205 = vector.shape_cast %swap3A_204 : vector<1x16xf32> to vector<16xf32>
    %swap3A_206 = vector.shape_cast %broadcast_in_dim3A_3 : vector<16xf32> to vector<1x16xf32>
    tpu.vector_store %arg12[%swap3A_202, %swap3A_203], %swap3A_206 {strides = array<i32>} : memref<16x128xf32, #tpu.memory_space<vmem>>, vector<1x16xf32>,
    %swap3A_207 = arith.constant 4 : i32
    %swap3A_208 = arith.index_cast %swap3A_207 : i32 to index
    %swap3A_209 = arith.constant 32 : index
    %swap3A_210 = tpu.vector_load %arg12[%swap3A_208, %swap3A_209] {strides = array<i32>} : memref<16x128xf32, #tpu.memory_space<vmem>>, vector<1x16xf32>,
    %swap3A_211 = vector.shape_cast %swap3A_210 : vector<1x16xf32> to vector<16xf32>
    %swap3A_212 = vector.shape_cast %broadcast_in_dim3A_3 : vector<16xf32> to vector<1x16xf32>
    tpu.vector_store %arg12[%swap3A_208, %swap3A_209], %swap3A_212 {strides = array<i32>} : memref<16x128xf32, #tpu.memory_space<vmem>>, vector<1x16xf32>,
    %swap3A_213 = arith.constant 4 : i32
    %swap3A_214 = arith.index_cast %swap3A_213 : i32 to index
    %swap3A_215 = arith.constant 48 : index
    %swap3A_216 = tpu.vector_load %arg12[%swap3A_214, %swap3A_215] {strides = array<i32>} : memref<16x128xf32, #tpu.memory_space<vmem>>, vector<1x16xf32>,
    %swap3A_217 = vector.shape_cast %swap3A_216 : vector<1x16xf32> to vector<16xf32>
    %swap3A_218 = vector.shape_cast %broadcast_in_dim3A_3 : vector<16xf32> to vector<1x16xf32>
    tpu.vector_store %arg12[%swap3A_214, %swap3A_215], %swap3A_218 {strides = array<i32>} : memref<16x128xf32, #tpu.memory_space<vmem>>, vector<1x16xf32>,
    %swap3A_219 = arith.constant 4 : i32
    %swap3A_220 = arith.index_cast %swap3A_219 : i32 to index
    %swap3A_221 = arith.constant 64 : index
    %swap3A_222 = tpu.vector_load %arg12[%swap3A_220, %swap3A_221] {strides = array<i32>} : memref<16x128xf32, #tpu.memory_space<vmem>>, vector<1x16xf32>,
    %swap3A_223 = vector.shape_cast %swap3A_222 : vector<1x16xf32> to vector<16xf32>
    %swap3A_224 = vector.shape_cast %broadcast_in_dim3A_3 : vector<16xf32> to vector<1x16xf32>
    tpu.vector_store %arg12[%swap3A_220, %swap3A_221], %swap3A_224 {strides = array<i32>} : memref<16x128xf32, #tpu.memory_space<vmem>>, vector<1x16xf32>,
    %swap3A_225 = arith.constant 4 : i32
    %swap3A_226 = arith.index_cast %swap3A_225 : i32 to index
    %swap3A_227 = arith.constant 80 : index
    %swap3A_228 = tpu.vector_load %arg12[%swap3A_226, %swap3A_227] {strides = array<i32>} : memref<16x128xf32, #tpu.memory_space<vmem>>, vector<1x16xf32>,
    %swap3A_229 = vector.shape_cast %swap3A_228 : vector<1x16xf32> to vector<16xf32>
    %swap3A_230 = vector.shape_cast %broadcast_in_dim3A_3 : vector<16xf32> to vector<1x16xf32>
    tpu.vector_store %arg12[%swap3A_226, %swap3A_227], %swap3A_230 {strides = array<i32>} : memref<16x128xf32, #tpu.memory_space<vmem>>, vector<1x16xf32>,
    %swap3A_231 = arith.constant 4 : i32
    %swap3A_232 = arith.index_cast %swap3A_231 : i32 to index
    %swap3A_233 = arith.constant 96 : index
    %swap3A_234 = tpu.vector_load %arg12[%swap3A_232, %swap3A_233] {strides = array<i32>} : memref<16x128xf32, #tpu.memory_space<vmem>>, vector<1x16xf32>,
    %swap3A_235 = vector.shape_cast %swap3A_234 : vector<1x16xf32> to vector<16xf32>
    %swap3A_236 = vector.shape_cast %broadcast_in_dim3A_3 : vector<16xf32> to vector<1x16xf32>
    tpu.vector_store %arg12[%swap3A_232, %swap3A_233], %swap3A_236 {strides = array<i32>} : memref<16x128xf32, #tpu.memory_space<vmem>>, vector<1x16xf32>,
    %swap3A_237 = arith.constant 4 : i32
    %swap3A_238 = arith.index_cast %swap3A_237 : i32 to index
    %swap3A_239 = arith.constant 112 : index
    %swap3A_240 = tpu.vector_load %arg12[%swap3A_238, %swap3A_239] {strides = array<i32>} : memref<16x128xf32, #tpu.memory_space<vmem>>, vector<1x16xf32>,
    %swap3A_241 = vector.shape_cast %swap3A_240 : vector<1x16xf32> to vector<16xf32>
    %swap3A_242 = vector.shape_cast %broadcast_in_dim3A_3 : vector<16xf32> to vector<1x16xf32>
    tpu.vector_store %arg12[%swap3A_238, %swap3A_239], %swap3A_242 {strides = array<i32>} : memref<16x128xf32, #tpu.memory_space<vmem>>, vector<1x16xf32>,
    %swap3A_243 = arith.constant 5 : i32
    %swap3A_244 = arith.index_cast %swap3A_243 : i32 to index
    %swap3A_245 = arith.constant 0 : index
    %swap3A_246 = tpu.vector_load %arg12[%swap3A_244, %swap3A_245] {strides = array<i32>} : memref<16x128xf32, #tpu.memory_space<vmem>>, vector<1x16xf32>,
    %swap3A_247 = vector.shape_cast %swap3A_246 : vector<1x16xf32> to vector<16xf32>
    %swap3A_248 = vector.shape_cast %broadcast_in_dim3A_3 : vector<16xf32> to vector<1x16xf32>
    tpu.vector_store %arg12[%swap3A_244, %swap3A_245], %swap3A_248 {strides = array<i32>} : memref<16x128xf32, #tpu.memory_space<vmem>>, vector<1x16xf32>,
    %swap3A_249 = arith.constant 5 : i32
    %swap3A_250 = arith.index_cast %swap3A_249 : i32 to index
    %swap3A_251 = arith.constant 16 : index
    %swap3A_252 = tpu.vector_load %arg12[%swap3A_250, %swap3A_251] {strides = array<i32>} : memref<16x128xf32, #tpu.memory_space<vmem>>, vector<1x16xf32>,
    %swap3A_253 = vector.shape_cast %swap3A_252 : vector<1x16xf32> to vector<16xf32>
    %swap3A_254 = vector.shape_cast %broadcast_in_dim3A_3 : vector<16xf32> to vector<1x16xf32>
    tpu.vector_store %arg12[%swap3A_250, %swap3A_251], %swap3A_254 {strides = array<i32>} : memref<16x128xf32, #tpu.memory_space<vmem>>, vector<1x16xf32>,
    %swap3A_255 = arith.constant 5 : i32
    %swap3A_256 = arith.index_cast %swap3A_255 : i32 to index
    %swap3A_257 = arith.constant 32 : index
    %swap3A_258 = tpu.vector_load %arg12[%swap3A_256, %swap3A_257] {strides = array<i32>} : memref<16x128xf32, #tpu.memory_space<vmem>>, vector<1x16xf32>,
    %swap3A_259 = vector.shape_cast %swap3A_258 : vector<1x16xf32> to vector<16xf32>
    %swap3A_260 = vector.shape_cast %broadcast_in_dim3A_3 : vector<16xf32> to vector<1x16xf32>
    tpu.vector_store %arg12[%swap3A_256, %swap3A_257], %swap3A_260 {strides = array<i32>} : memref<16x128xf32, #tpu.memory_space<vmem>>, vector<1x16xf32>,
    %swap3A_261 = arith.constant 5 : i32
    %swap3A_262 = arith.index_cast %swap3A_261 : i32 to index
    %swap3A_263 = arith.constant 48 : index
    %swap3A_264 = tpu.vector_load %arg12[%swap3A_262, %swap3A_263] {strides = array<i32>} : memref<16x128xf32, #tpu.memory_space<vmem>>, vector<1x16xf32>,
    %swap3A_265 = vector.shape_cast %swap3A_264 : vector<1x16xf32> to vector<16xf32>
    %swap3A_266 = vector.shape_cast %broadcast_in_dim3A_3 : vector<16xf32> to vector<1x16xf32>
    tpu.vector_store %arg12[%swap3A_262, %swap3A_263], %swap3A_266 {strides = array<i32>} : memref<16x128xf32, #tpu.memory_space<vmem>>, vector<1x16xf32>,
    %swap3A_267 = arith.constant 5 : i32
    %swap3A_268 = arith.index_cast %swap3A_267 : i32 to index
    %swap3A_269 = arith.constant 64 : index
    %swap3A_270 = tpu.vector_load %arg12[%swap3A_268, %swap3A_269] {strides = array<i32>} : memref<16x128xf32, #tpu.memory_space<vmem>>, vector<1x16xf32>,
    %swap3A_271 = vector.shape_cast %swap3A_270 : vector<1x16xf32> to vector<16xf32>
    %swap3A_272 = vector.shape_cast %broadcast_in_dim3A_3 : vector<16xf32> to vector<1x16xf32>
    tpu.vector_store %arg12[%swap3A_268, %swap3A_269], %swap3A_272 {strides = array<i32>} : memref<16x128xf32, #tpu.memory_space<vmem>>, vector<1x16xf32>,
    %swap3A_273 = arith.constant 5 : i32
    %swap3A_274 = arith.index_cast %swap3A_273 : i32 to index
    %swap3A_275 = arith.constant 80 : index
    %swap3A_276 = tpu.vector_load %arg12[%swap3A_274, %swap3A_275] {strides = array<i32>} : memref<16x128xf32, #tpu.memory_space<vmem>>, vector<1x16xf32>,
    %swap3A_277 = vector.shape_cast %swap3A_276 : vector<1x16xf32> to vector<16xf32>
    %swap3A_278 = vector.shape_cast %broadcast_in_dim3A_3 : vector<16xf32> to vector<1x16xf32>
    tpu.vector_store %arg12[%swap3A_274, %swap3A_275], %swap3A_278 {strides = array<i32>} : memref<16x128xf32, #tpu.memory_space<vmem>>, vector<1x16xf32>,
    %swap3A_279 = arith.constant 5 : i32
    %swap3A_280 = arith.index_cast %swap3A_279 : i32 to index
    %swap3A_281 = arith.constant 96 : index
    %swap3A_282 = tpu.vector_load %arg12[%swap3A_280, %swap3A_281] {strides = array<i32>} : memref<16x128xf32, #tpu.memory_space<vmem>>, vector<1x16xf32>,
    %swap3A_283 = vector.shape_cast %swap3A_282 : vector<1x16xf32> to vector<16xf32>
    %swap3A_284 = vector.shape_cast %broadcast_in_dim3A_3 : vector<16xf32> to vector<1x16xf32>
    tpu.vector_store %arg12[%swap3A_280, %swap3A_281], %swap3A_284 {strides = array<i32>} : memref<16x128xf32, #tpu.memory_space<vmem>>, vector<1x16xf32>,
    %swap3A_285 = arith.constant 5 : i32
    %swap3A_286 = arith.index_cast %swap3A_285 : i32 to index
    %swap3A_287 = arith.constant 112 : index
    %swap3A_288 = tpu.vector_load %arg12[%swap3A_286, %swap3A_287] {strides = array<i32>} : memref<16x128xf32, #tpu.memory_space<vmem>>, vector<1x16xf32>,
    %swap3A_289 = vector.shape_cast %swap3A_288 : vector<1x16xf32> to vector<16xf32>
    %swap3A_290 = vector.shape_cast %broadcast_in_dim3A_3 : vector<16xf32> to vector<1x16xf32>
    tpu.vector_store %arg12[%swap3A_286, %swap3A_287], %swap3A_290 {strides = array<i32>} : memref<16x128xf32, #tpu.memory_space<vmem>>, vector<1x16xf32>,
    %swap3A_291 = arith.constant 6 : i32
    %swap3A_292 = arith.index_cast %swap3A_291 : i32 to index
    %swap3A_293 = arith.constant 0 : index
    %swap3A_294 = tpu.vector_load %arg12[%swap3A_292, %swap3A_293] {strides = array<i32>} : memref<16x128xf32, #tpu.memory_space<vmem>>, vector<1x16xf32>,
    %swap3A_295 = vector.shape_cast %swap3A_294 : vector<1x16xf32> to vector<16xf32>
    %swap3A_296 = vector.shape_cast %broadcast_in_dim3A_3 : vector<16xf32> to vector<1x16xf32>
    tpu.vector_store %arg12[%swap3A_292, %swap3A_293], %swap3A_296 {strides = array<i32>} : memref<16x128xf32, #tpu.memory_space<vmem>>, vector<1x16xf32>,
    %swap3A_297 = arith.constant 6 : i32
    %swap3A_298 = arith.index_cast %swap3A_297 : i32 to index
    %swap3A_299 = arith.constant 16 : index
    %swap3A_300 = tpu.vector_load %arg12[%swap3A_298, %swap3A_299] {strides = array<i32>} : memref<16x128xf32, #tpu.memory_space<vmem>>, vector<1x16xf32>,
    %swap3A_301 = vector.shape_cast %swap3A_300 : vector<1x16xf32> to vector<16xf32>
    %swap3A_302 = vector.shape_cast %broadcast_in_dim3A_3 : vector<16xf32> to vector<1x16xf32>
    tpu.vector_store %arg12[%swap3A_298, %swap3A_299], %swap3A_302 {strides = array<i32>} : memref<16x128xf32, #tpu.memory_space<vmem>>, vector<1x16xf32>,
    %swap3A_303 = arith.constant 6 : i32
    %swap3A_304 = arith.index_cast %swap3A_303 : i32 to index
    %swap3A_305 = arith.constant 32 : index
    %swap3A_306 = tpu.vector_load %arg12[%swap3A_304, %swap3A_305] {strides = array<i32>} : memref<16x128xf32, #tpu.memory_space<vmem>>, vector<1x16xf32>,
    %swap3A_307 = vector.shape_cast %swap3A_306 : vector<1x16xf32> to vector<16xf32>
    %swap3A_308 = vector.shape_cast %broadcast_in_dim3A_3 : vector<16xf32> to vector<1x16xf32>
    tpu.vector_store %arg12[%swap3A_304, %swap3A_305], %swap3A_308 {strides = array<i32>} : memref<16x128xf32, #tpu.memory_space<vmem>>, vector<1x16xf32>,
    %swap3A_309 = arith.constant 6 : i32
    %swap3A_310 = arith.index_cast %swap3A_309 : i32 to index
    %swap3A_311 = arith.constant 48 : index
    %swap3A_312 = tpu.vector_load %arg12[%swap3A_310, %swap3A_311] {strides = array<i32>} : memref<16x128xf32, #tpu.memory_space<vmem>>, vector<1x16xf32>,
    %swap3A_313 = vector.shape_cast %swap3A_312 : vector<1x16xf32> to vector<16xf32>
    %swap3A_314 = vector.shape_cast %broadcast_in_dim3A_3 : vector<16xf32> to vector<1x16xf32>
    tpu.vector_store %arg12[%swap3A_310, %swap3A_311], %swap3A_314 {strides = array<i32>} : memref<16x128xf32, #tpu.memory_space<vmem>>, vector<1x16xf32>,
    %swap3A_315 = arith.constant 6 : i32
    %swap3A_316 = arith.index_cast %swap3A_315 : i32 to index
    %swap3A_317 = arith.constant 64 : index
    %swap3A_318 = tpu.vector_load %arg12[%swap3A_316, %swap3A_317] {strides = array<i32>} : memref<16x128xf32, #tpu.memory_space<vmem>>, vector<1x16xf32>,
    %swap3A_319 = vector.shape_cast %swap3A_318 : vector<1x16xf32> to vector<16xf32>
    %swap3A_320 = vector.shape_cast %broadcast_in_dim3A_3 : vector<16xf32> to vector<1x16xf32>
    tpu.vector_store %arg12[%swap3A_316, %swap3A_317], %swap3A_320 {strides = array<i32>} : memref<16x128xf32, #tpu.memory_space<vmem>>, vector<1x16xf32>,
    %swap3A_321 = arith.constant 6 : i32
    %swap3A_322 = arith.index_cast %swap3A_321 : i32 to index
    %swap3A_323 = arith.constant 80 : index
    %swap3A_324 = tpu.vector_load %arg12[%swap3A_322, %swap3A_323] {strides = array<i32>} : memref<16x128xf32, #tpu.memory_space<vmem>>, vector<1x16xf32>,
    %swap3A_325 = vector.shape_cast %swap3A_324 : vector<1x16xf32> to vector<16xf32>
    %swap3A_326 = vector.shape_cast %broadcast_in_dim3A_3 : vector<16xf32> to vector<1x16xf32>
    tpu.vector_store %arg12[%swap3A_322, %swap3A_323], %swap3A_326 {strides = array<i32>} : memref<16x128xf32, #tpu.memory_space<vmem>>, vector<1x16xf32>,
    %swap3A_327 = arith.constant 6 : i32
    %swap3A_328 = arith.index_cast %swap3A_327 : i32 to index
    %swap3A_329 = arith.constant 96 : index
    %swap3A_330 = tpu.vector_load %arg12[%swap3A_328, %swap3A_329] {strides = array<i32>} : memref<16x128xf32, #tpu.memory_space<vmem>>, vector<1x16xf32>,
    %swap3A_331 = vector.shape_cast %swap3A_330 : vector<1x16xf32> to vector<16xf32>
    %swap3A_332 = vector.shape_cast %broadcast_in_dim3A_3 : vector<16xf32> to vector<1x16xf32>
    tpu.vector_store %arg12[%swap3A_328, %swap3A_329], %swap3A_332 {strides = array<i32>} : memref<16x128xf32, #tpu.memory_space<vmem>>, vector<1x16xf32>,
    %swap3A_333 = arith.constant 6 : i32
    %swap3A_334 = arith.index_cast %swap3A_333 : i32 to index
    %swap3A_335 = arith.constant 112 : index
    %swap3A_336 = tpu.vector_load %arg12[%swap3A_334, %swap3A_335] {strides = array<i32>} : memref<16x128xf32, #tpu.memory_space<vmem>>, vector<1x16xf32>,
    %swap3A_337 = vector.shape_cast %swap3A_336 : vector<1x16xf32> to vector<16xf32>
    %swap3A_338 = vector.shape_cast %broadcast_in_dim3A_3 : vector<16xf32> to vector<1x16xf32>
    tpu.vector_store %arg12[%swap3A_334, %swap3A_335], %swap3A_338 {strides = array<i32>} : memref<16x128xf32, #tpu.memory_space<vmem>>, vector<1x16xf32>,
    %swap3A_339 = arith.constant 7 : i32
    %swap3A_340 = arith.index_cast %swap3A_339 : i32 to index
    %swap3A_341 = arith.constant 0 : index
    %swap3A_342 = tpu.vector_load %arg12[%swap3A_340, %swap3A_341] {strides = array<i32>} : memref<16x128xf32, #tpu.memory_space<vmem>>, vector<1x16xf32>,
    %swap3A_343 = vector.shape_cast %swap3A_342 : vector<1x16xf32> to vector<16xf32>
    %swap3A_344 = vector.shape_cast %broadcast_in_dim3A_3 : vector<16xf32> to vector<1x16xf32>
    tpu.vector_store %arg12[%swap3A_340, %swap3A_341], %swap3A_344 {strides = array<i32>} : memref<16x128xf32, #tpu.memory_space<vmem>>, vector<1x16xf32>,
    %swap3A_345 = arith.constant 7 : i32
    %swap3A_346 = arith.index_cast %swap3A_345 : i32 to index
    %swap3A_347 = arith.constant 16 : index
    %swap3A_348 = tpu.vector_load %arg12[%swap3A_346, %swap3A_347] {strides = array<i32>} : memref<16x128xf32, #tpu.memory_space<vmem>>, vector<1x16xf32>,
    %swap3A_349 = vector.shape_cast %swap3A_348 : vector<1x16xf32> to vector<16xf32>
    %swap3A_350 = vector.shape_cast %broadcast_in_dim3A_3 : vector<16xf32> to vector<1x16xf32>
    tpu.vector_store %arg12[%swap3A_346, %swap3A_347], %swap3A_350 {strides = array<i32>} : memref<16x128xf32, #tpu.memory_space<vmem>>, vector<1x16xf32>,
    %swap3A_351 = arith.constant 7 : i32
    %swap3A_352 = arith.index_cast %swap3A_351 : i32 to index
    %swap3A_353 = arith.constant 32 : index
    %swap3A_354 = tpu.vector_load %arg12[%swap3A_352, %swap3A_353] {strides = array<i32>} : memref<16x128xf32, #tpu.memory_space<vmem>>, vector<1x16xf32>,
    %swap3A_355 = vector.shape_cast %swap3A_354 : vector<1x16xf32> to vector<16xf32>
    %swap3A_356 = vector.shape_cast %broadcast_in_dim3A_3 : vector<16xf32> to vector<1x16xf32>
    tpu.vector_store %arg12[%swap3A_352, %swap3A_353], %swap3A_356 {strides = array<i32>} : memref<16x128xf32, #tpu.memory_space<vmem>>, vector<1x16xf32>,
    %swap3A_357 = arith.constant 7 : i32
    %swap3A_358 = arith.index_cast %swap3A_357 : i32 to index
    %swap3A_359 = arith.constant 48 : index
    %swap3A_360 = tpu.vector_load %arg12[%swap3A_358, %swap3A_359] {strides = array<i32>} : memref<16x128xf32, #tpu.memory_space<vmem>>, vector<1x16xf32>,
    %swap3A_361 = vector.shape_cast %swap3A_360 : vector<1x16xf32> to vector<16xf32>
    %swap3A_362 = vector.shape_cast %broadcast_in_dim3A_3 : vector<16xf32> to vector<1x16xf32>
    tpu.vector_store %arg12[%swap3A_358, %swap3A_359], %swap3A_362 {strides = array<i32>} : memref<16x128xf32, #tpu.memory_space<vmem>>, vector<1x16xf32>,
    %swap3A_363 = arith.constant 7 : i32
    %swap3A_364 = arith.index_cast %swap3A_363 : i32 to index
    %swap3A_365 = arith.constant 64 : index
    %swap3A_366 = tpu.vector_load %arg12[%swap3A_364, %swap3A_365] {strides = array<i32>} : memref<16x128xf32, #tpu.memory_space<vmem>>, vector<1x16xf32>,
    %swap3A_367 = vector.shape_cast %swap3A_366 : vector<1x16xf32> to vector<16xf32>
    %swap3A_368 = vector.shape_cast %broadcast_in_dim3A_3 : vector<16xf32> to vector<1x16xf32>
    tpu.vector_store %arg12[%swap3A_364, %swap3A_365], %swap3A_368 {strides = array<i32>} : memref<16x128xf32, #tpu.memory_space<vmem>>, vector<1x16xf32>,
    %swap3A_369 = arith.constant 7 : i32
    %swap3A_370 = arith.index_cast %swap3A_369 : i32 to index
    %swap3A_371 = arith.constant 80 : index
    %swap3A_372 = tpu.vector_load %arg12[%swap3A_370, %swap3A_371] {strides = array<i32>} : memref<16x128xf32, #tpu.memory_space<vmem>>, vector<1x16xf32>,
    %swap3A_373 = vector.shape_cast %swap3A_372 : vector<1x16xf32> to vector<16xf32>
    %swap3A_374 = vector.shape_cast %broadcast_in_dim3A_3 : vector<16xf32> to vector<1x16xf32>
    tpu.vector_store %arg12[%swap3A_370, %swap3A_371], %swap3A_374 {strides = array<i32>} : memref<16x128xf32, #tpu.memory_space<vmem>>, vector<1x16xf32>,
    %swap3A_375 = arith.constant 7 : i32
    %swap3A_376 = arith.index_cast %swap3A_375 : i32 to index
    %swap3A_377 = arith.constant 96 : index
    %swap3A_378 = tpu.vector_load %arg12[%swap3A_376, %swap3A_377] {strides = array<i32>} : memref<16x128xf32, #tpu.memory_space<vmem>>, vector<1x16xf32>,
    %swap3A_379 = vector.shape_cast %swap3A_378 : vector<1x16xf32> to vector<16xf32>
    %swap3A_380 = vector.shape_cast %broadcast_in_dim3A_3 : vector<16xf32> to vector<1x16xf32>
    tpu.vector_store %arg12[%swap3A_376, %swap3A_377], %swap3A_380 {strides = array<i32>} : memref<16x128xf32, #tpu.memory_space<vmem>>, vector<1x16xf32>,
    %swap3A_381 = arith.constant 7 : i32
    %swap3A_382 = arith.index_cast %swap3A_381 : i32 to index
    %swap3A_383 = arith.constant 112 : index
    %swap3A_384 = tpu.vector_load %arg12[%swap3A_382, %swap3A_383] {strides = array<i32>} : memref<16x128xf32, #tpu.memory_space<vmem>>, vector<1x16xf32>,
    %swap3A_385 = vector.shape_cast %swap3A_384 : vector<1x16xf32> to vector<16xf32>
    %swap3A_386 = vector.shape_cast %broadcast_in_dim3A_3 : vector<16xf32> to vector<1x16xf32>
    tpu.vector_store %arg12[%swap3A_382, %swap3A_383], %swap3A_386 {strides = array<i32>} : memref<16x128xf32, #tpu.memory_space<vmem>>, vector<1x16xf32>,
    %swap3A_387 = arith.constant 8 : i32
    %swap3A_388 = arith.index_cast %swap3A_387 : i32 to index
    %swap3A_389 = arith.constant 0 : index
    %swap3A_390 = tpu.vector_load %arg12[%swap3A_388, %swap3A_389] {strides = array<i32>} : memref<16x128xf32, #tpu.memory_space<vmem>>, vector<1x16xf32>,
    %swap3A_391 = vector.shape_cast %swap3A_390 : vector<1x16xf32> to vector<16xf32>
    %swap3A_392 = vector.shape_cast %broadcast_in_dim3A_3 : vector<16xf32> to vector<1x16xf32>
    tpu.vector_store %arg12[%swap3A_388, %swap3A_389], %swap3A_392 {strides = array<i32>} : memref<16x128xf32, #tpu.memory_space<vmem>>, vector<1x16xf32>,
    %swap3A_393 = arith.constant 8 : i32
    %swap3A_394 = arith.index_cast %swap3A_393 : i32 to index
    %swap3A_395 = arith.constant 16 : index
    %swap3A_396 = tpu.vector_load %arg12[%swap3A_394, %swap3A_395] {strides = array<i32>} : memref<16x128xf32, #tpu.memory_space<vmem>>, vector<1x16xf32>,
    %swap3A_397 = vector.shape_cast %swap3A_396 : vector<1x16xf32> to vector<16xf32>
    %swap3A_398 = vector.shape_cast %broadcast_in_dim3A_3 : vector<16xf32> to vector<1x16xf32>
    tpu.vector_store %arg12[%swap3A_394, %swap3A_395], %swap3A_398 {strides = array<i32>} : memref<16x128xf32, #tpu.memory_space<vmem>>, vector<1x16xf32>,
    %swap3A_399 = arith.constant 8 : i32
    %swap3A_400 = arith.index_cast %swap3A_399 : i32 to index
    %swap3A_401 = arith.constant 32 : index
    %swap3A_402 = tpu.vector_load %arg12[%swap3A_400, %swap3A_401] {strides = array<i32>} : memref<16x128xf32, #tpu.memory_space<vmem>>, vector<1x16xf32>,
    %swap3A_403 = vector.shape_cast %swap3A_402 : vector<1x16xf32> to vector<16xf32>
    %swap3A_404 = vector.shape_cast %broadcast_in_dim3A_3 : vector<16xf32> to vector<1x16xf32>
    tpu.vector_store %arg12[%swap3A_400, %swap3A_401], %swap3A_404 {strides = array<i32>} : memref<16x128xf32, #tpu.memory_space<vmem>>, vector<1x16xf32>,
    %swap3A_405 = arith.constant 8 : i32
    %swap3A_406 = arith.index_cast %swap3A_405 : i32 to index
    %swap3A_407 = arith.constant 48 : index
    %swap3A_408 = tpu.vector_load %arg12[%swap3A_406, %swap3A_407] {strides = array<i32>} : memref<16x128xf32, #tpu.memory_space<vmem>>, vector<1x16xf32>,
    %swap3A_409 = vector.shape_cast %swap3A_408 : vector<1x16xf32> to vector<16xf32>
    %swap3A_410 = vector.shape_cast %broadcast_in_dim3A_3 : vector<16xf32> to vector<1x16xf32>
    tpu.vector_store %arg12[%swap3A_406, %swap3A_407], %swap3A_410 {strides = array<i32>} : memref<16x128xf32, #tpu.memory_space<vmem>>, vector<1x16xf32>,
    %swap3A_411 = arith.constant 8 : i32
    %swap3A_412 = arith.index_cast %swap3A_411 : i32 to index
    %swap3A_413 = arith.constant 64 : index
    %swap3A_414 = tpu.vector_load %arg12[%swap3A_412, %swap3A_413] {strides = array<i32>} : memref<16x128xf32, #tpu.memory_space<vmem>>, vector<1x16xf32>,
    %swap3A_415 = vector.shape_cast %swap3A_414 : vector<1x16xf32> to vector<16xf32>
    %swap3A_416 = vector.shape_cast %broadcast_in_dim3A_3 : vector<16xf32> to vector<1x16xf32>
    tpu.vector_store %arg12[%swap3A_412, %swap3A_413], %swap3A_416 {strides = array<i32>} : memref<16x128xf32, #tpu.memory_space<vmem>>, vector<1x16xf32>,
    %swap3A_417 = arith.constant 8 : i32
    %swap3A_418 = arith.index_cast %swap3A_417 : i32 to index
    %swap3A_419 = arith.constant 80 : index
    %swap3A_420 = tpu.vector_load %arg12[%swap3A_418, %swap3A_419] {strides = array<i32>} : memref<16x128xf32, #tpu.memory_space<vmem>>, vector<1x16xf32>,
    %swap3A_421 = vector.shape_cast %swap3A_420 : vector<1x16xf32> to vector<16xf32>
    %swap3A_422 = vector.shape_cast %broadcast_in_dim3A_3 : vector<16xf32> to vector<1x16xf32>
    tpu.vector_store %arg12[%swap3A_418, %swap3A_419], %swap3A_422 {strides = array<i32>} : memref<16x128xf32, #tpu.memory_space<vmem>>, vector<1x16xf32>,
    %swap3A_423 = arith.constant 8 : i32
    %swap3A_424 = arith.index_cast %swap3A_423 : i32 to index
    %swap3A_425 = arith.constant 96 : index
    %swap3A_426 = tpu.vector_load %arg12[%swap3A_424, %swap3A_425] {strides = array<i32>} : memref<16x128xf32, #tpu.memory_space<vmem>>, vector<1x16xf32>,
    %swap3A_427 = vector.shape_cast %swap3A_426 : vector<1x16xf32> to vector<16xf32>
    %swap3A_428 = vector.shape_cast %broadcast_in_dim3A_3 : vector<16xf32> to vector<1x16xf32>
    tpu.vector_store %arg12[%swap3A_424, %swap3A_425], %swap3A_428 {strides = array<i32>} : memref<16x128xf32, #tpu.memory_space<vmem>>, vector<1x16xf32>,
    %swap3A_429 = arith.constant 8 : i32
    %swap3A_430 = arith.index_cast %swap3A_429 : i32 to index
    %swap3A_431 = arith.constant 112 : index
    %swap3A_432 = tpu.vector_load %arg12[%swap3A_430, %swap3A_431] {strides = array<i32>} : memref<16x128xf32, #tpu.memory_space<vmem>>, vector<1x16xf32>,
    %swap3A_433 = vector.shape_cast %swap3A_432 : vector<1x16xf32> to vector<16xf32>
    %swap3A_434 = vector.shape_cast %broadcast_in_dim3A_3 : vector<16xf32> to vector<1x16xf32>
    tpu.vector_store %arg12[%swap3A_430, %swap3A_431], %swap3A_434 {strides = array<i32>} : memref<16x128xf32, #tpu.memory_space<vmem>>, vector<1x16xf32>,
    %swap3A_435 = arith.constant 9 : i32
    %swap3A_436 = arith.index_cast %swap3A_435 : i32 to index
    %swap3A_437 = arith.constant 0 : index
    %swap3A_438 = tpu.vector_load %arg12[%swap3A_436, %swap3A_437] {strides = array<i32>} : memref<16x128xf32, #tpu.memory_space<vmem>>, vector<1x16xf32>,
    %swap3A_439 = vector.shape_cast %swap3A_438 : vector<1x16xf32> to vector<16xf32>
    %swap3A_440 = vector.shape_cast %broadcast_in_dim3A_3 : vector<16xf32> to vector<1x16xf32>
    tpu.vector_store %arg12[%swap3A_436, %swap3A_437], %swap3A_440 {strides = array<i32>} : memref<16x128xf32, #tpu.memory_space<vmem>>, vector<1x16xf32>,
    %swap3A_441 = arith.constant 9 : i32
    %swap3A_442 = arith.index_cast %swap3A_441 : i32 to index
    %swap3A_443 = arith.constant 16 : index
    %swap3A_444 = tpu.vector_load %arg12[%swap3A_442, %swap3A_443] {strides = array<i32>} : memref<16x128xf32, #tpu.memory_space<vmem>>, vector<1x16xf32>,
    %swap3A_445 = vector.shape_cast %swap3A_444 : vector<1x16xf32> to vector<16xf32>
    %swap3A_446 = vector.shape_cast %broadcast_in_dim3A_3 : vector<16xf32> to vector<1x16xf32>
    tpu.vector_store %arg12[%swap3A_442, %swap3A_443], %swap3A_446 {strides = array<i32>} : memref<16x128xf32, #tpu.memory_space<vmem>>, vector<1x16xf32>,
    %swap3A_447 = arith.constant 9 : i32
    %swap3A_448 = arith.index_cast %swap3A_447 : i32 to index
    %swap3A_449 = arith.constant 32 : index
    %swap3A_450 = tpu.vector_load %arg12[%swap3A_448, %swap3A_449] {strides = array<i32>} : memref<16x128xf32, #tpu.memory_space<vmem>>, vector<1x16xf32>,
    %swap3A_451 = vector.shape_cast %swap3A_450 : vector<1x16xf32> to vector<16xf32>
    %swap3A_452 = vector.shape_cast %broadcast_in_dim3A_3 : vector<16xf32> to vector<1x16xf32>
    tpu.vector_store %arg12[%swap3A_448, %swap3A_449], %swap3A_452 {strides = array<i32>} : memref<16x128xf32, #tpu.memory_space<vmem>>, vector<1x16xf32>,
    %swap3A_453 = arith.constant 9 : i32
    %swap3A_454 = arith.index_cast %swap3A_453 : i32 to index
    %swap3A_455 = arith.constant 48 : index
    %swap3A_456 = tpu.vector_load %arg12[%swap3A_454, %swap3A_455] {strides = array<i32>} : memref<16x128xf32, #tpu.memory_space<vmem>>, vector<1x16xf32>,
    %swap3A_457 = vector.shape_cast %swap3A_456 : vector<1x16xf32> to vector<16xf32>
    %swap3A_458 = vector.shape_cast %broadcast_in_dim3A_3 : vector<16xf32> to vector<1x16xf32>
    tpu.vector_store %arg12[%swap3A_454, %swap3A_455], %swap3A_458 {strides = array<i32>} : memref<16x128xf32, #tpu.memory_space<vmem>>, vector<1x16xf32>,
    %swap3A_459 = arith.constant 9 : i32
    %swap3A_460 = arith.index_cast %swap3A_459 : i32 to index
    %swap3A_461 = arith.constant 64 : index
    %swap3A_462 = tpu.vector_load %arg12[%swap3A_460, %swap3A_461] {strides = array<i32>} : memref<16x128xf32, #tpu.memory_space<vmem>>, vector<1x16xf32>,
    %swap3A_463 = vector.shape_cast %swap3A_462 : vector<1x16xf32> to vector<16xf32>
    %swap3A_464 = vector.shape_cast %broadcast_in_dim3A_3 : vector<16xf32> to vector<1x16xf32>
    tpu.vector_store %arg12[%swap3A_460, %swap3A_461], %swap3A_464 {strides = array<i32>} : memref<16x128xf32, #tpu.memory_space<vmem>>, vector<1x16xf32>,
    %swap3A_465 = arith.constant 9 : i32
    %swap3A_466 = arith.index_cast %swap3A_465 : i32 to index
    %swap3A_467 = arith.constant 80 : index
    %swap3A_468 = tpu.vector_load %arg12[%swap3A_466, %swap3A_467] {strides = array<i32>} : memref<16x128xf32, #tpu.memory_space<vmem>>, vector<1x16xf32>,
    %swap3A_469 = vector.shape_cast %swap3A_468 : vector<1x16xf32> to vector<16xf32>
    %swap3A_470 = vector.shape_cast %broadcast_in_dim3A_3 : vector<16xf32> to vector<1x16xf32>
    tpu.vector_store %arg12[%swap3A_466, %swap3A_467], %swap3A_470 {strides = array<i32>} : memref<16x128xf32, #tpu.memory_space<vmem>>, vector<1x16xf32>,
    %swap3A_471 = arith.constant 9 : i32
    %swap3A_472 = arith.index_cast %swap3A_471 : i32 to index
    %swap3A_473 = arith.constant 96 : index
    %swap3A_474 = tpu.vector_load %arg12[%swap3A_472, %swap3A_473] {strides = array<i32>} : memref<16x128xf32, #tpu.memory_space<vmem>>, vector<1x16xf32>,
    %swap3A_475 = vector.shape_cast %swap3A_474 : vector<1x16xf32> to vector<16xf32>
    %swap3A_476 = vector.shape_cast %broadcast_in_dim3A_3 : vector<16xf32> to vector<1x16xf32>
    tpu.vector_store %arg12[%swap3A_472, %swap3A_473], %swap3A_476 {strides = array<i32>} : memref<16x128xf32, #tpu.memory_space<vmem>>, vector<1x16xf32>,
    %swap3A_477 = arith.constant 9 : i32
    %swap3A_478 = arith.index_cast %swap3A_477 : i32 to index
    %swap3A_479 = arith.constant 112 : index
    %swap3A_480 = tpu.vector_load %arg12[%swap3A_478, %swap3A_479] {strides = array<i32>} : memref<16x128xf32, #tpu.memory_space<vmem>>, vector<1x16xf32>,
    %swap3A_481 = vector.shape_cast %swap3A_480 : vector<1x16xf32> to vector<16xf32>
    %swap3A_482 = vector.shape_cast %broadcast_in_dim3A_3 : vector<16xf32> to vector<1x16xf32>
    tpu.vector_store %arg12[%swap3A_478, %swap3A_479], %swap3A_482 {strides = array<i32>} : memref<16x128xf32, #tpu.memory_space<vmem>>, vector<1x16xf32>,
    %swap3A_483 = arith.constant 10 : i32
    %swap3A_484 = arith.index_cast %swap3A_483 : i32 to index
    %swap3A_485 = arith.constant 0 : index
    %swap3A_486 = tpu.vector_load %arg12[%swap3A_484, %swap3A_485] {strides = array<i32>} : memref<16x128xf32, #tpu.memory_space<vmem>>, vector<1x16xf32>,
    %swap3A_487 = vector.shape_cast %swap3A_486 : vector<1x16xf32> to vector<16xf32>
    %swap3A_488 = vector.shape_cast %broadcast_in_dim3A_3 : vector<16xf32> to vector<1x16xf32>
    tpu.vector_store %arg12[%swap3A_484, %swap3A_485], %swap3A_488 {strides = array<i32>} : memref<16x128xf32, #tpu.memory_space<vmem>>, vector<1x16xf32>,
    %swap3A_489 = arith.constant 10 : i32
    %swap3A_490 = arith.index_cast %swap3A_489 : i32 to index
    %swap3A_491 = arith.constant 16 : index
    %swap3A_492 = tpu.vector_load %arg12[%swap3A_490, %swap3A_491] {strides = array<i32>} : memref<16x128xf32, #tpu.memory_space<vmem>>, vector<1x16xf32>,
    %swap3A_493 = vector.shape_cast %swap3A_492 : vector<1x16xf32> to vector<16xf32>
    %swap3A_494 = vector.shape_cast %broadcast_in_dim3A_3 : vector<16xf32> to vector<1x16xf32>
    tpu.vector_store %arg12[%swap3A_490, %swap3A_491], %swap3A_494 {strides = array<i32>} : memref<16x128xf32, #tpu.memory_space<vmem>>, vector<1x16xf32>,
    %swap3A_495 = arith.constant 10 : i32
    %swap3A_496 = arith.index_cast %swap3A_495 : i32 to index
    %swap3A_497 = arith.constant 32 : index
    %swap3A_498 = tpu.vector_load %arg12[%swap3A_496, %swap3A_497] {strides = array<i32>} : memref<16x128xf32, #tpu.memory_space<vmem>>, vector<1x16xf32>,
    %swap3A_499 = vector.shape_cast %swap3A_498 : vector<1x16xf32> to vector<16xf32>
    %swap3A_500 = vector.shape_cast %broadcast_in_dim3A_3 : vector<16xf32> to vector<1x16xf32>
    tpu.vector_store %arg12[%swap3A_496, %swap3A_497], %swap3A_500 {strides = array<i32>} : memref<16x128xf32, #tpu.memory_space<vmem>>, vector<1x16xf32>,
    %swap3A_501 = arith.constant 10 : i32
    %swap3A_502 = arith.index_cast %swap3A_501 : i32 to index
    %swap3A_503 = arith.constant 48 : index
    %swap3A_504 = tpu.vector_load %arg12[%swap3A_502, %swap3A_503] {strides = array<i32>} : memref<16x128xf32, #tpu.memory_space<vmem>>, vector<1x16xf32>,
    %swap3A_505 = vector.shape_cast %swap3A_504 : vector<1x16xf32> to vector<16xf32>
    %swap3A_506 = vector.shape_cast %broadcast_in_dim3A_3 : vector<16xf32> to vector<1x16xf32>
    tpu.vector_store %arg12[%swap3A_502, %swap3A_503], %swap3A_506 {strides = array<i32>} : memref<16x128xf32, #tpu.memory_space<vmem>>, vector<1x16xf32>,
    %swap3A_507 = arith.constant 10 : i32
    %swap3A_508 = arith.index_cast %swap3A_507 : i32 to index
    %swap3A_509 = arith.constant 64 : index
    %swap3A_510 = tpu.vector_load %arg12[%swap3A_508, %swap3A_509] {strides = array<i32>} : memref<16x128xf32, #tpu.memory_space<vmem>>, vector<1x16xf32>,
    %swap3A_511 = vector.shape_cast %swap3A_510 : vector<1x16xf32> to vector<16xf32>
    %swap3A_512 = vector.shape_cast %broadcast_in_dim3A_3 : vector<16xf32> to vector<1x16xf32>
    tpu.vector_store %arg12[%swap3A_508, %swap3A_509], %swap3A_512 {strides = array<i32>} : memref<16x128xf32, #tpu.memory_space<vmem>>, vector<1x16xf32>,
    %swap3A_513 = arith.constant 10 : i32
    %swap3A_514 = arith.index_cast %swap3A_513 : i32 to index
    %swap3A_515 = arith.constant 80 : index
    %swap3A_516 = tpu.vector_load %arg12[%swap3A_514, %swap3A_515] {strides = array<i32>} : memref<16x128xf32, #tpu.memory_space<vmem>>, vector<1x16xf32>,
    %swap3A_517 = vector.shape_cast %swap3A_516 : vector<1x16xf32> to vector<16xf32>
    %swap3A_518 = vector.shape_cast %broadcast_in_dim3A_3 : vector<16xf32> to vector<1x16xf32>
    tpu.vector_store %arg12[%swap3A_514, %swap3A_515], %swap3A_518 {strides = array<i32>} : memref<16x128xf32, #tpu.memory_space<vmem>>, vector<1x16xf32>,
    %swap3A_519 = arith.constant 10 : i32
    %swap3A_520 = arith.index_cast %swap3A_519 : i32 to index
    %swap3A_521 = arith.constant 96 : index
    %swap3A_522 = tpu.vector_load %arg12[%swap3A_520, %swap3A_521] {strides = array<i32>} : memref<16x128xf32, #tpu.memory_space<vmem>>, vector<1x16xf32>,
    %swap3A_523 = vector.shape_cast %swap3A_522 : vector<1x16xf32> to vector<16xf32>
    %swap3A_524 = vector.shape_cast %broadcast_in_dim3A_3 : vector<16xf32> to vector<1x16xf32>
    tpu.vector_store %arg12[%swap3A_520, %swap3A_521], %swap3A_524 {strides = array<i32>} : memref<16x128xf32, #tpu.memory_space<vmem>>, vector<1x16xf32>,
    %swap3A_525 = arith.constant 10 : i32
    %swap3A_526 = arith.index_cast %swap3A_525 : i32 to index
    %swap3A_527 = arith.constant 112 : index
    %swap3A_528 = tpu.vector_load %arg12[%swap3A_526, %swap3A_527] {strides = array<i32>} : memref<16x128xf32, #tpu.memory_space<vmem>>, vector<1x16xf32>,
    %swap3A_529 = vector.shape_cast %swap3A_528 : vector<1x16xf32> to vector<16xf32>
    %swap3A_530 = vector.shape_cast %broadcast_in_dim3A_3 : vector<16xf32> to vector<1x16xf32>
    tpu.vector_store %arg12[%swap3A_526, %swap3A_527], %swap3A_530 {strides = array<i32>} : memref<16x128xf32, #tpu.memory_space<vmem>>, vector<1x16xf32>,
    %swap3A_531 = arith.constant 11 : i32
    %swap3A_532 = arith.index_cast %swap3A_531 : i32 to index
    %swap3A_533 = arith.constant 0 : index
    %swap3A_534 = tpu.vector_load %arg12[%swap3A_532, %swap3A_533] {strides = array<i32>} : memref<16x128xf32, #tpu.memory_space<vmem>>, vector<1x16xf32>,
    %swap3A_535 = vector.shape_cast %swap3A_534 : vector<1x16xf32> to vector<16xf32>
    %swap3A_536 = vector.shape_cast %broadcast_in_dim3A_3 : vector<16xf32> to vector<1x16xf32>
    tpu.vector_store %arg12[%swap3A_532, %swap3A_533], %swap3A_536 {strides = array<i32>} : memref<16x128xf32, #tpu.memory_space<vmem>>, vector<1x16xf32>,
    %swap3A_537 = arith.constant 11 : i32
    %swap3A_538 = arith.index_cast %swap3A_537 : i32 to index
    %swap3A_539 = arith.constant 16 : index
    %swap3A_540 = tpu.vector_load %arg12[%swap3A_538, %swap3A_539] {strides = array<i32>} : memref<16x128xf32, #tpu.memory_space<vmem>>, vector<1x16xf32>,
    %swap3A_541 = vector.shape_cast %swap3A_540 : vector<1x16xf32> to vector<16xf32>
    %swap3A_542 = vector.shape_cast %broadcast_in_dim3A_3 : vector<16xf32> to vector<1x16xf32>
    tpu.vector_store %arg12[%swap3A_538, %swap3A_539], %swap3A_542 {strides = array<i32>} : memref<16x128xf32, #tpu.memory_space<vmem>>, vector<1x16xf32>,
    %swap3A_543 = arith.constant 11 : i32
    %swap3A_544 = arith.index_cast %swap3A_543 : i32 to index
    %swap3A_545 = arith.constant 32 : index
    %swap3A_546 = tpu.vector_load %arg12[%swap3A_544, %swap3A_545] {strides = array<i32>} : memref<16x128xf32, #tpu.memory_space<vmem>>, vector<1x16xf32>,
    %swap3A_547 = vector.shape_cast %swap3A_546 : vector<1x16xf32> to vector<16xf32>
    %swap3A_548 = vector.shape_cast %broadcast_in_dim3A_3 : vector<16xf32> to vector<1x16xf32>
    tpu.vector_store %arg12[%swap3A_544, %swap3A_545], %swap3A_548 {strides = array<i32>} : memref<16x128xf32, #tpu.memory_space<vmem>>, vector<1x16xf32>,
    %swap3A_549 = arith.constant 11 : i32
    %swap3A_550 = arith.index_cast %swap3A_549 : i32 to index
    %swap3A_551 = arith.constant 48 : index
    %swap3A_552 = tpu.vector_load %arg12[%swap3A_550, %swap3A_551] {strides = array<i32>} : memref<16x128xf32, #tpu.memory_space<vmem>>, vector<1x16xf32>,
    %swap3A_553 = vector.shape_cast %swap3A_552 : vector<1x16xf32> to vector<16xf32>
    %swap3A_554 = vector.shape_cast %broadcast_in_dim3A_3 : vector<16xf32> to vector<1x16xf32>
    tpu.vector_store %arg12[%swap3A_550, %swap3A_551], %swap3A_554 {strides = array<i32>} : memref<16x128xf32, #tpu.memory_space<vmem>>, vector<1x16xf32>,
    %swap3A_555 = arith.constant 11 : i32
    %swap3A_556 = arith.index_cast %swap3A_555 : i32 to index
    %swap3A_557 = arith.constant 64 : index
    %swap3A_558 = tpu.vector_load %arg12[%swap3A_556, %swap3A_557] {strides = array<i32>} : memref<16x128xf32, #tpu.memory_space<vmem>>, vector<1x16xf32>,
    %swap3A_559 = vector.shape_cast %swap3A_558 : vector<1x16xf32> to vector<16xf32>
    %swap3A_560 = vector.shape_cast %broadcast_in_dim3A_3 : vector<16xf32> to vector<1x16xf32>
    tpu.vector_store %arg12[%swap3A_556, %swap3A_557], %swap3A_560 {strides = array<i32>} : memref<16x128xf32, #tpu.memory_space<vmem>>, vector<1x16xf32>,
    %swap3A_561 = arith.constant 11 : i32
    %swap3A_562 = arith.index_cast %swap3A_561 : i32 to index
    %swap3A_563 = arith.constant 80 : index
    %swap3A_564 = tpu.vector_load %arg12[%swap3A_562, %swap3A_563] {strides = array<i32>} : memref<16x128xf32, #tpu.memory_space<vmem>>, vector<1x16xf32>,
    %swap3A_565 = vector.shape_cast %swap3A_564 : vector<1x16xf32> to vector<16xf32>
    %swap3A_566 = vector.shape_cast %broadcast_in_dim3A_3 : vector<16xf32> to vector<1x16xf32>
    tpu.vector_store %arg12[%swap3A_562, %swap3A_563], %swap3A_566 {strides = array<i32>} : memref<16x128xf32, #tpu.memory_space<vmem>>, vector<1x16xf32>,
    %swap3A_567 = arith.constant 11 : i32
    %swap3A_568 = arith.index_cast %swap3A_567 : i32 to index
    %swap3A_569 = arith.constant 96 : index
    %swap3A_570 = tpu.vector_load %arg12[%swap3A_568, %swap3A_569] {strides = array<i32>} : memref<16x128xf32, #tpu.memory_space<vmem>>, vector<1x16xf32>,
    %swap3A_571 = vector.shape_cast %swap3A_570 : vector<1x16xf32> to vector<16xf32>
    %swap3A_572 = vector.shape_cast %broadcast_in_dim3A_3 : vector<16xf32> to vector<1x16xf32>
    tpu.vector_store %arg12[%swap3A_568, %swap3A_569], %swap3A_572 {strides = array<i32>} : memref<16x128xf32, #tpu.memory_space<vmem>>, vector<1x16xf32>,
    %swap3A_573 = arith.constant 11 : i32
    %swap3A_574 = arith.index_cast %swap3A_573 : i32 to index
    %swap3A_575 = arith.constant 112 : index
    %swap3A_576 = tpu.vector_load %arg12[%swap3A_574, %swap3A_575] {strides = array<i32>} : memref<16x128xf32, #tpu.memory_space<vmem>>, vector<1x16xf32>,
    %swap3A_577 = vector.shape_cast %swap3A_576 : vector<1x16xf32> to vector<16xf32>
    %swap3A_578 = vector.shape_cast %broadcast_in_dim3A_3 : vector<16xf32> to vector<1x16xf32>
    tpu.vector_store %arg12[%swap3A_574, %swap3A_575], %swap3A_578 {strides = array<i32>} : memref<16x128xf32, #tpu.memory_space<vmem>>, vector<1x16xf32>,
    %swap3A_579 = arith.constant 12 : i32
    %swap3A_580 = arith.index_cast %swap3A_579 : i32 to index
    %swap3A_581 = arith.constant 0 : index
    %swap3A_582 = tpu.vector_load %arg12[%swap3A_580, %swap3A_581] {strides = array<i32>} : memref<16x128xf32, #tpu.memory_space<vmem>>, vector<1x16xf32>,
    %swap3A_583 = vector.shape_cast %swap3A_582 : vector<1x16xf32> to vector<16xf32>
    %swap3A_584 = vector.shape_cast %broadcast_in_dim3A_3 : vector<16xf32> to vector<1x16xf32>
    tpu.vector_store %arg12[%swap3A_580, %swap3A_581], %swap3A_584 {strides = array<i32>} : memref<16x128xf32, #tpu.memory_space<vmem>>, vector<1x16xf32>,
    %swap3A_585 = arith.constant 12 : i32
    %swap3A_586 = arith.index_cast %swap3A_585 : i32 to index
    %swap3A_587 = arith.constant 16 : index
    %swap3A_588 = tpu.vector_load %arg12[%swap3A_586, %swap3A_587] {strides = array<i32>} : memref<16x128xf32, #tpu.memory_space<vmem>>, vector<1x16xf32>,
    %swap3A_589 = vector.shape_cast %swap3A_588 : vector<1x16xf32> to vector<16xf32>
    %swap3A_590 = vector.shape_cast %broadcast_in_dim3A_3 : vector<16xf32> to vector<1x16xf32>
    tpu.vector_store %arg12[%swap3A_586, %swap3A_587], %swap3A_590 {strides = array<i32>} : memref<16x128xf32, #tpu.memory_space<vmem>>, vector<1x16xf32>,
    %swap3A_591 = arith.constant 12 : i32
    %swap3A_592 = arith.index_cast %swap3A_591 : i32 to index
    %swap3A_593 = arith.constant 32 : index
    %swap3A_594 = tpu.vector_load %arg12[%swap3A_592, %swap3A_593] {strides = array<i32>} : memref<16x128xf32, #tpu.memory_space<vmem>>, vector<1x16xf32>,
    %swap3A_595 = vector.shape_cast %swap3A_594 : vector<1x16xf32> to vector<16xf32>
    %swap3A_596 = vector.shape_cast %broadcast_in_dim3A_3 : vector<16xf32> to vector<1x16xf32>
    tpu.vector_store %arg12[%swap3A_592, %swap3A_593], %swap3A_596 {strides = array<i32>} : memref<16x128xf32, #tpu.memory_space<vmem>>, vector<1x16xf32>,
    %swap3A_597 = arith.constant 12 : i32
    %swap3A_598 = arith.index_cast %swap3A_597 : i32 to index
    %swap3A_599 = arith.constant 48 : index
    %swap3A_600 = tpu.vector_load %arg12[%swap3A_598, %swap3A_599] {strides = array<i32>} : memref<16x128xf32, #tpu.memory_space<vmem>>, vector<1x16xf32>,
    %swap3A_601 = vector.shape_cast %swap3A_600 : vector<1x16xf32> to vector<16xf32>
    %swap3A_602 = vector.shape_cast %broadcast_in_dim3A_3 : vector<16xf32> to vector<1x16xf32>
    tpu.vector_store %arg12[%swap3A_598, %swap3A_599], %swap3A_602 {strides = array<i32>} : memref<16x128xf32, #tpu.memory_space<vmem>>, vector<1x16xf32>,
    %swap3A_603 = arith.constant 12 : i32
    %swap3A_604 = arith.index_cast %swap3A_603 : i32 to index
    %swap3A_605 = arith.constant 64 : index
    %swap3A_606 = tpu.vector_load %arg12[%swap3A_604, %swap3A_605] {strides = array<i32>} : memref<16x128xf32, #tpu.memory_space<vmem>>, vector<1x16xf32>,
    %swap3A_607 = vector.shape_cast %swap3A_606 : vector<1x16xf32> to vector<16xf32>
    %swap3A_608 = vector.shape_cast %broadcast_in_dim3A_3 : vector<16xf32> to vector<1x16xf32>
    tpu.vector_store %arg12[%swap3A_604, %swap3A_605], %swap3A_608 {strides = array<i32>} : memref<16x128xf32, #tpu.memory_space<vmem>>, vector<1x16xf32>,
    %swap3A_609 = arith.constant 12 : i32
    %swap3A_610 = arith.index_cast %swap3A_609 : i32 to index
    %swap3A_611 = arith.constant 80 : index
    %swap3A_612 = tpu.vector_load %arg12[%swap3A_610, %swap3A_611] {strides = array<i32>} : memref<16x128xf32, #tpu.memory_space<vmem>>, vector<1x16xf32>,
    %swap3A_613 = vector.shape_cast %swap3A_612 : vector<1x16xf32> to vector<16xf32>
    %swap3A_614 = vector.shape_cast %broadcast_in_dim3A_3 : vector<16xf32> to vector<1x16xf32>
    tpu.vector_store %arg12[%swap3A_610, %swap3A_611], %swap3A_614 {strides = array<i32>} : memref<16x128xf32, #tpu.memory_space<vmem>>, vector<1x16xf32>,
    %swap3A_615 = arith.constant 12 : i32
    %swap3A_616 = arith.index_cast %swap3A_615 : i32 to index
    %swap3A_617 = arith.constant 96 : index
    %swap3A_618 = tpu.vector_load %arg12[%swap3A_616, %swap3A_617] {strides = array<i32>} : memref<16x128xf32, #tpu.memory_space<vmem>>, vector<1x16xf32>,
    %swap3A_619 = vector.shape_cast %swap3A_618 : vector<1x16xf32> to vector<16xf32>
    %swap3A_620 = vector.shape_cast %broadcast_in_dim3A_3 : vector<16xf32> to vector<1x16xf32>
    tpu.vector_store %arg12[%swap3A_616, %swap3A_617], %swap3A_620 {strides = array<i32>} : memref<16x128xf32, #tpu.memory_space<vmem>>, vector<1x16xf32>,
    %swap3A_621 = arith.constant 12 : i32
    %swap3A_622 = arith.index_cast %swap3A_621 : i32 to index
    %swap3A_623 = arith.constant 112 : index
    %swap3A_624 = tpu.vector_load %arg12[%swap3A_622, %swap3A_623] {strides = array<i32>} : memref<16x128xf32, #tpu.memory_space<vmem>>, vector<1x16xf32>,
    %swap3A_625 = vector.shape_cast %swap3A_624 : vector<1x16xf32> to vector<16xf32>
    %swap3A_626 = vector.shape_cast %broadcast_in_dim3A_3 : vector<16xf32> to vector<1x16xf32>
    tpu.vector_store %arg12[%swap3A_622, %swap3A_623], %swap3A_626 {strides = array<i32>} : memref<16x128xf32, #tpu.memory_space<vmem>>, vector<1x16xf32>,
    %swap3A_627 = arith.constant 13 : i32
    %swap3A_628 = arith.index_cast %swap3A_627 : i32 to index
    %swap3A_629 = arith.constant 0 : index
    %swap3A_630 = tpu.vector_load %arg12[%swap3A_628, %swap3A_629] {strides = array<i32>} : memref<16x128xf32, #tpu.memory_space<vmem>>, vector<1x16xf32>,
    %swap3A_631 = vector.shape_cast %swap3A_630 : vector<1x16xf32> to vector<16xf32>
    %swap3A_632 = vector.shape_cast %broadcast_in_dim3A_3 : vector<16xf32> to vector<1x16xf32>
    tpu.vector_store %arg12[%swap3A_628, %swap3A_629], %swap3A_632 {strides = array<i32>} : memref<16x128xf32, #tpu.memory_space<vmem>>, vector<1x16xf32>,
    %swap3A_633 = arith.constant 13 : i32
    %swap3A_634 = arith.index_cast %swap3A_633 : i32 to index
    %swap3A_635 = arith.constant 16 : index
    %swap3A_636 = tpu.vector_load %arg12[%swap3A_634, %swap3A_635] {strides = array<i32>} : memref<16x128xf32, #tpu.memory_space<vmem>>, vector<1x16xf32>,
    %swap3A_637 = vector.shape_cast %swap3A_636 : vector<1x16xf32> to vector<16xf32>
    %swap3A_638 = vector.shape_cast %broadcast_in_dim3A_3 : vector<16xf32> to vector<1x16xf32>
    tpu.vector_store %arg12[%swap3A_634, %swap3A_635], %swap3A_638 {strides = array<i32>} : memref<16x128xf32, #tpu.memory_space<vmem>>, vector<1x16xf32>,
    %swap3A_639 = arith.constant 13 : i32
    %swap3A_640 = arith.index_cast %swap3A_639 : i32 to index
    %swap3A_641 = arith.constant 32 : index
    %swap3A_642 = tpu.vector_load %arg12[%swap3A_640, %swap3A_641] {strides = array<i32>} : memref<16x128xf32, #tpu.memory_space<vmem>>, vector<1x16xf32>,
    %swap3A_643 = vector.shape_cast %swap3A_642 : vector<1x16xf32> to vector<16xf32>
    %swap3A_644 = vector.shape_cast %broadcast_in_dim3A_3 : vector<16xf32> to vector<1x16xf32>
    tpu.vector_store %arg12[%swap3A_640, %swap3A_641], %swap3A_644 {strides = array<i32>} : memref<16x128xf32, #tpu.memory_space<vmem>>, vector<1x16xf32>,
    %swap3A_645 = arith.constant 13 : i32
    %swap3A_646 = arith.index_cast %swap3A_645 : i32 to index
    %swap3A_647 = arith.constant 48 : index
    %swap3A_648 = tpu.vector_load %arg12[%swap3A_646, %swap3A_647] {strides = array<i32>} : memref<16x128xf32, #tpu.memory_space<vmem>>, vector<1x16xf32>,
    %swap3A_649 = vector.shape_cast %swap3A_648 : vector<1x16xf32> to vector<16xf32>
    %swap3A_650 = vector.shape_cast %broadcast_in_dim3A_3 : vector<16xf32> to vector<1x16xf32>
    tpu.vector_store %arg12[%swap3A_646, %swap3A_647], %swap3A_650 {strides = array<i32>} : memref<16x128xf32, #tpu.memory_space<vmem>>, vector<1x16xf32>,
    %swap3A_651 = arith.constant 13 : i32
    %swap3A_652 = arith.index_cast %swap3A_651 : i32 to index
    %swap3A_653 = arith.constant 64 : index
    %swap3A_654 = tpu.vector_load %arg12[%swap3A_652, %swap3A_653] {strides = array<i32>} : memref<16x128xf32, #tpu.memory_space<vmem>>, vector<1x16xf32>,
    %swap3A_655 = vector.shape_cast %swap3A_654 : vector<1x16xf32> to vector<16xf32>
    %swap3A_656 = vector.shape_cast %broadcast_in_dim3A_3 : vector<16xf32> to vector<1x16xf32>
    tpu.vector_store %arg12[%swap3A_652, %swap3A_653], %swap3A_656 {strides = array<i32>} : memref<16x128xf32, #tpu.memory_space<vmem>>, vector<1x16xf32>,
    %swap3A_657 = arith.constant 13 : i32
    %swap3A_658 = arith.index_cast %swap3A_657 : i32 to index
    %swap3A_659 = arith.constant 80 : index
    %swap3A_660 = tpu.vector_load %arg12[%swap3A_658, %swap3A_659] {strides = array<i32>} : memref<16x128xf32, #tpu.memory_space<vmem>>, vector<1x16xf32>,
    %swap3A_661 = vector.shape_cast %swap3A_660 : vector<1x16xf32> to vector<16xf32>
    %swap3A_662 = vector.shape_cast %broadcast_in_dim3A_3 : vector<16xf32> to vector<1x16xf32>
    tpu.vector_store %arg12[%swap3A_658, %swap3A_659], %swap3A_662 {strides = array<i32>} : memref<16x128xf32, #tpu.memory_space<vmem>>, vector<1x16xf32>,
    %swap3A_663 = arith.constant 13 : i32
    %swap3A_664 = arith.index_cast %swap3A_663 : i32 to index
    %swap3A_665 = arith.constant 96 : index
    %swap3A_666 = tpu.vector_load %arg12[%swap3A_664, %swap3A_665] {strides = array<i32>} : memref<16x128xf32, #tpu.memory_space<vmem>>, vector<1x16xf32>,
    %swap3A_667 = vector.shape_cast %swap3A_666 : vector<1x16xf32> to vector<16xf32>
    %swap3A_668 = vector.shape_cast %broadcast_in_dim3A_3 : vector<16xf32> to vector<1x16xf32>
    tpu.vector_store %arg12[%swap3A_664, %swap3A_665], %swap3A_668 {strides = array<i32>} : memref<16x128xf32, #tpu.memory_space<vmem>>, vector<1x16xf32>,
    %swap3A_669 = arith.constant 13 : i32
    %swap3A_670 = arith.index_cast %swap3A_669 : i32 to index
    %swap3A_671 = arith.constant 112 : index
    %swap3A_672 = tpu.vector_load %arg12[%swap3A_670, %swap3A_671] {strides = array<i32>} : memref<16x128xf32, #tpu.memory_space<vmem>>, vector<1x16xf32>,
    %swap3A_673 = vector.shape_cast %swap3A_672 : vector<1x16xf32> to vector<16xf32>
    %swap3A_674 = vector.shape_cast %broadcast_in_dim3A_3 : vector<16xf32> to vector<1x16xf32>
    tpu.vector_store %arg12[%swap3A_670, %swap3A_671], %swap3A_674 {strides = array<i32>} : memref<16x128xf32, #tpu.memory_space<vmem>>, vector<1x16xf32>,
    %swap3A_675 = arith.constant 14 : i32
    %swap3A_676 = arith.index_cast %swap3A_675 : i32 to index
    %swap3A_677 = arith.constant 0 : index
    %swap3A_678 = tpu.vector_load %arg12[%swap3A_676, %swap3A_677] {strides = array<i32>} : memref<16x128xf32, #tpu.memory_space<vmem>>, vector<1x16xf32>,
    %swap3A_679 = vector.shape_cast %swap3A_678 : vector<1x16xf32> to vector<16xf32>
    %swap3A_680 = vector.shape_cast %broadcast_in_dim3A_3 : vector<16xf32> to vector<1x16xf32>
    tpu.vector_store %arg12[%swap3A_676, %swap3A_677], %swap3A_680 {strides = array<i32>} : memref<16x128xf32, #tpu.memory_space<vmem>>, vector<1x16xf32>,
    %swap3A_681 = arith.constant 14 : i32
    %swap3A_682 = arith.index_cast %swap3A_681 : i32 to index
    %swap3A_683 = arith.constant 16 : index
    %swap3A_684 = tpu.vector_load %arg12[%swap3A_682, %swap3A_683] {strides = array<i32>} : memref<16x128xf32, #tpu.memory_space<vmem>>, vector<1x16xf32>,
    %swap3A_685 = vector.shape_cast %swap3A_684 : vector<1x16xf32> to vector<16xf32>
    %swap3A_686 = vector.shape_cast %broadcast_in_dim3A_3 : vector<16xf32> to vector<1x16xf32>
    tpu.vector_store %arg12[%swap3A_682, %swap3A_683], %swap3A_686 {strides = array<i32>} : memref<16x128xf32, #tpu.memory_space<vmem>>, vector<1x16xf32>,
    %swap3A_687 = arith.constant 14 : i32
    %swap3A_688 = arith.index_cast %swap3A_687 : i32 to index
    %swap3A_689 = arith.constant 32 : index
    %swap3A_690 = tpu.vector_load %arg12[%swap3A_688, %swap3A_689] {strides = array<i32>} : memref<16x128xf32, #tpu.memory_space<vmem>>, vector<1x16xf32>,
    %swap3A_691 = vector.shape_cast %swap3A_690 : vector<1x16xf32> to vector<16xf32>
    %swap3A_692 = vector.shape_cast %broadcast_in_dim3A_3 : vector<16xf32> to vector<1x16xf32>
    tpu.vector_store %arg12[%swap3A_688, %swap3A_689], %swap3A_692 {strides = array<i32>} : memref<16x128xf32, #tpu.memory_space<vmem>>, vector<1x16xf32>,
    %swap3A_693 = arith.constant 14 : i32
    %swap3A_694 = arith.index_cast %swap3A_693 : i32 to index
    %swap3A_695 = arith.constant 48 : index
    %swap3A_696 = tpu.vector_load %arg12[%swap3A_694, %swap3A_695] {strides = array<i32>} : memref<16x128xf32, #tpu.memory_space<vmem>>, vector<1x16xf32>,
    %swap3A_697 = vector.shape_cast %swap3A_696 : vector<1x16xf32> to vector<16xf32>
    %swap3A_698 = vector.shape_cast %broadcast_in_dim3A_3 : vector<16xf32> to vector<1x16xf32>
    tpu.vector_store %arg12[%swap3A_694, %swap3A_695], %swap3A_698 {strides = array<i32>} : memref<16x128xf32, #tpu.memory_space<vmem>>, vector<1x16xf32>,
    %swap3A_699 = arith.constant 14 : i32
    %swap3A_700 = arith.index_cast %swap3A_699 : i32 to index
    %swap3A_701 = arith.constant 64 : index
    %swap3A_702 = tpu.vector_load %arg12[%swap3A_700, %swap3A_701] {strides = array<i32>} : memref<16x128xf32, #tpu.memory_space<vmem>>, vector<1x16xf32>,
    %swap3A_703 = vector.shape_cast %swap3A_702 : vector<1x16xf32> to vector<16xf32>
    %swap3A_704 = vector.shape_cast %broadcast_in_dim3A_3 : vector<16xf32> to vector<1x16xf32>
    tpu.vector_store %arg12[%swap3A_700, %swap3A_701], %swap3A_704 {strides = array<i32>} : memref<16x128xf32, #tpu.memory_space<vmem>>, vector<1x16xf32>,
    %swap3A_705 = arith.constant 14 : i32
    %swap3A_706 = arith.index_cast %swap3A_705 : i32 to index
    %swap3A_707 = arith.constant 80 : index
    %swap3A_708 = tpu.vector_load %arg12[%swap3A_706, %swap3A_707] {strides = array<i32>} : memref<16x128xf32, #tpu.memory_space<vmem>>, vector<1x16xf32>,
    %swap3A_709 = vector.shape_cast %swap3A_708 : vector<1x16xf32> to vector<16xf32>
    %swap3A_710 = vector.shape_cast %broadcast_in_dim3A_3 : vector<16xf32> to vector<1x16xf32>
    tpu.vector_store %arg12[%swap3A_706, %swap3A_707], %swap3A_710 {strides = array<i32>} : memref<16x128xf32, #tpu.memory_space<vmem>>, vector<1x16xf32>,
    %swap3A_711 = arith.constant 14 : i32
    %swap3A_712 = arith.index_cast %swap3A_711 : i32 to index
    %swap3A_713 = arith.constant 96 : index
    %swap3A_714 = tpu.vector_load %arg12[%swap3A_712, %swap3A_713] {strides = array<i32>} : memref<16x128xf32, #tpu.memory_space<vmem>>, vector<1x16xf32>,
    %swap3A_715 = vector.shape_cast %swap3A_714 : vector<1x16xf32> to vector<16xf32>
    %swap3A_716 = vector.shape_cast %broadcast_in_dim3A_3 : vector<16xf32> to vector<1x16xf32>
    tpu.vector_store %arg12[%swap3A_712, %swap3A_713], %swap3A_716 {strides = array<i32>} : memref<16x128xf32, #tpu.memory_space<vmem>>, vector<1x16xf32>,
    %swap3A_717 = arith.constant 14 : i32
    %swap3A_718 = arith.index_cast %swap3A_717 : i32 to index
    %swap3A_719 = arith.constant 112 : index
    %swap3A_720 = tpu.vector_load %arg12[%swap3A_718, %swap3A_719] {strides = array<i32>} : memref<16x128xf32, #tpu.memory_space<vmem>>, vector<1x16xf32>,
    %swap3A_721 = vector.shape_cast %swap3A_720 : vector<1x16xf32> to vector<16xf32>
    %swap3A_722 = vector.shape_cast %broadcast_in_dim3A_3 : vector<16xf32> to vector<1x16xf32>
    tpu.vector_store %arg12[%swap3A_718, %swap3A_719], %swap3A_722 {strides = array<i32>} : memref<16x128xf32, #tpu.memory_space<vmem>>, vector<1x16xf32>,
    %swap3A_723 = arith.constant 15 : i32
    %swap3A_724 = arith.index_cast %swap3A_723 : i32 to index
    %swap3A_725 = arith.constant 0 : index
    %swap3A_726 = tpu.vector_load %arg12[%swap3A_724, %swap3A_725] {strides = array<i32>} : memref<16x128xf32, #tpu.memory_space<vmem>>, vector<1x16xf32>,
    %swap3A_727 = vector.shape_cast %swap3A_726 : vector<1x16xf32> to vector<16xf32>
    %swap3A_728 = vector.shape_cast %broadcast_in_dim3A_3 : vector<16xf32> to vector<1x16xf32>
    tpu.vector_store %arg12[%swap3A_724, %swap3A_725], %swap3A_728 {strides = array<i32>} : memref<16x128xf32, #tpu.memory_space<vmem>>, vector<1x16xf32>,
    %swap3A_729 = arith.constant 15 : i32
    %swap3A_730 = arith.index_cast %swap3A_729 : i32 to index
    %swap3A_731 = arith.constant 16 : index
    %swap3A_732 = tpu.vector_load %arg12[%swap3A_730, %swap3A_731] {strides = array<i32>} : memref<16x128xf32, #tpu.memory_space<vmem>>, vector<1x16xf32>,
    %swap3A_733 = vector.shape_cast %swap3A_732 : vector<1x16xf32> to vector<16xf32>
    %swap3A_734 = vector.shape_cast %broadcast_in_dim3A_3 : vector<16xf32> to vector<1x16xf32>
    tpu.vector_store %arg12[%swap3A_730, %swap3A_731], %swap3A_734 {strides = array<i32>} : memref<16x128xf32, #tpu.memory_space<vmem>>, vector<1x16xf32>,
    %swap3A_735 = arith.constant 15 : i32
    %swap3A_736 = arith.index_cast %swap3A_735 : i32 to index
    %swap3A_737 = arith.constant 32 : index
    %swap3A_738 = tpu.vector_load %arg12[%swap3A_736, %swap3A_737] {strides = array<i32>} : memref<16x128xf32, #tpu.memory_space<vmem>>, vector<1x16xf32>,
    %swap3A_739 = vector.shape_cast %swap3A_738 : vector<1x16xf32> to vector<16xf32>
    %swap3A_740 = vector.shape_cast %broadcast_in_dim3A_3 : vector<16xf32> to vector<1x16xf32>
    tpu.vector_store %arg12[%swap3A_736, %swap3A_737], %swap3A_740 {strides = array<i32>} : memref<16x128xf32, #tpu.memory_space<vmem>>, vector<1x16xf32>,
    %swap3A_741 = arith.constant 15 : i32
    %swap3A_742 = arith.index_cast %swap3A_741 : i32 to index
    %swap3A_743 = arith.constant 48 : index
    %swap3A_744 = tpu.vector_load %arg12[%swap3A_742, %swap3A_743] {strides = array<i32>} : memref<16x128xf32, #tpu.memory_space<vmem>>, vector<1x16xf32>,
    %swap3A_745 = vector.shape_cast %swap3A_744 : vector<1x16xf32> to vector<16xf32>
    %swap3A_746 = vector.shape_cast %broadcast_in_dim3A_3 : vector<16xf32> to vector<1x16xf32>
    tpu.vector_store %arg12[%swap3A_742, %swap3A_743], %swap3A_746 {strides = array<i32>} : memref<16x128xf32, #tpu.memory_space<vmem>>, vector<1x16xf32>,
    %swap3A_747 = arith.constant 15 : i32
    %swap3A_748 = arith.index_cast %swap3A_747 : i32 to index
    %swap3A_749 = arith.constant 64 : index
    %swap3A_750 = tpu.vector_load %arg12[%swap3A_748, %swap3A_749] {strides = array<i32>} : memref<16x128xf32, #tpu.memory_space<vmem>>, vector<1x16xf32>,
    %swap3A_751 = vector.shape_cast %swap3A_750 : vector<1x16xf32> to vector<16xf32>
    %swap3A_752 = vector.shape_cast %broadcast_in_dim3A_3 : vector<16xf32> to vector<1x16xf32>
    tpu.vector_store %arg12[%swap3A_748, %swap3A_749], %swap3A_752 {strides = array<i32>} : memref<16x128xf32, #tpu.memory_space<vmem>>, vector<1x16xf32>,
    %swap3A_753 = arith.constant 15 : i32
    %swap3A_754 = arith.index_cast %swap3A_753 : i32 to index
    %swap3A_755 = arith.constant 80 : index
    %swap3A_756 = tpu.vector_load %arg12[%swap3A_754, %swap3A_755] {strides = array<i32>} : memref<16x128xf32, #tpu.memory_space<vmem>>, vector<1x16xf32>,
    %swap3A_757 = vector.shape_cast %swap3A_756 : vector<1x16xf32> to vector<16xf32>
    %swap3A_758 = vector.shape_cast %broadcast_in_dim3A_3 : vector<16xf32> to vector<1x16xf32>
    tpu.vector_store %arg12[%swap3A_754, %swap3A_755], %swap3A_758 {strides = array<i32>} : memref<16x128xf32, #tpu.memory_space<vmem>>, vector<1x16xf32>,
    %swap3A_759 = arith.constant 15 : i32
    %swap3A_760 = arith.index_cast %swap3A_759 : i32 to index
    %swap3A_761 = arith.constant 96 : index
    %swap3A_762 = tpu.vector_load %arg12[%swap3A_760, %swap3A_761] {strides = array<i32>} : memref<16x128xf32, #tpu.memory_space<vmem>>, vector<1x16xf32>,
    %swap3A_763 = vector.shape_cast %swap3A_762 : vector<1x16xf32> to vector<16xf32>
    %swap3A_764 = vector.shape_cast %broadcast_in_dim3A_3 : vector<16xf32> to vector<1x16xf32>
    tpu.vector_store %arg12[%swap3A_760, %swap3A_761], %swap3A_764 {strides = array<i32>} : memref<16x128xf32, #tpu.memory_space<vmem>>, vector<1x16xf32>,
    %swap3A_765 = arith.constant 15 : i32
    %swap3A_766 = arith.index_cast %swap3A_765 : i32 to index
    %swap3A_767 = arith.constant 112 : index
    %swap3A_768 = tpu.vector_load %arg12[%swap3A_766, %swap3A_767] {strides = array<i32>} : memref<16x128xf32, #tpu.memory_space<vmem>>, vector<1x16xf32>,
    %swap3A_769 = vector.shape_cast %swap3A_768 : vector<1x16xf32> to vector<16xf32>
    %swap3A_770 = vector.shape_cast %broadcast_in_dim3A_3 : vector<16xf32> to vector<1x16xf32>
    tpu.vector_store %arg12[%swap3A_766, %swap3A_767], %swap3A_770 {strides = array<i32>} : memref<16x128xf32, #tpu.memory_space<vmem>>, vector<1x16xf32>,
    %mul3A_771 = arith.constant 624 : i32
    %mul3A_772 = arith.muli %arg1, %mul3A_771 : i32
    %add3A_773 = arith.constant 0 : i32
    %add3A_774 = arith.addi %mul3A_772, %add3A_773 : i32
    "tpu.region"() ({
      %run_scoped3A = tpu.sem_alloc : memref<!tpu.dma_semaphore, #tpu.memory_space<semaphore_mem>>
      %dma_start3A_951 = arith.constant 0 : i32
      %dma_start3A_952 = tpu.memref_slice %arg13[%add3A_774, %dma_start3A_951] : memref<10000x128xf32, #tpu.memory_space<vmem_shared>> -> memref<16x128xf32, #tpu.memory_space<vmem_shared>>
      %dma_start3A_953 = arith.constant 0 : i32
      %dma_start3A_954 = tpu.memref_slice %arg13[%add3A_774, %dma_start3A_953] : memref<10000x128xf32, #tpu.memory_space<vmem_shared>> -> memref<16x128xf32, #tpu.memory_space<vmem_shared>>
      tpu.enqueue_dma source(%arg12 : memref<16x128xf32, #tpu.memory_space<vmem>>) target(%dma_start3A_954 : memref<16x128xf32, #tpu.memory_space<vmem_shared>>) target_semaphore(%run_scoped3A : memref<!tpu.dma_semaphore, #tpu.memory_space<semaphore_mem>>)
      %dma_wait3A_955 = arith.constant 0 : i32
      %dma_wait3A_956 = tpu.memref_slice %arg13[%add3A_774, %dma_wait3A_955] : memref<10000x128xf32, #tpu.memory_space<vmem_shared>> -> memref<16x128xf32, #tpu.memory_space<vmem_shared>>
      %dma_wait3A_957 = arith.constant 0 : i32
      %dma_wait3A_958 = tpu.memref_slice %arg13[%add3A_774, %dma_wait3A_957] : memref<10000x128xf32, #tpu.memory_space<vmem_shared>> -> memref<16x128xf32, #tpu.memory_space<vmem_shared>>
      tpu.wait_dma2 semaphore(%run_scoped3A : memref<!tpu.dma_semaphore, #tpu.memory_space<semaphore_mem>>) src(%arg12 : memref<16x128xf32, #tpu.memory_space<vmem>>) dst(%dma_wait3A_958 : memref<16x128xf32, #tpu.memory_space<vmem_shared>>)
      tpu.yield
    }) : () -> ()
    %mul3A_775 = arith.constant 624 : i32
    %mul3A_776 = arith.muli %arg1, %mul3A_775 : i32
    %add3A_777 = arith.constant 16 : i32
    %add3A_778 = arith.addi %mul3A_776, %add3A_777 : i32
    "tpu.region"() ({
      %run_scoped3A = tpu.sem_alloc : memref<!tpu.dma_semaphore, #tpu.memory_space<semaphore_mem>>
      %dma_start3A_951 = arith.constant 0 : i32
      %dma_start3A_952 = tpu.memref_slice %arg13[%add3A_778, %dma_start3A_951] : memref<10000x128xf32, #tpu.memory_space<vmem_shared>> -> memref<16x128xf32, #tpu.memory_space<vmem_shared>>
      %dma_start3A_953 = arith.constant 0 : i32
      %dma_start3A_954 = tpu.memref_slice %arg13[%add3A_778, %dma_start3A_953] : memref<10000x128xf32, #tpu.memory_space<vmem_shared>> -> memref<16x128xf32, #tpu.memory_space<vmem_shared>>
      tpu.enqueue_dma source(%arg12 : memref<16x128xf32, #tpu.memory_space<vmem>>) target(%dma_start3A_954 : memref<16x128xf32, #tpu.memory_space<vmem_shared>>) target_semaphore(%run_scoped3A : memref<!tpu.dma_semaphore, #tpu.memory_space<semaphore_mem>>)
      %dma_wait3A_955 = arith.constant 0 : i32
      %dma_wait3A_956 = tpu.memref_slice %arg13[%add3A_778, %dma_wait3A_955] : memref<10000x128xf32, #tpu.memory_space<vmem_shared>> -> memref<16x128xf32, #tpu.memory_space<vmem_shared>>
      %dma_wait3A_957 = arith.constant 0 : i32
      %dma_wait3A_958 = tpu.memref_slice %arg13[%add3A_778, %dma_wait3A_957] : memref<10000x128xf32, #tpu.memory_space<vmem_shared>> -> memref<16x128xf32, #tpu.memory_space<vmem_shared>>
      tpu.wait_dma2 semaphore(%run_scoped3A : memref<!tpu.dma_semaphore, #tpu.memory_space<semaphore_mem>>) src(%arg12 : memref<16x128xf32, #tpu.memory_space<vmem>>) dst(%dma_wait3A_958 : memref<16x128xf32, #tpu.memory_space<vmem_shared>>)
      tpu.yield
    }) : () -> ()
    %mul3A_779 = arith.constant 624 : i32
    %mul3A_780 = arith.muli %arg1, %mul3A_779 : i32
    %add3A_781 = arith.constant 32 : i32
    %add3A_782 = arith.addi %mul3A_780, %add3A_781 : i32
    "tpu.region"() ({
      %run_scoped3A = tpu.sem_alloc : memref<!tpu.dma_semaphore, #tpu.memory_space<semaphore_mem>>
      %dma_start3A_951 = arith.constant 0 : i32
      %dma_start3A_952 = tpu.memref_slice %arg13[%add3A_782, %dma_start3A_951] : memref<10000x128xf32, #tpu.memory_space<vmem_shared>> -> memref<16x128xf32, #tpu.memory_space<vmem_shared>>
      %dma_start3A_953 = arith.constant 0 : i32
      %dma_start3A_954 = tpu.memref_slice %arg13[%add3A_782, %dma_start3A_953] : memref<10000x128xf32, #tpu.memory_space<vmem_shared>> -> memref<16x128xf32, #tpu.memory_space<vmem_shared>>
      tpu.enqueue_dma source(%arg12 : memref<16x128xf32, #tpu.memory_space<vmem>>) target(%dma_start3A_954 : memref<16x128xf32, #tpu.memory_space<vmem_shared>>) target_semaphore(%run_scoped3A : memref<!tpu.dma_semaphore, #tpu.memory_space<semaphore_mem>>)
      %dma_wait3A_955 = arith.constant 0 : i32
      %dma_wait3A_956 = tpu.memref_slice %arg13[%add3A_782, %dma_wait3A_955] : memref<10000x128xf32, #tpu.memory_space<vmem_shared>> -> memref<16x128xf32, #tpu.memory_space<vmem_shared>>
      %dma_wait3A_957 = arith.constant 0 : i32
      %dma_wait3A_958 = tpu.memref_slice %arg13[%add3A_782, %dma_wait3A_957] : memref<10000x128xf32, #tpu.memory_space<vmem_shared>> -> memref<16x128xf32, #tpu.memory_space<vmem_shared>>
      tpu.wait_dma2 semaphore(%run_scoped3A : memref<!tpu.dma_semaphore, #tpu.memory_space<semaphore_mem>>) src(%arg12 : memref<16x128xf32, #tpu.memory_space<vmem>>) dst(%dma_wait3A_958 : memref<16x128xf32, #tpu.memory_space<vmem_shared>>)
      tpu.yield
    }) : () -> ()
    %mul3A_783 = arith.constant 624 : i32
    %mul3A_784 = arith.muli %arg1, %mul3A_783 : i32
    %add3A_785 = arith.constant 48 : i32
    %add3A_786 = arith.addi %mul3A_784, %add3A_785 : i32
    "tpu.region"() ({
      %run_scoped3A = tpu.sem_alloc : memref<!tpu.dma_semaphore, #tpu.memory_space<semaphore_mem>>
      %dma_start3A_951 = arith.constant 0 : i32
      %dma_start3A_952 = tpu.memref_slice %arg13[%add3A_786, %dma_start3A_951] : memref<10000x128xf32, #tpu.memory_space<vmem_shared>> -> memref<16x128xf32, #tpu.memory_space<vmem_shared>>
      %dma_start3A_953 = arith.constant 0 : i32
      %dma_start3A_954 = tpu.memref_slice %arg13[%add3A_786, %dma_start3A_953] : memref<10000x128xf32, #tpu.memory_space<vmem_shared>> -> memref<16x128xf32, #tpu.memory_space<vmem_shared>>
      tpu.enqueue_dma source(%arg12 : memref<16x128xf32, #tpu.memory_space<vmem>>) target(%dma_start3A_954 : memref<16x128xf32, #tpu.memory_space<vmem_shared>>) target_semaphore(%run_scoped3A : memref<!tpu.dma_semaphore, #tpu.memory_space<semaphore_mem>>)
      %dma_wait3A_955 = arith.constant 0 : i32
      %dma_wait3A_956 = tpu.memref_slice %arg13[%add3A_786, %dma_wait3A_955] : memref<10000x128xf32, #tpu.memory_space<vmem_shared>> -> memref<16x128xf32, #tpu.memory_space<vmem_shared>>
      %dma_wait3A_957 = arith.constant 0 : i32
      %dma_wait3A_958 = tpu.memref_slice %arg13[%add3A_786, %dma_wait3A_957] : memref<10000x128xf32, #tpu.memory_space<vmem_shared>> -> memref<16x128xf32, #tpu.memory_space<vmem_shared>>
      tpu.wait_dma2 semaphore(%run_scoped3A : memref<!tpu.dma_semaphore, #tpu.memory_space<semaphore_mem>>) src(%arg12 : memref<16x128xf32, #tpu.memory_space<vmem>>) dst(%dma_wait3A_958 : memref<16x128xf32, #tpu.memory_space<vmem_shared>>)
      tpu.yield
    }) : () -> ()
    %mul3A_787 = arith.constant 624 : i32
    %mul3A_788 = arith.muli %arg1, %mul3A_787 : i32
    %add3A_789 = arith.constant 64 : i32
    %add3A_790 = arith.addi %mul3A_788, %add3A_789 : i32
    "tpu.region"() ({
      %run_scoped3A = tpu.sem_alloc : memref<!tpu.dma_semaphore, #tpu.memory_space<semaphore_mem>>
      %dma_start3A_951 = arith.constant 0 : i32
      %dma_start3A_952 = tpu.memref_slice %arg13[%add3A_790, %dma_start3A_951] : memref<10000x128xf32, #tpu.memory_space<vmem_shared>> -> memref<16x128xf32, #tpu.memory_space<vmem_shared>>
      %dma_start3A_953 = arith.constant 0 : i32
      %dma_start3A_954 = tpu.memref_slice %arg13[%add3A_790, %dma_start3A_953] : memref<10000x128xf32, #tpu.memory_space<vmem_shared>> -> memref<16x128xf32, #tpu.memory_space<vmem_shared>>
      tpu.enqueue_dma source(%arg12 : memref<16x128xf32, #tpu.memory_space<vmem>>) target(%dma_start3A_954 : memref<16x128xf32, #tpu.memory_space<vmem_shared>>) target_semaphore(%run_scoped3A : memref<!tpu.dma_semaphore, #tpu.memory_space<semaphore_mem>>)
      %dma_wait3A_955 = arith.constant 0 : i32
      %dma_wait3A_956 = tpu.memref_slice %arg13[%add3A_790, %dma_wait3A_955] : memref<10000x128xf32, #tpu.memory_space<vmem_shared>> -> memref<16x128xf32, #tpu.memory_space<vmem_shared>>
      %dma_wait3A_957 = arith.constant 0 : i32
      %dma_wait3A_958 = tpu.memref_slice %arg13[%add3A_790, %dma_wait3A_957] : memref<10000x128xf32, #tpu.memory_space<vmem_shared>> -> memref<16x128xf32, #tpu.memory_space<vmem_shared>>
      tpu.wait_dma2 semaphore(%run_scoped3A : memref<!tpu.dma_semaphore, #tpu.memory_space<semaphore_mem>>) src(%arg12 : memref<16x128xf32, #tpu.memory_space<vmem>>) dst(%dma_wait3A_958 : memref<16x128xf32, #tpu.memory_space<vmem_shared>>)
      tpu.yield
    }) : () -> ()
    %mul3A_791 = arith.constant 624 : i32
    %mul3A_792 = arith.muli %arg1, %mul3A_791 : i32
    %add3A_793 = arith.constant 80 : i32
    %add3A_794 = arith.addi %mul3A_792, %add3A_793 : i32
    "tpu.region"() ({
      %run_scoped3A = tpu.sem_alloc : memref<!tpu.dma_semaphore, #tpu.memory_space<semaphore_mem>>
      %dma_start3A_951 = arith.constant 0 : i32
      %dma_start3A_952 = tpu.memref_slice %arg13[%add3A_794, %dma_start3A_951] : memref<10000x128xf32, #tpu.memory_space<vmem_shared>> -> memref<16x128xf32, #tpu.memory_space<vmem_shared>>
      %dma_start3A_953 = arith.constant 0 : i32
      %dma_start3A_954 = tpu.memref_slice %arg13[%add3A_794, %dma_start3A_953] : memref<10000x128xf32, #tpu.memory_space<vmem_shared>> -> memref<16x128xf32, #tpu.memory_space<vmem_shared>>
      tpu.enqueue_dma source(%arg12 : memref<16x128xf32, #tpu.memory_space<vmem>>) target(%dma_start3A_954 : memref<16x128xf32, #tpu.memory_space<vmem_shared>>) target_semaphore(%run_scoped3A : memref<!tpu.dma_semaphore, #tpu.memory_space<semaphore_mem>>)
      %dma_wait3A_955 = arith.constant 0 : i32
      %dma_wait3A_956 = tpu.memref_slice %arg13[%add3A_794, %dma_wait3A_955] : memref<10000x128xf32, #tpu.memory_space<vmem_shared>> -> memref<16x128xf32, #tpu.memory_space<vmem_shared>>
      %dma_wait3A_957 = arith.constant 0 : i32
      %dma_wait3A_958 = tpu.memref_slice %arg13[%add3A_794, %dma_wait3A_957] : memref<10000x128xf32, #tpu.memory_space<vmem_shared>> -> memref<16x128xf32, #tpu.memory_space<vmem_shared>>
      tpu.wait_dma2 semaphore(%run_scoped3A : memref<!tpu.dma_semaphore, #tpu.memory_space<semaphore_mem>>) src(%arg12 : memref<16x128xf32, #tpu.memory_space<vmem>>) dst(%dma_wait3A_958 : memref<16x128xf32, #tpu.memory_space<vmem_shared>>)
      tpu.yield
    }) : () -> ()
    %mul3A_795 = arith.constant 624 : i32
    %mul3A_796 = arith.muli %arg1, %mul3A_795 : i32
    %add3A_797 = arith.constant 96 : i32
    %add3A_798 = arith.addi %mul3A_796, %add3A_797 : i32
    "tpu.region"() ({
      %run_scoped3A = tpu.sem_alloc : memref<!tpu.dma_semaphore, #tpu.memory_space<semaphore_mem>>
      %dma_start3A_951 = arith.constant 0 : i32
      %dma_start3A_952 = tpu.memref_slice %arg13[%add3A_798, %dma_start3A_951] : memref<10000x128xf32, #tpu.memory_space<vmem_shared>> -> memref<16x128xf32, #tpu.memory_space<vmem_shared>>
      %dma_start3A_953 = arith.constant 0 : i32
      %dma_start3A_954 = tpu.memref_slice %arg13[%add3A_798, %dma_start3A_953] : memref<10000x128xf32, #tpu.memory_space<vmem_shared>> -> memref<16x128xf32, #tpu.memory_space<vmem_shared>>
      tpu.enqueue_dma source(%arg12 : memref<16x128xf32, #tpu.memory_space<vmem>>) target(%dma_start3A_954 : memref<16x128xf32, #tpu.memory_space<vmem_shared>>) target_semaphore(%run_scoped3A : memref<!tpu.dma_semaphore, #tpu.memory_space<semaphore_mem>>)
      %dma_wait3A_955 = arith.constant 0 : i32
      %dma_wait3A_956 = tpu.memref_slice %arg13[%add3A_798, %dma_wait3A_955] : memref<10000x128xf32, #tpu.memory_space<vmem_shared>> -> memref<16x128xf32, #tpu.memory_space<vmem_shared>>
      %dma_wait3A_957 = arith.constant 0 : i32
      %dma_wait3A_958 = tpu.memref_slice %arg13[%add3A_798, %dma_wait3A_957] : memref<10000x128xf32, #tpu.memory_space<vmem_shared>> -> memref<16x128xf32, #tpu.memory_space<vmem_shared>>
      tpu.wait_dma2 semaphore(%run_scoped3A : memref<!tpu.dma_semaphore, #tpu.memory_space<semaphore_mem>>) src(%arg12 : memref<16x128xf32, #tpu.memory_space<vmem>>) dst(%dma_wait3A_958 : memref<16x128xf32, #tpu.memory_space<vmem_shared>>)
      tpu.yield
    }) : () -> ()
    %mul3A_799 = arith.constant 624 : i32
    %mul3A_800 = arith.muli %arg1, %mul3A_799 : i32
    %add3A_801 = arith.constant 112 : i32
    %add3A_802 = arith.addi %mul3A_800, %add3A_801 : i32
    "tpu.region"() ({
      %run_scoped3A = tpu.sem_alloc : memref<!tpu.dma_semaphore, #tpu.memory_space<semaphore_mem>>
      %dma_start3A_951 = arith.constant 0 : i32
      %dma_start3A_952 = tpu.memref_slice %arg13[%add3A_802, %dma_start3A_951] : memref<10000x128xf32, #tpu.memory_space<vmem_shared>> -> memref<16x128xf32, #tpu.memory_space<vmem_shared>>
      %dma_start3A_953 = arith.constant 0 : i32
      %dma_start3A_954 = tpu.memref_slice %arg13[%add3A_802, %dma_start3A_953] : memref<10000x128xf32, #tpu.memory_space<vmem_shared>> -> memref<16x128xf32, #tpu.memory_space<vmem_shared>>
      tpu.enqueue_dma source(%arg12 : memref<16x128xf32, #tpu.memory_space<vmem>>) target(%dma_start3A_954 : memref<16x128xf32, #tpu.memory_space<vmem_shared>>) target_semaphore(%run_scoped3A : memref<!tpu.dma_semaphore, #tpu.memory_space<semaphore_mem>>)
      %dma_wait3A_955 = arith.constant 0 : i32
      %dma_wait3A_956 = tpu.memref_slice %arg13[%add3A_802, %dma_wait3A_955] : memref<10000x128xf32, #tpu.memory_space<vmem_shared>> -> memref<16x128xf32, #tpu.memory_space<vmem_shared>>
      %dma_wait3A_957 = arith.constant 0 : i32
      %dma_wait3A_958 = tpu.memref_slice %arg13[%add3A_802, %dma_wait3A_957] : memref<10000x128xf32, #tpu.memory_space<vmem_shared>> -> memref<16x128xf32, #tpu.memory_space<vmem_shared>>
      tpu.wait_dma2 semaphore(%run_scoped3A : memref<!tpu.dma_semaphore, #tpu.memory_space<semaphore_mem>>) src(%arg12 : memref<16x128xf32, #tpu.memory_space<vmem>>) dst(%dma_wait3A_958 : memref<16x128xf32, #tpu.memory_space<vmem_shared>>)
      tpu.yield
    }) : () -> ()
    %mul3A_803 = arith.constant 624 : i32
    %mul3A_804 = arith.muli %arg1, %mul3A_803 : i32
    %add3A_805 = arith.constant 128 : i32
    %add3A_806 = arith.addi %mul3A_804, %add3A_805 : i32
    "tpu.region"() ({
      %run_scoped3A = tpu.sem_alloc : memref<!tpu.dma_semaphore, #tpu.memory_space<semaphore_mem>>
      %dma_start3A_951 = arith.constant 0 : i32
      %dma_start3A_952 = tpu.memref_slice %arg13[%add3A_806, %dma_start3A_951] : memref<10000x128xf32, #tpu.memory_space<vmem_shared>> -> memref<16x128xf32, #tpu.memory_space<vmem_shared>>
      %dma_start3A_953 = arith.constant 0 : i32
      %dma_start3A_954 = tpu.memref_slice %arg13[%add3A_806, %dma_start3A_953] : memref<10000x128xf32, #tpu.memory_space<vmem_shared>> -> memref<16x128xf32, #tpu.memory_space<vmem_shared>>
      tpu.enqueue_dma source(%arg12 : memref<16x128xf32, #tpu.memory_space<vmem>>) target(%dma_start3A_954 : memref<16x128xf32, #tpu.memory_space<vmem_shared>>) target_semaphore(%run_scoped3A : memref<!tpu.dma_semaphore, #tpu.memory_space<semaphore_mem>>)
      %dma_wait3A_955 = arith.constant 0 : i32
      %dma_wait3A_956 = tpu.memref_slice %arg13[%add3A_806, %dma_wait3A_955] : memref<10000x128xf32, #tpu.memory_space<vmem_shared>> -> memref<16x128xf32, #tpu.memory_space<vmem_shared>>
      %dma_wait3A_957 = arith.constant 0 : i32
      %dma_wait3A_958 = tpu.memref_slice %arg13[%add3A_806, %dma_wait3A_957] : memref<10000x128xf32, #tpu.memory_space<vmem_shared>> -> memref<16x128xf32, #tpu.memory_space<vmem_shared>>
      tpu.wait_dma2 semaphore(%run_scoped3A : memref<!tpu.dma_semaphore, #tpu.memory_space<semaphore_mem>>) src(%arg12 : memref<16x128xf32, #tpu.memory_space<vmem>>) dst(%dma_wait3A_958 : memref<16x128xf32, #tpu.memory_space<vmem_shared>>)
      tpu.yield
    }) : () -> ()
    %mul3A_807 = arith.constant 624 : i32
    %mul3A_808 = arith.muli %arg1, %mul3A_807 : i32
    %add3A_809 = arith.constant 144 : i32
    %add3A_810 = arith.addi %mul3A_808, %add3A_809 : i32
    "tpu.region"() ({
      %run_scoped3A = tpu.sem_alloc : memref<!tpu.dma_semaphore, #tpu.memory_space<semaphore_mem>>
      %dma_start3A_951 = arith.constant 0 : i32
      %dma_start3A_952 = tpu.memref_slice %arg13[%add3A_810, %dma_start3A_951] : memref<10000x128xf32, #tpu.memory_space<vmem_shared>> -> memref<16x128xf32, #tpu.memory_space<vmem_shared>>
      %dma_start3A_953 = arith.constant 0 : i32
      %dma_start3A_954 = tpu.memref_slice %arg13[%add3A_810, %dma_start3A_953] : memref<10000x128xf32, #tpu.memory_space<vmem_shared>> -> memref<16x128xf32, #tpu.memory_space<vmem_shared>>
      tpu.enqueue_dma source(%arg12 : memref<16x128xf32, #tpu.memory_space<vmem>>) target(%dma_start3A_954 : memref<16x128xf32, #tpu.memory_space<vmem_shared>>) target_semaphore(%run_scoped3A : memref<!tpu.dma_semaphore, #tpu.memory_space<semaphore_mem>>)
      %dma_wait3A_955 = arith.constant 0 : i32
      %dma_wait3A_956 = tpu.memref_slice %arg13[%add3A_810, %dma_wait3A_955] : memref<10000x128xf32, #tpu.memory_space<vmem_shared>> -> memref<16x128xf32, #tpu.memory_space<vmem_shared>>
      %dma_wait3A_957 = arith.constant 0 : i32
      %dma_wait3A_958 = tpu.memref_slice %arg13[%add3A_810, %dma_wait3A_957] : memref<10000x128xf32, #tpu.memory_space<vmem_shared>> -> memref<16x128xf32, #tpu.memory_space<vmem_shared>>
      tpu.wait_dma2 semaphore(%run_scoped3A : memref<!tpu.dma_semaphore, #tpu.memory_space<semaphore_mem>>) src(%arg12 : memref<16x128xf32, #tpu.memory_space<vmem>>) dst(%dma_wait3A_958 : memref<16x128xf32, #tpu.memory_space<vmem_shared>>)
      tpu.yield
    }) : () -> ()
    %mul3A_811 = arith.constant 624 : i32
    %mul3A_812 = arith.muli %arg1, %mul3A_811 : i32
    %add3A_813 = arith.constant 160 : i32
    %add3A_814 = arith.addi %mul3A_812, %add3A_813 : i32
    "tpu.region"() ({
      %run_scoped3A = tpu.sem_alloc : memref<!tpu.dma_semaphore, #tpu.memory_space<semaphore_mem>>
      %dma_start3A_951 = arith.constant 0 : i32
      %dma_start3A_952 = tpu.memref_slice %arg13[%add3A_814, %dma_start3A_951] : memref<10000x128xf32, #tpu.memory_space<vmem_shared>> -> memref<16x128xf32, #tpu.memory_space<vmem_shared>>
      %dma_start3A_953 = arith.constant 0 : i32
      %dma_start3A_954 = tpu.memref_slice %arg13[%add3A_814, %dma_start3A_953] : memref<10000x128xf32, #tpu.memory_space<vmem_shared>> -> memref<16x128xf32, #tpu.memory_space<vmem_shared>>
      tpu.enqueue_dma source(%arg12 : memref<16x128xf32, #tpu.memory_space<vmem>>) target(%dma_start3A_954 : memref<16x128xf32, #tpu.memory_space<vmem_shared>>) target_semaphore(%run_scoped3A : memref<!tpu.dma_semaphore, #tpu.memory_space<semaphore_mem>>)
      %dma_wait3A_955 = arith.constant 0 : i32
      %dma_wait3A_956 = tpu.memref_slice %arg13[%add3A_814, %dma_wait3A_955] : memref<10000x128xf32, #tpu.memory_space<vmem_shared>> -> memref<16x128xf32, #tpu.memory_space<vmem_shared>>
      %dma_wait3A_957 = arith.constant 0 : i32
      %dma_wait3A_958 = tpu.memref_slice %arg13[%add3A_814, %dma_wait3A_957] : memref<10000x128xf32, #tpu.memory_space<vmem_shared>> -> memref<16x128xf32, #tpu.memory_space<vmem_shared>>
      tpu.wait_dma2 semaphore(%run_scoped3A : memref<!tpu.dma_semaphore, #tpu.memory_space<semaphore_mem>>) src(%arg12 : memref<16x128xf32, #tpu.memory_space<vmem>>) dst(%dma_wait3A_958 : memref<16x128xf32, #tpu.memory_space<vmem_shared>>)
      tpu.yield
    }) : () -> ()
    %mul3A_815 = arith.constant 624 : i32
    %mul3A_816 = arith.muli %arg1, %mul3A_815 : i32
    %add3A_817 = arith.constant 176 : i32
    %add3A_818 = arith.addi %mul3A_816, %add3A_817 : i32
    "tpu.region"() ({
      %run_scoped3A = tpu.sem_alloc : memref<!tpu.dma_semaphore, #tpu.memory_space<semaphore_mem>>
      %dma_start3A_951 = arith.constant 0 : i32
      %dma_start3A_952 = tpu.memref_slice %arg13[%add3A_818, %dma_start3A_951] : memref<10000x128xf32, #tpu.memory_space<vmem_shared>> -> memref<16x128xf32, #tpu.memory_space<vmem_shared>>
      %dma_start3A_953 = arith.constant 0 : i32
      %dma_start3A_954 = tpu.memref_slice %arg13[%add3A_818, %dma_start3A_953] : memref<10000x128xf32, #tpu.memory_space<vmem_shared>> -> memref<16x128xf32, #tpu.memory_space<vmem_shared>>
      tpu.enqueue_dma source(%arg12 : memref<16x128xf32, #tpu.memory_space<vmem>>) target(%dma_start3A_954 : memref<16x128xf32, #tpu.memory_space<vmem_shared>>) target_semaphore(%run_scoped3A : memref<!tpu.dma_semaphore, #tpu.memory_space<semaphore_mem>>)
      %dma_wait3A_955 = arith.constant 0 : i32
      %dma_wait3A_956 = tpu.memref_slice %arg13[%add3A_818, %dma_wait3A_955] : memref<10000x128xf32, #tpu.memory_space<vmem_shared>> -> memref<16x128xf32, #tpu.memory_space<vmem_shared>>
      %dma_wait3A_957 = arith.constant 0 : i32
      %dma_wait3A_958 = tpu.memref_slice %arg13[%add3A_818, %dma_wait3A_957] : memref<10000x128xf32, #tpu.memory_space<vmem_shared>> -> memref<16x128xf32, #tpu.memory_space<vmem_shared>>
      tpu.wait_dma2 semaphore(%run_scoped3A : memref<!tpu.dma_semaphore, #tpu.memory_space<semaphore_mem>>) src(%arg12 : memref<16x128xf32, #tpu.memory_space<vmem>>) dst(%dma_wait3A_958 : memref<16x128xf32, #tpu.memory_space<vmem_shared>>)
      tpu.yield
    }) : () -> ()
    %mul3A_819 = arith.constant 624 : i32
    %mul3A_820 = arith.muli %arg1, %mul3A_819 : i32
    %add3A_821 = arith.constant 192 : i32
    %add3A_822 = arith.addi %mul3A_820, %add3A_821 : i32
    "tpu.region"() ({
      %run_scoped3A = tpu.sem_alloc : memref<!tpu.dma_semaphore, #tpu.memory_space<semaphore_mem>>
      %dma_start3A_951 = arith.constant 0 : i32
      %dma_start3A_952 = tpu.memref_slice %arg13[%add3A_822, %dma_start3A_951] : memref<10000x128xf32, #tpu.memory_space<vmem_shared>> -> memref<16x128xf32, #tpu.memory_space<vmem_shared>>
      %dma_start3A_953 = arith.constant 0 : i32
      %dma_start3A_954 = tpu.memref_slice %arg13[%add3A_822, %dma_start3A_953] : memref<10000x128xf32, #tpu.memory_space<vmem_shared>> -> memref<16x128xf32, #tpu.memory_space<vmem_shared>>
      tpu.enqueue_dma source(%arg12 : memref<16x128xf32, #tpu.memory_space<vmem>>) target(%dma_start3A_954 : memref<16x128xf32, #tpu.memory_space<vmem_shared>>) target_semaphore(%run_scoped3A : memref<!tpu.dma_semaphore, #tpu.memory_space<semaphore_mem>>)
      %dma_wait3A_955 = arith.constant 0 : i32
      %dma_wait3A_956 = tpu.memref_slice %arg13[%add3A_822, %dma_wait3A_955] : memref<10000x128xf32, #tpu.memory_space<vmem_shared>> -> memref<16x128xf32, #tpu.memory_space<vmem_shared>>
      %dma_wait3A_957 = arith.constant 0 : i32
      %dma_wait3A_958 = tpu.memref_slice %arg13[%add3A_822, %dma_wait3A_957] : memref<10000x128xf32, #tpu.memory_space<vmem_shared>> -> memref<16x128xf32, #tpu.memory_space<vmem_shared>>
      tpu.wait_dma2 semaphore(%run_scoped3A : memref<!tpu.dma_semaphore, #tpu.memory_space<semaphore_mem>>) src(%arg12 : memref<16x128xf32, #tpu.memory_space<vmem>>) dst(%dma_wait3A_958 : memref<16x128xf32, #tpu.memory_space<vmem_shared>>)
      tpu.yield
    }) : () -> ()
    %mul3A_823 = arith.constant 624 : i32
    %mul3A_824 = arith.muli %arg1, %mul3A_823 : i32
    %add3A_825 = arith.constant 208 : i32
    %add3A_826 = arith.addi %mul3A_824, %add3A_825 : i32
    "tpu.region"() ({
      %run_scoped3A = tpu.sem_alloc : memref<!tpu.dma_semaphore, #tpu.memory_space<semaphore_mem>>
      %dma_start3A_951 = arith.constant 0 : i32
      %dma_start3A_952 = tpu.memref_slice %arg13[%add3A_826, %dma_start3A_951] : memref<10000x128xf32, #tpu.memory_space<vmem_shared>> -> memref<16x128xf32, #tpu.memory_space<vmem_shared>>
      %dma_start3A_953 = arith.constant 0 : i32
      %dma_start3A_954 = tpu.memref_slice %arg13[%add3A_826, %dma_start3A_953] : memref<10000x128xf32, #tpu.memory_space<vmem_shared>> -> memref<16x128xf32, #tpu.memory_space<vmem_shared>>
      tpu.enqueue_dma source(%arg12 : memref<16x128xf32, #tpu.memory_space<vmem>>) target(%dma_start3A_954 : memref<16x128xf32, #tpu.memory_space<vmem_shared>>) target_semaphore(%run_scoped3A : memref<!tpu.dma_semaphore, #tpu.memory_space<semaphore_mem>>)
      %dma_wait3A_955 = arith.constant 0 : i32
      %dma_wait3A_956 = tpu.memref_slice %arg13[%add3A_826, %dma_wait3A_955] : memref<10000x128xf32, #tpu.memory_space<vmem_shared>> -> memref<16x128xf32, #tpu.memory_space<vmem_shared>>
      %dma_wait3A_957 = arith.constant 0 : i32
      %dma_wait3A_958 = tpu.memref_slice %arg13[%add3A_826, %dma_wait3A_957] : memref<10000x128xf32, #tpu.memory_space<vmem_shared>> -> memref<16x128xf32, #tpu.memory_space<vmem_shared>>
      tpu.wait_dma2 semaphore(%run_scoped3A : memref<!tpu.dma_semaphore, #tpu.memory_space<semaphore_mem>>) src(%arg12 : memref<16x128xf32, #tpu.memory_space<vmem>>) dst(%dma_wait3A_958 : memref<16x128xf32, #tpu.memory_space<vmem_shared>>)
      tpu.yield
    }) : () -> ()
    %mul3A_827 = arith.constant 624 : i32
    %mul3A_828 = arith.muli %arg1, %mul3A_827 : i32
    %add3A_829 = arith.constant 224 : i32
    %add3A_830 = arith.addi %mul3A_828, %add3A_829 : i32
    "tpu.region"() ({
      %run_scoped3A = tpu.sem_alloc : memref<!tpu.dma_semaphore, #tpu.memory_space<semaphore_mem>>
      %dma_start3A_951 = arith.constant 0 : i32
      %dma_start3A_952 = tpu.memref_slice %arg13[%add3A_830, %dma_start3A_951] : memref<10000x128xf32, #tpu.memory_space<vmem_shared>> -> memref<16x128xf32, #tpu.memory_space<vmem_shared>>
      %dma_start3A_953 = arith.constant 0 : i32
      %dma_start3A_954 = tpu.memref_slice %arg13[%add3A_830, %dma_start3A_953] : memref<10000x128xf32, #tpu.memory_space<vmem_shared>> -> memref<16x128xf32, #tpu.memory_space<vmem_shared>>
      tpu.enqueue_dma source(%arg12 : memref<16x128xf32, #tpu.memory_space<vmem>>) target(%dma_start3A_954 : memref<16x128xf32, #tpu.memory_space<vmem_shared>>) target_semaphore(%run_scoped3A : memref<!tpu.dma_semaphore, #tpu.memory_space<semaphore_mem>>)
      %dma_wait3A_955 = arith.constant 0 : i32
      %dma_wait3A_956 = tpu.memref_slice %arg13[%add3A_830, %dma_wait3A_955] : memref<10000x128xf32, #tpu.memory_space<vmem_shared>> -> memref<16x128xf32, #tpu.memory_space<vmem_shared>>
      %dma_wait3A_957 = arith.constant 0 : i32
      %dma_wait3A_958 = tpu.memref_slice %arg13[%add3A_830, %dma_wait3A_957] : memref<10000x128xf32, #tpu.memory_space<vmem_shared>> -> memref<16x128xf32, #tpu.memory_space<vmem_shared>>
      tpu.wait_dma2 semaphore(%run_scoped3A : memref<!tpu.dma_semaphore, #tpu.memory_space<semaphore_mem>>) src(%arg12 : memref<16x128xf32, #tpu.memory_space<vmem>>) dst(%dma_wait3A_958 : memref<16x128xf32, #tpu.memory_space<vmem_shared>>)
      tpu.yield
    }) : () -> ()
    %mul3A_831 = arith.constant 624 : i32
    %mul3A_832 = arith.muli %arg1, %mul3A_831 : i32
    %add3A_833 = arith.constant 240 : i32
    %add3A_834 = arith.addi %mul3A_832, %add3A_833 : i32
    "tpu.region"() ({
      %run_scoped3A = tpu.sem_alloc : memref<!tpu.dma_semaphore, #tpu.memory_space<semaphore_mem>>
      %dma_start3A_951 = arith.constant 0 : i32
      %dma_start3A_952 = tpu.memref_slice %arg13[%add3A_834, %dma_start3A_951] : memref<10000x128xf32, #tpu.memory_space<vmem_shared>> -> memref<16x128xf32, #tpu.memory_space<vmem_shared>>
      %dma_start3A_953 = arith.constant 0 : i32
      %dma_start3A_954 = tpu.memref_slice %arg13[%add3A_834, %dma_start3A_953] : memref<10000x128xf32, #tpu.memory_space<vmem_shared>> -> memref<16x128xf32, #tpu.memory_space<vmem_shared>>
      tpu.enqueue_dma source(%arg12 : memref<16x128xf32, #tpu.memory_space<vmem>>) target(%dma_start3A_954 : memref<16x128xf32, #tpu.memory_space<vmem_shared>>) target_semaphore(%run_scoped3A : memref<!tpu.dma_semaphore, #tpu.memory_space<semaphore_mem>>)
      %dma_wait3A_955 = arith.constant 0 : i32
      %dma_wait3A_956 = tpu.memref_slice %arg13[%add3A_834, %dma_wait3A_955] : memref<10000x128xf32, #tpu.memory_space<vmem_shared>> -> memref<16x128xf32, #tpu.memory_space<vmem_shared>>
      %dma_wait3A_957 = arith.constant 0 : i32
      %dma_wait3A_958 = tpu.memref_slice %arg13[%add3A_834, %dma_wait3A_957] : memref<10000x128xf32, #tpu.memory_space<vmem_shared>> -> memref<16x128xf32, #tpu.memory_space<vmem_shared>>
      tpu.wait_dma2 semaphore(%run_scoped3A : memref<!tpu.dma_semaphore, #tpu.memory_space<semaphore_mem>>) src(%arg12 : memref<16x128xf32, #tpu.memory_space<vmem>>) dst(%dma_wait3A_958 : memref<16x128xf32, #tpu.memory_space<vmem_shared>>)
      tpu.yield
    }) : () -> ()
    %mul3A_835 = arith.constant 624 : i32
    %mul3A_836 = arith.muli %arg1, %mul3A_835 : i32
    %add3A_837 = arith.constant 256 : i32
    %add3A_838 = arith.addi %mul3A_836, %add3A_837 : i32
    "tpu.region"() ({
      %run_scoped3A = tpu.sem_alloc : memref<!tpu.dma_semaphore, #tpu.memory_space<semaphore_mem>>
      %dma_start3A_951 = arith.constant 0 : i32
      %dma_start3A_952 = tpu.memref_slice %arg13[%add3A_838, %dma_start3A_951] : memref<10000x128xf32, #tpu.memory_space<vmem_shared>> -> memref<16x128xf32, #tpu.memory_space<vmem_shared>>
      %dma_start3A_953 = arith.constant 0 : i32
      %dma_start3A_954 = tpu.memref_slice %arg13[%add3A_838, %dma_start3A_953] : memref<10000x128xf32, #tpu.memory_space<vmem_shared>> -> memref<16x128xf32, #tpu.memory_space<vmem_shared>>
      tpu.enqueue_dma source(%arg12 : memref<16x128xf32, #tpu.memory_space<vmem>>) target(%dma_start3A_954 : memref<16x128xf32, #tpu.memory_space<vmem_shared>>) target_semaphore(%run_scoped3A : memref<!tpu.dma_semaphore, #tpu.memory_space<semaphore_mem>>)
      %dma_wait3A_955 = arith.constant 0 : i32
      %dma_wait3A_956 = tpu.memref_slice %arg13[%add3A_838, %dma_wait3A_955] : memref<10000x128xf32, #tpu.memory_space<vmem_shared>> -> memref<16x128xf32, #tpu.memory_space<vmem_shared>>
      %dma_wait3A_957 = arith.constant 0 : i32
      %dma_wait3A_958 = tpu.memref_slice %arg13[%add3A_838, %dma_wait3A_957] : memref<10000x128xf32, #tpu.memory_space<vmem_shared>> -> memref<16x128xf32, #tpu.memory_space<vmem_shared>>
      tpu.wait_dma2 semaphore(%run_scoped3A : memref<!tpu.dma_semaphore, #tpu.memory_space<semaphore_mem>>) src(%arg12 : memref<16x128xf32, #tpu.memory_space<vmem>>) dst(%dma_wait3A_958 : memref<16x128xf32, #tpu.memory_space<vmem_shared>>)
      tpu.yield
    }) : () -> ()
    %mul3A_839 = arith.constant 624 : i32
    %mul3A_840 = arith.muli %arg1, %mul3A_839 : i32
    %add3A_841 = arith.constant 272 : i32
    %add3A_842 = arith.addi %mul3A_840, %add3A_841 : i32
    "tpu.region"() ({
      %run_scoped3A = tpu.sem_alloc : memref<!tpu.dma_semaphore, #tpu.memory_space<semaphore_mem>>
      %dma_start3A_951 = arith.constant 0 : i32
      %dma_start3A_952 = tpu.memref_slice %arg13[%add3A_842, %dma_start3A_951] : memref<10000x128xf32, #tpu.memory_space<vmem_shared>> -> memref<16x128xf32, #tpu.memory_space<vmem_shared>>
      %dma_start3A_953 = arith.constant 0 : i32
      %dma_start3A_954 = tpu.memref_slice %arg13[%add3A_842, %dma_start3A_953] : memref<10000x128xf32, #tpu.memory_space<vmem_shared>> -> memref<16x128xf32, #tpu.memory_space<vmem_shared>>
      tpu.enqueue_dma source(%arg12 : memref<16x128xf32, #tpu.memory_space<vmem>>) target(%dma_start3A_954 : memref<16x128xf32, #tpu.memory_space<vmem_shared>>) target_semaphore(%run_scoped3A : memref<!tpu.dma_semaphore, #tpu.memory_space<semaphore_mem>>)
      %dma_wait3A_955 = arith.constant 0 : i32
      %dma_wait3A_956 = tpu.memref_slice %arg13[%add3A_842, %dma_wait3A_955] : memref<10000x128xf32, #tpu.memory_space<vmem_shared>> -> memref<16x128xf32, #tpu.memory_space<vmem_shared>>
      %dma_wait3A_957 = arith.constant 0 : i32
      %dma_wait3A_958 = tpu.memref_slice %arg13[%add3A_842, %dma_wait3A_957] : memref<10000x128xf32, #tpu.memory_space<vmem_shared>> -> memref<16x128xf32, #tpu.memory_space<vmem_shared>>
      tpu.wait_dma2 semaphore(%run_scoped3A : memref<!tpu.dma_semaphore, #tpu.memory_space<semaphore_mem>>) src(%arg12 : memref<16x128xf32, #tpu.memory_space<vmem>>) dst(%dma_wait3A_958 : memref<16x128xf32, #tpu.memory_space<vmem_shared>>)
      tpu.yield
    }) : () -> ()
    %mul3A_843 = arith.constant 624 : i32
    %mul3A_844 = arith.muli %arg1, %mul3A_843 : i32
    %add3A_845 = arith.constant 288 : i32
    %add3A_846 = arith.addi %mul3A_844, %add3A_845 : i32
    "tpu.region"() ({
      %run_scoped3A = tpu.sem_alloc : memref<!tpu.dma_semaphore, #tpu.memory_space<semaphore_mem>>
      %dma_start3A_951 = arith.constant 0 : i32
      %dma_start3A_952 = tpu.memref_slice %arg13[%add3A_846, %dma_start3A_951] : memref<10000x128xf32, #tpu.memory_space<vmem_shared>> -> memref<16x128xf32, #tpu.memory_space<vmem_shared>>
      %dma_start3A_953 = arith.constant 0 : i32
      %dma_start3A_954 = tpu.memref_slice %arg13[%add3A_846, %dma_start3A_953] : memref<10000x128xf32, #tpu.memory_space<vmem_shared>> -> memref<16x128xf32, #tpu.memory_space<vmem_shared>>
      tpu.enqueue_dma source(%arg12 : memref<16x128xf32, #tpu.memory_space<vmem>>) target(%dma_start3A_954 : memref<16x128xf32, #tpu.memory_space<vmem_shared>>) target_semaphore(%run_scoped3A : memref<!tpu.dma_semaphore, #tpu.memory_space<semaphore_mem>>)
      %dma_wait3A_955 = arith.constant 0 : i32
      %dma_wait3A_956 = tpu.memref_slice %arg13[%add3A_846, %dma_wait3A_955] : memref<10000x128xf32, #tpu.memory_space<vmem_shared>> -> memref<16x128xf32, #tpu.memory_space<vmem_shared>>
      %dma_wait3A_957 = arith.constant 0 : i32
      %dma_wait3A_958 = tpu.memref_slice %arg13[%add3A_846, %dma_wait3A_957] : memref<10000x128xf32, #tpu.memory_space<vmem_shared>> -> memref<16x128xf32, #tpu.memory_space<vmem_shared>>
      tpu.wait_dma2 semaphore(%run_scoped3A : memref<!tpu.dma_semaphore, #tpu.memory_space<semaphore_mem>>) src(%arg12 : memref<16x128xf32, #tpu.memory_space<vmem>>) dst(%dma_wait3A_958 : memref<16x128xf32, #tpu.memory_space<vmem_shared>>)
      tpu.yield
    }) : () -> ()
    %mul3A_847 = arith.constant 624 : i32
    %mul3A_848 = arith.muli %arg1, %mul3A_847 : i32
    %add3A_849 = arith.constant 304 : i32
    %add3A_850 = arith.addi %mul3A_848, %add3A_849 : i32
    "tpu.region"() ({
      %run_scoped3A = tpu.sem_alloc : memref<!tpu.dma_semaphore, #tpu.memory_space<semaphore_mem>>
      %dma_start3A_951 = arith.constant 0 : i32
      %dma_start3A_952 = tpu.memref_slice %arg13[%add3A_850, %dma_start3A_951] : memref<10000x128xf32, #tpu.memory_space<vmem_shared>> -> memref<16x128xf32, #tpu.memory_space<vmem_shared>>
      %dma_start3A_953 = arith.constant 0 : i32
      %dma_start3A_954 = tpu.memref_slice %arg13[%add3A_850, %dma_start3A_953] : memref<10000x128xf32, #tpu.memory_space<vmem_shared>> -> memref<16x128xf32, #tpu.memory_space<vmem_shared>>
      tpu.enqueue_dma source(%arg12 : memref<16x128xf32, #tpu.memory_space<vmem>>) target(%dma_start3A_954 : memref<16x128xf32, #tpu.memory_space<vmem_shared>>) target_semaphore(%run_scoped3A : memref<!tpu.dma_semaphore, #tpu.memory_space<semaphore_mem>>)
      %dma_wait3A_955 = arith.constant 0 : i32
      %dma_wait3A_956 = tpu.memref_slice %arg13[%add3A_850, %dma_wait3A_955] : memref<10000x128xf32, #tpu.memory_space<vmem_shared>> -> memref<16x128xf32, #tpu.memory_space<vmem_shared>>
      %dma_wait3A_957 = arith.constant 0 : i32
      %dma_wait3A_958 = tpu.memref_slice %arg13[%add3A_850, %dma_wait3A_957] : memref<10000x128xf32, #tpu.memory_space<vmem_shared>> -> memref<16x128xf32, #tpu.memory_space<vmem_shared>>
      tpu.wait_dma2 semaphore(%run_scoped3A : memref<!tpu.dma_semaphore, #tpu.memory_space<semaphore_mem>>) src(%arg12 : memref<16x128xf32, #tpu.memory_space<vmem>>) dst(%dma_wait3A_958 : memref<16x128xf32, #tpu.memory_space<vmem_shared>>)
      tpu.yield
    }) : () -> ()
    %mul3A_851 = arith.constant 624 : i32
    %mul3A_852 = arith.muli %arg1, %mul3A_851 : i32
    %add3A_853 = arith.constant 320 : i32
    %add3A_854 = arith.addi %mul3A_852, %add3A_853 : i32
    "tpu.region"() ({
      %run_scoped3A = tpu.sem_alloc : memref<!tpu.dma_semaphore, #tpu.memory_space<semaphore_mem>>
      %dma_start3A_951 = arith.constant 0 : i32
      %dma_start3A_952 = tpu.memref_slice %arg13[%add3A_854, %dma_start3A_951] : memref<10000x128xf32, #tpu.memory_space<vmem_shared>> -> memref<16x128xf32, #tpu.memory_space<vmem_shared>>
      %dma_start3A_953 = arith.constant 0 : i32
      %dma_start3A_954 = tpu.memref_slice %arg13[%add3A_854, %dma_start3A_953] : memref<10000x128xf32, #tpu.memory_space<vmem_shared>> -> memref<16x128xf32, #tpu.memory_space<vmem_shared>>
      tpu.enqueue_dma source(%arg12 : memref<16x128xf32, #tpu.memory_space<vmem>>) target(%dma_start3A_954 : memref<16x128xf32, #tpu.memory_space<vmem_shared>>) target_semaphore(%run_scoped3A : memref<!tpu.dma_semaphore, #tpu.memory_space<semaphore_mem>>)
      %dma_wait3A_955 = arith.constant 0 : i32
      %dma_wait3A_956 = tpu.memref_slice %arg13[%add3A_854, %dma_wait3A_955] : memref<10000x128xf32, #tpu.memory_space<vmem_shared>> -> memref<16x128xf32, #tpu.memory_space<vmem_shared>>
      %dma_wait3A_957 = arith.constant 0 : i32
      %dma_wait3A_958 = tpu.memref_slice %arg13[%add3A_854, %dma_wait3A_957] : memref<10000x128xf32, #tpu.memory_space<vmem_shared>> -> memref<16x128xf32, #tpu.memory_space<vmem_shared>>
      tpu.wait_dma2 semaphore(%run_scoped3A : memref<!tpu.dma_semaphore, #tpu.memory_space<semaphore_mem>>) src(%arg12 : memref<16x128xf32, #tpu.memory_space<vmem>>) dst(%dma_wait3A_958 : memref<16x128xf32, #tpu.memory_space<vmem_shared>>)
      tpu.yield
    }) : () -> ()
    %mul3A_855 = arith.constant 624 : i32
    %mul3A_856 = arith.muli %arg1, %mul3A_855 : i32
    %add3A_857 = arith.constant 336 : i32
    %add3A_858 = arith.addi %mul3A_856, %add3A_857 : i32
    "tpu.region"() ({
      %run_scoped3A = tpu.sem_alloc : memref<!tpu.dma_semaphore, #tpu.memory_space<semaphore_mem>>
      %dma_start3A_951 = arith.constant 0 : i32
      %dma_start3A_952 = tpu.memref_slice %arg13[%add3A_858, %dma_start3A_951] : memref<10000x128xf32, #tpu.memory_space<vmem_shared>> -> memref<16x128xf32, #tpu.memory_space<vmem_shared>>
      %dma_start3A_953 = arith.constant 0 : i32
      %dma_start3A_954 = tpu.memref_slice %arg13[%add3A_858, %dma_start3A_953] : memref<10000x128xf32, #tpu.memory_space<vmem_shared>> -> memref<16x128xf32, #tpu.memory_space<vmem_shared>>
      tpu.enqueue_dma source(%arg12 : memref<16x128xf32, #tpu.memory_space<vmem>>) target(%dma_start3A_954 : memref<16x128xf32, #tpu.memory_space<vmem_shared>>) target_semaphore(%run_scoped3A : memref<!tpu.dma_semaphore, #tpu.memory_space<semaphore_mem>>)
      %dma_wait3A_955 = arith.constant 0 : i32
      %dma_wait3A_956 = tpu.memref_slice %arg13[%add3A_858, %dma_wait3A_955] : memref<10000x128xf32, #tpu.memory_space<vmem_shared>> -> memref<16x128xf32, #tpu.memory_space<vmem_shared>>
      %dma_wait3A_957 = arith.constant 0 : i32
      %dma_wait3A_958 = tpu.memref_slice %arg13[%add3A_858, %dma_wait3A_957] : memref<10000x128xf32, #tpu.memory_space<vmem_shared>> -> memref<16x128xf32, #tpu.memory_space<vmem_shared>>
      tpu.wait_dma2 semaphore(%run_scoped3A : memref<!tpu.dma_semaphore, #tpu.memory_space<semaphore_mem>>) src(%arg12 : memref<16x128xf32, #tpu.memory_space<vmem>>) dst(%dma_wait3A_958 : memref<16x128xf32, #tpu.memory_space<vmem_shared>>)
      tpu.yield
    }) : () -> ()
    %mul3A_859 = arith.constant 624 : i32
    %mul3A_860 = arith.muli %arg1, %mul3A_859 : i32
    %add3A_861 = arith.constant 352 : i32
    %add3A_862 = arith.addi %mul3A_860, %add3A_861 : i32
    "tpu.region"() ({
      %run_scoped3A = tpu.sem_alloc : memref<!tpu.dma_semaphore, #tpu.memory_space<semaphore_mem>>
      %dma_start3A_951 = arith.constant 0 : i32
      %dma_start3A_952 = tpu.memref_slice %arg13[%add3A_862, %dma_start3A_951] : memref<10000x128xf32, #tpu.memory_space<vmem_shared>> -> memref<16x128xf32, #tpu.memory_space<vmem_shared>>
      %dma_start3A_953 = arith.constant 0 : i32
      %dma_start3A_954 = tpu.memref_slice %arg13[%add3A_862, %dma_start3A_953] : memref<10000x128xf32, #tpu.memory_space<vmem_shared>> -> memref<16x128xf32, #tpu.memory_space<vmem_shared>>
      tpu.enqueue_dma source(%arg12 : memref<16x128xf32, #tpu.memory_space<vmem>>) target(%dma_start3A_954 : memref<16x128xf32, #tpu.memory_space<vmem_shared>>) target_semaphore(%run_scoped3A : memref<!tpu.dma_semaphore, #tpu.memory_space<semaphore_mem>>)
      %dma_wait3A_955 = arith.constant 0 : i32
      %dma_wait3A_956 = tpu.memref_slice %arg13[%add3A_862, %dma_wait3A_955] : memref<10000x128xf32, #tpu.memory_space<vmem_shared>> -> memref<16x128xf32, #tpu.memory_space<vmem_shared>>
      %dma_wait3A_957 = arith.constant 0 : i32
      %dma_wait3A_958 = tpu.memref_slice %arg13[%add3A_862, %dma_wait3A_957] : memref<10000x128xf32, #tpu.memory_space<vmem_shared>> -> memref<16x128xf32, #tpu.memory_space<vmem_shared>>
      tpu.wait_dma2 semaphore(%run_scoped3A : memref<!tpu.dma_semaphore, #tpu.memory_space<semaphore_mem>>) src(%arg12 : memref<16x128xf32, #tpu.memory_space<vmem>>) dst(%dma_wait3A_958 : memref<16x128xf32, #tpu.memory_space<vmem_shared>>)
      tpu.yield
    }) : () -> ()
    %mul3A_863 = arith.constant 624 : i32
    %mul3A_864 = arith.muli %arg1, %mul3A_863 : i32
    %add3A_865 = arith.constant 368 : i32
    %add3A_866 = arith.addi %mul3A_864, %add3A_865 : i32
    "tpu.region"() ({
      %run_scoped3A = tpu.sem_alloc : memref<!tpu.dma_semaphore, #tpu.memory_space<semaphore_mem>>
      %dma_start3A_951 = arith.constant 0 : i32
      %dma_start3A_952 = tpu.memref_slice %arg13[%add3A_866, %dma_start3A_951] : memref<10000x128xf32, #tpu.memory_space<vmem_shared>> -> memref<16x128xf32, #tpu.memory_space<vmem_shared>>
      %dma_start3A_953 = arith.constant 0 : i32
      %dma_start3A_954 = tpu.memref_slice %arg13[%add3A_866, %dma_start3A_953] : memref<10000x128xf32, #tpu.memory_space<vmem_shared>> -> memref<16x128xf32, #tpu.memory_space<vmem_shared>>
      tpu.enqueue_dma source(%arg12 : memref<16x128xf32, #tpu.memory_space<vmem>>) target(%dma_start3A_954 : memref<16x128xf32, #tpu.memory_space<vmem_shared>>) target_semaphore(%run_scoped3A : memref<!tpu.dma_semaphore, #tpu.memory_space<semaphore_mem>>)
      %dma_wait3A_955 = arith.constant 0 : i32
      %dma_wait3A_956 = tpu.memref_slice %arg13[%add3A_866, %dma_wait3A_955] : memref<10000x128xf32, #tpu.memory_space<vmem_shared>> -> memref<16x128xf32, #tpu.memory_space<vmem_shared>>
      %dma_wait3A_957 = arith.constant 0 : i32
      %dma_wait3A_958 = tpu.memref_slice %arg13[%add3A_866, %dma_wait3A_957] : memref<10000x128xf32, #tpu.memory_space<vmem_shared>> -> memref<16x128xf32, #tpu.memory_space<vmem_shared>>
      tpu.wait_dma2 semaphore(%run_scoped3A : memref<!tpu.dma_semaphore, #tpu.memory_space<semaphore_mem>>) src(%arg12 : memref<16x128xf32, #tpu.memory_space<vmem>>) dst(%dma_wait3A_958 : memref<16x128xf32, #tpu.memory_space<vmem_shared>>)
      tpu.yield
    }) : () -> ()
    %mul3A_867 = arith.constant 624 : i32
    %mul3A_868 = arith.muli %arg1, %mul3A_867 : i32
    %add3A_869 = arith.constant 384 : i32
    %add3A_870 = arith.addi %mul3A_868, %add3A_869 : i32
    "tpu.region"() ({
      %run_scoped3A = tpu.sem_alloc : memref<!tpu.dma_semaphore, #tpu.memory_space<semaphore_mem>>
      %dma_start3A_951 = arith.constant 0 : i32
      %dma_start3A_952 = tpu.memref_slice %arg13[%add3A_870, %dma_start3A_951] : memref<10000x128xf32, #tpu.memory_space<vmem_shared>> -> memref<16x128xf32, #tpu.memory_space<vmem_shared>>
      %dma_start3A_953 = arith.constant 0 : i32
      %dma_start3A_954 = tpu.memref_slice %arg13[%add3A_870, %dma_start3A_953] : memref<10000x128xf32, #tpu.memory_space<vmem_shared>> -> memref<16x128xf32, #tpu.memory_space<vmem_shared>>
      tpu.enqueue_dma source(%arg12 : memref<16x128xf32, #tpu.memory_space<vmem>>) target(%dma_start3A_954 : memref<16x128xf32, #tpu.memory_space<vmem_shared>>) target_semaphore(%run_scoped3A : memref<!tpu.dma_semaphore, #tpu.memory_space<semaphore_mem>>)
      %dma_wait3A_955 = arith.constant 0 : i32
      %dma_wait3A_956 = tpu.memref_slice %arg13[%add3A_870, %dma_wait3A_955] : memref<10000x128xf32, #tpu.memory_space<vmem_shared>> -> memref<16x128xf32, #tpu.memory_space<vmem_shared>>
      %dma_wait3A_957 = arith.constant 0 : i32
      %dma_wait3A_958 = tpu.memref_slice %arg13[%add3A_870, %dma_wait3A_957] : memref<10000x128xf32, #tpu.memory_space<vmem_shared>> -> memref<16x128xf32, #tpu.memory_space<vmem_shared>>
      tpu.wait_dma2 semaphore(%run_scoped3A : memref<!tpu.dma_semaphore, #tpu.memory_space<semaphore_mem>>) src(%arg12 : memref<16x128xf32, #tpu.memory_space<vmem>>) dst(%dma_wait3A_958 : memref<16x128xf32, #tpu.memory_space<vmem_shared>>)
      tpu.yield
    }) : () -> ()
    %mul3A_871 = arith.constant 624 : i32
    %mul3A_872 = arith.muli %arg1, %mul3A_871 : i32
    %add3A_873 = arith.constant 400 : i32
    %add3A_874 = arith.addi %mul3A_872, %add3A_873 : i32
    "tpu.region"() ({
      %run_scoped3A = tpu.sem_alloc : memref<!tpu.dma_semaphore, #tpu.memory_space<semaphore_mem>>
      %dma_start3A_951 = arith.constant 0 : i32
      %dma_start3A_952 = tpu.memref_slice %arg13[%add3A_874, %dma_start3A_951] : memref<10000x128xf32, #tpu.memory_space<vmem_shared>> -> memref<16x128xf32, #tpu.memory_space<vmem_shared>>
      %dma_start3A_953 = arith.constant 0 : i32
      %dma_start3A_954 = tpu.memref_slice %arg13[%add3A_874, %dma_start3A_953] : memref<10000x128xf32, #tpu.memory_space<vmem_shared>> -> memref<16x128xf32, #tpu.memory_space<vmem_shared>>
      tpu.enqueue_dma source(%arg12 : memref<16x128xf32, #tpu.memory_space<vmem>>) target(%dma_start3A_954 : memref<16x128xf32, #tpu.memory_space<vmem_shared>>) target_semaphore(%run_scoped3A : memref<!tpu.dma_semaphore, #tpu.memory_space<semaphore_mem>>)
      %dma_wait3A_955 = arith.constant 0 : i32
      %dma_wait3A_956 = tpu.memref_slice %arg13[%add3A_874, %dma_wait3A_955] : memref<10000x128xf32, #tpu.memory_space<vmem_shared>> -> memref<16x128xf32, #tpu.memory_space<vmem_shared>>
      %dma_wait3A_957 = arith.constant 0 : i32
      %dma_wait3A_958 = tpu.memref_slice %arg13[%add3A_874, %dma_wait3A_957] : memref<10000x128xf32, #tpu.memory_space<vmem_shared>> -> memref<16x128xf32, #tpu.memory_space<vmem_shared>>
      tpu.wait_dma2 semaphore(%run_scoped3A : memref<!tpu.dma_semaphore, #tpu.memory_space<semaphore_mem>>) src(%arg12 : memref<16x128xf32, #tpu.memory_space<vmem>>) dst(%dma_wait3A_958 : memref<16x128xf32, #tpu.memory_space<vmem_shared>>)
      tpu.yield
    }) : () -> ()
    %mul3A_875 = arith.constant 624 : i32
    %mul3A_876 = arith.muli %arg1, %mul3A_875 : i32
    %add3A_877 = arith.constant 416 : i32
    %add3A_878 = arith.addi %mul3A_876, %add3A_877 : i32
    "tpu.region"() ({
      %run_scoped3A = tpu.sem_alloc : memref<!tpu.dma_semaphore, #tpu.memory_space<semaphore_mem>>
      %dma_start3A_951 = arith.constant 0 : i32
      %dma_start3A_952 = tpu.memref_slice %arg13[%add3A_878, %dma_start3A_951] : memref<10000x128xf32, #tpu.memory_space<vmem_shared>> -> memref<16x128xf32, #tpu.memory_space<vmem_shared>>
      %dma_start3A_953 = arith.constant 0 : i32
      %dma_start3A_954 = tpu.memref_slice %arg13[%add3A_878, %dma_start3A_953] : memref<10000x128xf32, #tpu.memory_space<vmem_shared>> -> memref<16x128xf32, #tpu.memory_space<vmem_shared>>
      tpu.enqueue_dma source(%arg12 : memref<16x128xf32, #tpu.memory_space<vmem>>) target(%dma_start3A_954 : memref<16x128xf32, #tpu.memory_space<vmem_shared>>) target_semaphore(%run_scoped3A : memref<!tpu.dma_semaphore, #tpu.memory_space<semaphore_mem>>)
      %dma_wait3A_955 = arith.constant 0 : i32
      %dma_wait3A_956 = tpu.memref_slice %arg13[%add3A_878, %dma_wait3A_955] : memref<10000x128xf32, #tpu.memory_space<vmem_shared>> -> memref<16x128xf32, #tpu.memory_space<vmem_shared>>
      %dma_wait3A_957 = arith.constant 0 : i32
      %dma_wait3A_958 = tpu.memref_slice %arg13[%add3A_878, %dma_wait3A_957] : memref<10000x128xf32, #tpu.memory_space<vmem_shared>> -> memref<16x128xf32, #tpu.memory_space<vmem_shared>>
      tpu.wait_dma2 semaphore(%run_scoped3A : memref<!tpu.dma_semaphore, #tpu.memory_space<semaphore_mem>>) src(%arg12 : memref<16x128xf32, #tpu.memory_space<vmem>>) dst(%dma_wait3A_958 : memref<16x128xf32, #tpu.memory_space<vmem_shared>>)
      tpu.yield
    }) : () -> ()
    %mul3A_879 = arith.constant 624 : i32
    %mul3A_880 = arith.muli %arg1, %mul3A_879 : i32
    %add3A_881 = arith.constant 432 : i32
    %add3A_882 = arith.addi %mul3A_880, %add3A_881 : i32
    "tpu.region"() ({
      %run_scoped3A = tpu.sem_alloc : memref<!tpu.dma_semaphore, #tpu.memory_space<semaphore_mem>>
      %dma_start3A_951 = arith.constant 0 : i32
      %dma_start3A_952 = tpu.memref_slice %arg13[%add3A_882, %dma_start3A_951] : memref<10000x128xf32, #tpu.memory_space<vmem_shared>> -> memref<16x128xf32, #tpu.memory_space<vmem_shared>>
      %dma_start3A_953 = arith.constant 0 : i32
      %dma_start3A_954 = tpu.memref_slice %arg13[%add3A_882, %dma_start3A_953] : memref<10000x128xf32, #tpu.memory_space<vmem_shared>> -> memref<16x128xf32, #tpu.memory_space<vmem_shared>>
      tpu.enqueue_dma source(%arg12 : memref<16x128xf32, #tpu.memory_space<vmem>>) target(%dma_start3A_954 : memref<16x128xf32, #tpu.memory_space<vmem_shared>>) target_semaphore(%run_scoped3A : memref<!tpu.dma_semaphore, #tpu.memory_space<semaphore_mem>>)
      %dma_wait3A_955 = arith.constant 0 : i32
      %dma_wait3A_956 = tpu.memref_slice %arg13[%add3A_882, %dma_wait3A_955] : memref<10000x128xf32, #tpu.memory_space<vmem_shared>> -> memref<16x128xf32, #tpu.memory_space<vmem_shared>>
      %dma_wait3A_957 = arith.constant 0 : i32
      %dma_wait3A_958 = tpu.memref_slice %arg13[%add3A_882, %dma_wait3A_957] : memref<10000x128xf32, #tpu.memory_space<vmem_shared>> -> memref<16x128xf32, #tpu.memory_space<vmem_shared>>
      tpu.wait_dma2 semaphore(%run_scoped3A : memref<!tpu.dma_semaphore, #tpu.memory_space<semaphore_mem>>) src(%arg12 : memref<16x128xf32, #tpu.memory_space<vmem>>) dst(%dma_wait3A_958 : memref<16x128xf32, #tpu.memory_space<vmem_shared>>)
      tpu.yield
    }) : () -> ()
    %mul3A_883 = arith.constant 624 : i32
    %mul3A_884 = arith.muli %arg1, %mul3A_883 : i32
    %add3A_885 = arith.constant 448 : i32
    %add3A_886 = arith.addi %mul3A_884, %add3A_885 : i32
    "tpu.region"() ({
      %run_scoped3A = tpu.sem_alloc : memref<!tpu.dma_semaphore, #tpu.memory_space<semaphore_mem>>
      %dma_start3A_951 = arith.constant 0 : i32
      %dma_start3A_952 = tpu.memref_slice %arg13[%add3A_886, %dma_start3A_951] : memref<10000x128xf32, #tpu.memory_space<vmem_shared>> -> memref<16x128xf32, #tpu.memory_space<vmem_shared>>
      %dma_start3A_953 = arith.constant 0 : i32
      %dma_start3A_954 = tpu.memref_slice %arg13[%add3A_886, %dma_start3A_953] : memref<10000x128xf32, #tpu.memory_space<vmem_shared>> -> memref<16x128xf32, #tpu.memory_space<vmem_shared>>
      tpu.enqueue_dma source(%arg12 : memref<16x128xf32, #tpu.memory_space<vmem>>) target(%dma_start3A_954 : memref<16x128xf32, #tpu.memory_space<vmem_shared>>) target_semaphore(%run_scoped3A : memref<!tpu.dma_semaphore, #tpu.memory_space<semaphore_mem>>)
      %dma_wait3A_955 = arith.constant 0 : i32
      %dma_wait3A_956 = tpu.memref_slice %arg13[%add3A_886, %dma_wait3A_955] : memref<10000x128xf32, #tpu.memory_space<vmem_shared>> -> memref<16x128xf32, #tpu.memory_space<vmem_shared>>
      %dma_wait3A_957 = arith.constant 0 : i32
      %dma_wait3A_958 = tpu.memref_slice %arg13[%add3A_886, %dma_wait3A_957] : memref<10000x128xf32, #tpu.memory_space<vmem_shared>> -> memref<16x128xf32, #tpu.memory_space<vmem_shared>>
      tpu.wait_dma2 semaphore(%run_scoped3A : memref<!tpu.dma_semaphore, #tpu.memory_space<semaphore_mem>>) src(%arg12 : memref<16x128xf32, #tpu.memory_space<vmem>>) dst(%dma_wait3A_958 : memref<16x128xf32, #tpu.memory_space<vmem_shared>>)
      tpu.yield
    }) : () -> ()
    %mul3A_887 = arith.constant 624 : i32
    %mul3A_888 = arith.muli %arg1, %mul3A_887 : i32
    %add3A_889 = arith.constant 464 : i32
    %add3A_890 = arith.addi %mul3A_888, %add3A_889 : i32
    "tpu.region"() ({
      %run_scoped3A = tpu.sem_alloc : memref<!tpu.dma_semaphore, #tpu.memory_space<semaphore_mem>>
      %dma_start3A_951 = arith.constant 0 : i32
      %dma_start3A_952 = tpu.memref_slice %arg13[%add3A_890, %dma_start3A_951] : memref<10000x128xf32, #tpu.memory_space<vmem_shared>> -> memref<16x128xf32, #tpu.memory_space<vmem_shared>>
      %dma_start3A_953 = arith.constant 0 : i32
      %dma_start3A_954 = tpu.memref_slice %arg13[%add3A_890, %dma_start3A_953] : memref<10000x128xf32, #tpu.memory_space<vmem_shared>> -> memref<16x128xf32, #tpu.memory_space<vmem_shared>>
      tpu.enqueue_dma source(%arg12 : memref<16x128xf32, #tpu.memory_space<vmem>>) target(%dma_start3A_954 : memref<16x128xf32, #tpu.memory_space<vmem_shared>>) target_semaphore(%run_scoped3A : memref<!tpu.dma_semaphore, #tpu.memory_space<semaphore_mem>>)
      %dma_wait3A_955 = arith.constant 0 : i32
      %dma_wait3A_956 = tpu.memref_slice %arg13[%add3A_890, %dma_wait3A_955] : memref<10000x128xf32, #tpu.memory_space<vmem_shared>> -> memref<16x128xf32, #tpu.memory_space<vmem_shared>>
      %dma_wait3A_957 = arith.constant 0 : i32
      %dma_wait3A_958 = tpu.memref_slice %arg13[%add3A_890, %dma_wait3A_957] : memref<10000x128xf32, #tpu.memory_space<vmem_shared>> -> memref<16x128xf32, #tpu.memory_space<vmem_shared>>
      tpu.wait_dma2 semaphore(%run_scoped3A : memref<!tpu.dma_semaphore, #tpu.memory_space<semaphore_mem>>) src(%arg12 : memref<16x128xf32, #tpu.memory_space<vmem>>) dst(%dma_wait3A_958 : memref<16x128xf32, #tpu.memory_space<vmem_shared>>)
      tpu.yield
    }) : () -> ()
    %mul3A_891 = arith.constant 624 : i32
    %mul3A_892 = arith.muli %arg1, %mul3A_891 : i32
    %add3A_893 = arith.constant 480 : i32
    %add3A_894 = arith.addi %mul3A_892, %add3A_893 : i32
    "tpu.region"() ({
      %run_scoped3A = tpu.sem_alloc : memref<!tpu.dma_semaphore, #tpu.memory_space<semaphore_mem>>
      %dma_start3A_951 = arith.constant 0 : i32
      %dma_start3A_952 = tpu.memref_slice %arg13[%add3A_894, %dma_start3A_951] : memref<10000x128xf32, #tpu.memory_space<vmem_shared>> -> memref<16x128xf32, #tpu.memory_space<vmem_shared>>
      %dma_start3A_953 = arith.constant 0 : i32
      %dma_start3A_954 = tpu.memref_slice %arg13[%add3A_894, %dma_start3A_953] : memref<10000x128xf32, #tpu.memory_space<vmem_shared>> -> memref<16x128xf32, #tpu.memory_space<vmem_shared>>
      tpu.enqueue_dma source(%arg12 : memref<16x128xf32, #tpu.memory_space<vmem>>) target(%dma_start3A_954 : memref<16x128xf32, #tpu.memory_space<vmem_shared>>) target_semaphore(%run_scoped3A : memref<!tpu.dma_semaphore, #tpu.memory_space<semaphore_mem>>)
      %dma_wait3A_955 = arith.constant 0 : i32
      %dma_wait3A_956 = tpu.memref_slice %arg13[%add3A_894, %dma_wait3A_955] : memref<10000x128xf32, #tpu.memory_space<vmem_shared>> -> memref<16x128xf32, #tpu.memory_space<vmem_shared>>
      %dma_wait3A_957 = arith.constant 0 : i32
      %dma_wait3A_958 = tpu.memref_slice %arg13[%add3A_894, %dma_wait3A_957] : memref<10000x128xf32, #tpu.memory_space<vmem_shared>> -> memref<16x128xf32, #tpu.memory_space<vmem_shared>>
      tpu.wait_dma2 semaphore(%run_scoped3A : memref<!tpu.dma_semaphore, #tpu.memory_space<semaphore_mem>>) src(%arg12 : memref<16x128xf32, #tpu.memory_space<vmem>>) dst(%dma_wait3A_958 : memref<16x128xf32, #tpu.memory_space<vmem_shared>>)
      tpu.yield
    }) : () -> ()
    %mul3A_895 = arith.constant 624 : i32
    %mul3A_896 = arith.muli %arg1, %mul3A_895 : i32
    %add3A_897 = arith.constant 496 : i32
    %add3A_898 = arith.addi %mul3A_896, %add3A_897 : i32
    "tpu.region"() ({
      %run_scoped3A = tpu.sem_alloc : memref<!tpu.dma_semaphore, #tpu.memory_space<semaphore_mem>>
      %dma_start3A_951 = arith.constant 0 : i32
      %dma_start3A_952 = tpu.memref_slice %arg13[%add3A_898, %dma_start3A_951] : memref<10000x128xf32, #tpu.memory_space<vmem_shared>> -> memref<16x128xf32, #tpu.memory_space<vmem_shared>>
      %dma_start3A_953 = arith.constant 0 : i32
      %dma_start3A_954 = tpu.memref_slice %arg13[%add3A_898, %dma_start3A_953] : memref<10000x128xf32, #tpu.memory_space<vmem_shared>> -> memref<16x128xf32, #tpu.memory_space<vmem_shared>>
      tpu.enqueue_dma source(%arg12 : memref<16x128xf32, #tpu.memory_space<vmem>>) target(%dma_start3A_954 : memref<16x128xf32, #tpu.memory_space<vmem_shared>>) target_semaphore(%run_scoped3A : memref<!tpu.dma_semaphore, #tpu.memory_space<semaphore_mem>>)
      %dma_wait3A_955 = arith.constant 0 : i32
      %dma_wait3A_956 = tpu.memref_slice %arg13[%add3A_898, %dma_wait3A_955] : memref<10000x128xf32, #tpu.memory_space<vmem_shared>> -> memref<16x128xf32, #tpu.memory_space<vmem_shared>>
      %dma_wait3A_957 = arith.constant 0 : i32
      %dma_wait3A_958 = tpu.memref_slice %arg13[%add3A_898, %dma_wait3A_957] : memref<10000x128xf32, #tpu.memory_space<vmem_shared>> -> memref<16x128xf32, #tpu.memory_space<vmem_shared>>
      tpu.wait_dma2 semaphore(%run_scoped3A : memref<!tpu.dma_semaphore, #tpu.memory_space<semaphore_mem>>) src(%arg12 : memref<16x128xf32, #tpu.memory_space<vmem>>) dst(%dma_wait3A_958 : memref<16x128xf32, #tpu.memory_space<vmem_shared>>)
      tpu.yield
    }) : () -> ()
    %mul3A_899 = arith.constant 624 : i32
    %mul3A_900 = arith.muli %arg1, %mul3A_899 : i32
    %add3A_901 = arith.constant 512 : i32
    %add3A_902 = arith.addi %mul3A_900, %add3A_901 : i32
    "tpu.region"() ({
      %run_scoped3A = tpu.sem_alloc : memref<!tpu.dma_semaphore, #tpu.memory_space<semaphore_mem>>
      %dma_start3A_951 = arith.constant 0 : i32
      %dma_start3A_952 = tpu.memref_slice %arg13[%add3A_902, %dma_start3A_951] : memref<10000x128xf32, #tpu.memory_space<vmem_shared>> -> memref<16x128xf32, #tpu.memory_space<vmem_shared>>
      %dma_start3A_953 = arith.constant 0 : i32
      %dma_start3A_954 = tpu.memref_slice %arg13[%add3A_902, %dma_start3A_953] : memref<10000x128xf32, #tpu.memory_space<vmem_shared>> -> memref<16x128xf32, #tpu.memory_space<vmem_shared>>
      tpu.enqueue_dma source(%arg12 : memref<16x128xf32, #tpu.memory_space<vmem>>) target(%dma_start3A_954 : memref<16x128xf32, #tpu.memory_space<vmem_shared>>) target_semaphore(%run_scoped3A : memref<!tpu.dma_semaphore, #tpu.memory_space<semaphore_mem>>)
      %dma_wait3A_955 = arith.constant 0 : i32
      %dma_wait3A_956 = tpu.memref_slice %arg13[%add3A_902, %dma_wait3A_955] : memref<10000x128xf32, #tpu.memory_space<vmem_shared>> -> memref<16x128xf32, #tpu.memory_space<vmem_shared>>
      %dma_wait3A_957 = arith.constant 0 : i32
      %dma_wait3A_958 = tpu.memref_slice %arg13[%add3A_902, %dma_wait3A_957] : memref<10000x128xf32, #tpu.memory_space<vmem_shared>> -> memref<16x128xf32, #tpu.memory_space<vmem_shared>>
      tpu.wait_dma2 semaphore(%run_scoped3A : memref<!tpu.dma_semaphore, #tpu.memory_space<semaphore_mem>>) src(%arg12 : memref<16x128xf32, #tpu.memory_space<vmem>>) dst(%dma_wait3A_958 : memref<16x128xf32, #tpu.memory_space<vmem_shared>>)
      tpu.yield
    }) : () -> ()
    %mul3A_903 = arith.constant 624 : i32
    %mul3A_904 = arith.muli %arg1, %mul3A_903 : i32
    %add3A_905 = arith.constant 528 : i32
    %add3A_906 = arith.addi %mul3A_904, %add3A_905 : i32
    "tpu.region"() ({
      %run_scoped3A = tpu.sem_alloc : memref<!tpu.dma_semaphore, #tpu.memory_space<semaphore_mem>>
      %dma_start3A_951 = arith.constant 0 : i32
      %dma_start3A_952 = tpu.memref_slice %arg13[%add3A_906, %dma_start3A_951] : memref<10000x128xf32, #tpu.memory_space<vmem_shared>> -> memref<16x128xf32, #tpu.memory_space<vmem_shared>>
      %dma_start3A_953 = arith.constant 0 : i32
      %dma_start3A_954 = tpu.memref_slice %arg13[%add3A_906, %dma_start3A_953] : memref<10000x128xf32, #tpu.memory_space<vmem_shared>> -> memref<16x128xf32, #tpu.memory_space<vmem_shared>>
      tpu.enqueue_dma source(%arg12 : memref<16x128xf32, #tpu.memory_space<vmem>>) target(%dma_start3A_954 : memref<16x128xf32, #tpu.memory_space<vmem_shared>>) target_semaphore(%run_scoped3A : memref<!tpu.dma_semaphore, #tpu.memory_space<semaphore_mem>>)
      %dma_wait3A_955 = arith.constant 0 : i32
      %dma_wait3A_956 = tpu.memref_slice %arg13[%add3A_906, %dma_wait3A_955] : memref<10000x128xf32, #tpu.memory_space<vmem_shared>> -> memref<16x128xf32, #tpu.memory_space<vmem_shared>>
      %dma_wait3A_957 = arith.constant 0 : i32
      %dma_wait3A_958 = tpu.memref_slice %arg13[%add3A_906, %dma_wait3A_957] : memref<10000x128xf32, #tpu.memory_space<vmem_shared>> -> memref<16x128xf32, #tpu.memory_space<vmem_shared>>
      tpu.wait_dma2 semaphore(%run_scoped3A : memref<!tpu.dma_semaphore, #tpu.memory_space<semaphore_mem>>) src(%arg12 : memref<16x128xf32, #tpu.memory_space<vmem>>) dst(%dma_wait3A_958 : memref<16x128xf32, #tpu.memory_space<vmem_shared>>)
      tpu.yield
    }) : () -> ()
    %mul3A_907 = arith.constant 624 : i32
    %mul3A_908 = arith.muli %arg1, %mul3A_907 : i32
    %add3A_909 = arith.constant 544 : i32
    %add3A_910 = arith.addi %mul3A_908, %add3A_909 : i32
    "tpu.region"() ({
      %run_scoped3A = tpu.sem_alloc : memref<!tpu.dma_semaphore, #tpu.memory_space<semaphore_mem>>
      %dma_start3A_951 = arith.constant 0 : i32
      %dma_start3A_952 = tpu.memref_slice %arg13[%add3A_910, %dma_start3A_951] : memref<10000x128xf32, #tpu.memory_space<vmem_shared>> -> memref<16x128xf32, #tpu.memory_space<vmem_shared>>
      %dma_start3A_953 = arith.constant 0 : i32
      %dma_start3A_954 = tpu.memref_slice %arg13[%add3A_910, %dma_start3A_953] : memref<10000x128xf32, #tpu.memory_space<vmem_shared>> -> memref<16x128xf32, #tpu.memory_space<vmem_shared>>
      tpu.enqueue_dma source(%arg12 : memref<16x128xf32, #tpu.memory_space<vmem>>) target(%dma_start3A_954 : memref<16x128xf32, #tpu.memory_space<vmem_shared>>) target_semaphore(%run_scoped3A : memref<!tpu.dma_semaphore, #tpu.memory_space<semaphore_mem>>)
      %dma_wait3A_955 = arith.constant 0 : i32
      %dma_wait3A_956 = tpu.memref_slice %arg13[%add3A_910, %dma_wait3A_955] : memref<10000x128xf32, #tpu.memory_space<vmem_shared>> -> memref<16x128xf32, #tpu.memory_space<vmem_shared>>
      %dma_wait3A_957 = arith.constant 0 : i32
      %dma_wait3A_958 = tpu.memref_slice %arg13[%add3A_910, %dma_wait3A_957] : memref<10000x128xf32, #tpu.memory_space<vmem_shared>> -> memref<16x128xf32, #tpu.memory_space<vmem_shared>>
      tpu.wait_dma2 semaphore(%run_scoped3A : memref<!tpu.dma_semaphore, #tpu.memory_space<semaphore_mem>>) src(%arg12 : memref<16x128xf32, #tpu.memory_space<vmem>>) dst(%dma_wait3A_958 : memref<16x128xf32, #tpu.memory_space<vmem_shared>>)
      tpu.yield
    }) : () -> ()
    %mul3A_911 = arith.constant 624 : i32
    %mul3A_912 = arith.muli %arg1, %mul3A_911 : i32
    %add3A_913 = arith.constant 560 : i32
    %add3A_914 = arith.addi %mul3A_912, %add3A_913 : i32
    "tpu.region"() ({
      %run_scoped3A = tpu.sem_alloc : memref<!tpu.dma_semaphore, #tpu.memory_space<semaphore_mem>>
      %dma_start3A_951 = arith.constant 0 : i32
      %dma_start3A_952 = tpu.memref_slice %arg13[%add3A_914, %dma_start3A_951] : memref<10000x128xf32, #tpu.memory_space<vmem_shared>> -> memref<16x128xf32, #tpu.memory_space<vmem_shared>>
      %dma_start3A_953 = arith.constant 0 : i32
      %dma_start3A_954 = tpu.memref_slice %arg13[%add3A_914, %dma_start3A_953] : memref<10000x128xf32, #tpu.memory_space<vmem_shared>> -> memref<16x128xf32, #tpu.memory_space<vmem_shared>>
      tpu.enqueue_dma source(%arg12 : memref<16x128xf32, #tpu.memory_space<vmem>>) target(%dma_start3A_954 : memref<16x128xf32, #tpu.memory_space<vmem_shared>>) target_semaphore(%run_scoped3A : memref<!tpu.dma_semaphore, #tpu.memory_space<semaphore_mem>>)
      %dma_wait3A_955 = arith.constant 0 : i32
      %dma_wait3A_956 = tpu.memref_slice %arg13[%add3A_914, %dma_wait3A_955] : memref<10000x128xf32, #tpu.memory_space<vmem_shared>> -> memref<16x128xf32, #tpu.memory_space<vmem_shared>>
      %dma_wait3A_957 = arith.constant 0 : i32
      %dma_wait3A_958 = tpu.memref_slice %arg13[%add3A_914, %dma_wait3A_957] : memref<10000x128xf32, #tpu.memory_space<vmem_shared>> -> memref<16x128xf32, #tpu.memory_space<vmem_shared>>
      tpu.wait_dma2 semaphore(%run_scoped3A : memref<!tpu.dma_semaphore, #tpu.memory_space<semaphore_mem>>) src(%arg12 : memref<16x128xf32, #tpu.memory_space<vmem>>) dst(%dma_wait3A_958 : memref<16x128xf32, #tpu.memory_space<vmem_shared>>)
      tpu.yield
    }) : () -> ()
    %mul3A_915 = arith.constant 624 : i32
    %mul3A_916 = arith.muli %arg1, %mul3A_915 : i32
    %add3A_917 = arith.constant 576 : i32
    %add3A_918 = arith.addi %mul3A_916, %add3A_917 : i32
    "tpu.region"() ({
      %run_scoped3A = tpu.sem_alloc : memref<!tpu.dma_semaphore, #tpu.memory_space<semaphore_mem>>
      %dma_start3A_951 = arith.constant 0 : i32
      %dma_start3A_952 = tpu.memref_slice %arg13[%add3A_918, %dma_start3A_951] : memref<10000x128xf32, #tpu.memory_space<vmem_shared>> -> memref<16x128xf32, #tpu.memory_space<vmem_shared>>
      %dma_start3A_953 = arith.constant 0 : i32
      %dma_start3A_954 = tpu.memref_slice %arg13[%add3A_918, %dma_start3A_953] : memref<10000x128xf32, #tpu.memory_space<vmem_shared>> -> memref<16x128xf32, #tpu.memory_space<vmem_shared>>
      tpu.enqueue_dma source(%arg12 : memref<16x128xf32, #tpu.memory_space<vmem>>) target(%dma_start3A_954 : memref<16x128xf32, #tpu.memory_space<vmem_shared>>) target_semaphore(%run_scoped3A : memref<!tpu.dma_semaphore, #tpu.memory_space<semaphore_mem>>)
      %dma_wait3A_955 = arith.constant 0 : i32
      %dma_wait3A_956 = tpu.memref_slice %arg13[%add3A_918, %dma_wait3A_955] : memref<10000x128xf32, #tpu.memory_space<vmem_shared>> -> memref<16x128xf32, #tpu.memory_space<vmem_shared>>
      %dma_wait3A_957 = arith.constant 0 : i32
      %dma_wait3A_958 = tpu.memref_slice %arg13[%add3A_918, %dma_wait3A_957] : memref<10000x128xf32, #tpu.memory_space<vmem_shared>> -> memref<16x128xf32, #tpu.memory_space<vmem_shared>>
      tpu.wait_dma2 semaphore(%run_scoped3A : memref<!tpu.dma_semaphore, #tpu.memory_space<semaphore_mem>>) src(%arg12 : memref<16x128xf32, #tpu.memory_space<vmem>>) dst(%dma_wait3A_958 : memref<16x128xf32, #tpu.memory_space<vmem_shared>>)
      tpu.yield
    }) : () -> ()
    %mul3A_919 = arith.constant 624 : i32
    %mul3A_920 = arith.muli %arg1, %mul3A_919 : i32
    %add3A_921 = arith.constant 592 : i32
    %add3A_922 = arith.addi %mul3A_920, %add3A_921 : i32
    "tpu.region"() ({
      %run_scoped3A = tpu.sem_alloc : memref<!tpu.dma_semaphore, #tpu.memory_space<semaphore_mem>>
      %dma_start3A_951 = arith.constant 0 : i32
      %dma_start3A_952 = tpu.memref_slice %arg13[%add3A_922, %dma_start3A_951] : memref<10000x128xf32, #tpu.memory_space<vmem_shared>> -> memref<16x128xf32, #tpu.memory_space<vmem_shared>>
      %dma_start3A_953 = arith.constant 0 : i32
      %dma_start3A_954 = tpu.memref_slice %arg13[%add3A_922, %dma_start3A_953] : memref<10000x128xf32, #tpu.memory_space<vmem_shared>> -> memref<16x128xf32, #tpu.memory_space<vmem_shared>>
      tpu.enqueue_dma source(%arg12 : memref<16x128xf32, #tpu.memory_space<vmem>>) target(%dma_start3A_954 : memref<16x128xf32, #tpu.memory_space<vmem_shared>>) target_semaphore(%run_scoped3A : memref<!tpu.dma_semaphore, #tpu.memory_space<semaphore_mem>>)
      %dma_wait3A_955 = arith.constant 0 : i32
      %dma_wait3A_956 = tpu.memref_slice %arg13[%add3A_922, %dma_wait3A_955] : memref<10000x128xf32, #tpu.memory_space<vmem_shared>> -> memref<16x128xf32, #tpu.memory_space<vmem_shared>>
      %dma_wait3A_957 = arith.constant 0 : i32
      %dma_wait3A_958 = tpu.memref_slice %arg13[%add3A_922, %dma_wait3A_957] : memref<10000x128xf32, #tpu.memory_space<vmem_shared>> -> memref<16x128xf32, #tpu.memory_space<vmem_shared>>
      tpu.wait_dma2 semaphore(%run_scoped3A : memref<!tpu.dma_semaphore, #tpu.memory_space<semaphore_mem>>) src(%arg12 : memref<16x128xf32, #tpu.memory_space<vmem>>) dst(%dma_wait3A_958 : memref<16x128xf32, #tpu.memory_space<vmem_shared>>)
      tpu.yield
    }) : () -> ()
    %mul3A_923 = arith.constant 624 : i32
    %mul3A_924 = arith.muli %arg1, %mul3A_923 : i32
    %add3A_925 = arith.constant 608 : i32
    %add3A_926 = arith.addi %mul3A_924, %add3A_925 : i32
    "tpu.region"() ({
      %run_scoped3A = tpu.sem_alloc : memref<!tpu.dma_semaphore, #tpu.memory_space<semaphore_mem>>
      %dma_start3A_951 = arith.constant 0 : i32
      %dma_start3A_952 = tpu.memref_slice %arg13[%add3A_926, %dma_start3A_951] : memref<10000x128xf32, #tpu.memory_space<vmem_shared>> -> memref<16x128xf32, #tpu.memory_space<vmem_shared>>
      %dma_start3A_953 = arith.constant 0 : i32
      %dma_start3A_954 = tpu.memref_slice %arg13[%add3A_926, %dma_start3A_953] : memref<10000x128xf32, #tpu.memory_space<vmem_shared>> -> memref<16x128xf32, #tpu.memory_space<vmem_shared>>
      tpu.enqueue_dma source(%arg12 : memref<16x128xf32, #tpu.memory_space<vmem>>) target(%dma_start3A_954 : memref<16x128xf32, #tpu.memory_space<vmem_shared>>) target_semaphore(%run_scoped3A : memref<!tpu.dma_semaphore, #tpu.memory_space<semaphore_mem>>)
      %dma_wait3A_955 = arith.constant 0 : i32
      %dma_wait3A_956 = tpu.memref_slice %arg13[%add3A_926, %dma_wait3A_955] : memref<10000x128xf32, #tpu.memory_space<vmem_shared>> -> memref<16x128xf32, #tpu.memory_space<vmem_shared>>
      %dma_wait3A_957 = arith.constant 0 : i32
      %dma_wait3A_958 = tpu.memref_slice %arg13[%add3A_926, %dma_wait3A_957] : memref<10000x128xf32, #tpu.memory_space<vmem_shared>> -> memref<16x128xf32, #tpu.memory_space<vmem_shared>>
      tpu.wait_dma2 semaphore(%run_scoped3A : memref<!tpu.dma_semaphore, #tpu.memory_space<semaphore_mem>>) src(%arg12 : memref<16x128xf32, #tpu.memory_space<vmem>>) dst(%dma_wait3A_958 : memref<16x128xf32, #tpu.memory_space<vmem_shared>>)
      tpu.yield
    }) : () -> ()
    %eq3A = arith.constant 0 : i32
    %eq3A_927 = arith.cmpi eq, %arg1, %eq3A : i32
    %convert_element_type3A = arith.extui %eq3A_927 : i1 to i32
    %cond3A = arith.constant 0 : i32
    %cond3A_928 = arith.cmpi ne, %convert_element_type3A, %cond3A : i32
    scf.if %cond3A_928 {
      "tpu.region"() ({
        %run_scoped3A = tpu.sem_alloc : memref<!tpu.dma_semaphore, #tpu.memory_space<semaphore_mem>>
        %dma_start3A_951 = arith.constant 9984 : i32
        %dma_start3A_952 = arith.constant 0 : i32
        %dma_start3A_953 = tpu.memref_slice %arg13[%dma_start3A_951, %dma_start3A_952] : memref<10000x128xf32, #tpu.memory_space<vmem_shared>> -> memref<16x128xf32, #tpu.memory_space<vmem_shared>>
        %dma_start3A_954 = arith.constant 9984 : i32
        %dma_start3A_955 = arith.constant 0 : i32
        %dma_start3A_956 = tpu.memref_slice %arg13[%dma_start3A_954, %dma_start3A_955] : memref<10000x128xf32, #tpu.memory_space<vmem_shared>> -> memref<16x128xf32, #tpu.memory_space<vmem_shared>>
        tpu.enqueue_dma source(%arg12 : memref<16x128xf32, #tpu.memory_space<vmem>>) target(%dma_start3A_956 : memref<16x128xf32, #tpu.memory_space<vmem_shared>>) target_semaphore(%run_scoped3A : memref<!tpu.dma_semaphore, #tpu.memory_space<semaphore_mem>>)
        %dma_wait3A_957 = arith.constant 9984 : i32
        %dma_wait3A_958 = arith.constant 0 : i32
        %dma_wait3A_959 = tpu.memref_slice %arg13[%dma_wait3A_957, %dma_wait3A_958] : memref<10000x128xf32, #tpu.memory_space<vmem_shared>> -> memref<16x128xf32, #tpu.memory_space<vmem_shared>>
        %dma_wait3A_960 = arith.constant 9984 : i32
        %dma_wait3A_961 = arith.constant 0 : i32
        %dma_wait3A_962 = tpu.memref_slice %arg13[%dma_wait3A_960, %dma_wait3A_961] : memref<10000x128xf32, #tpu.memory_space<vmem_shared>> -> memref<16x128xf32, #tpu.memory_space<vmem_shared>>
        tpu.wait_dma2 semaphore(%run_scoped3A : memref<!tpu.dma_semaphore, #tpu.memory_space<semaphore_mem>>) src(%arg12 : memref<16x128xf32, #tpu.memory_space<vmem>>) dst(%dma_wait3A_962 : memref<16x128xf32, #tpu.memory_space<vmem_shared>>)
        tpu.yield
      }) : () -> ()
    } else {
    }
    %barrier3A = arith.constant 0 : index
    tpu.barrier barrier_id(%barrier3A)
    %add3A_929 = arith.constant 0 : i32
    %add3A_930 = arith.addi %mul3A_2, %add3A_929 : i32
    "tpu.region"() ({
      %run_scoped3A = tpu.sem_alloc : memref<!tpu.dma_semaphore, #tpu.memory_space<semaphore_mem>>
      %dma_start3A_951 = tpu.memref_slice %arg3[%add3A_930] : memref<320000xi32, #tpu.memory_space<hbm>> -> memref<80xi32, #tpu.memory_space<hbm>>
      %dma_start3A_952 = tpu.memref_slice %arg3[%add3A_930] : memref<320000xi32, #tpu.memory_space<hbm>> -> memref<80xi32, #tpu.memory_space<hbm>>
      tpu.enqueue_dma source(%dma_start3A_952 : memref<80xi32, #tpu.memory_space<hbm>>) target(%arg6 : memref<80xi32, #tpu.memory_space<vmem>>) target_semaphore(%run_scoped3A : memref<!tpu.dma_semaphore, #tpu.memory_space<semaphore_mem>>)
      %dma_wait3A_953 = tpu.memref_slice %arg3[%add3A_930] : memref<320000xi32, #tpu.memory_space<hbm>> -> memref<80xi32, #tpu.memory_space<hbm>>
      %dma_wait3A_954 = tpu.memref_slice %arg3[%add3A_930] : memref<320000xi32, #tpu.memory_space<hbm>> -> memref<80xi32, #tpu.memory_space<hbm>>
      tpu.wait_dma2 semaphore(%run_scoped3A : memref<!tpu.dma_semaphore, #tpu.memory_space<semaphore_mem>>) src(%dma_wait3A_954 : memref<80xi32, #tpu.memory_space<hbm>>) dst(%arg6 : memref<80xi32, #tpu.memory_space<vmem>>)
      tpu.yield
    }) : () -> ()
    %add3A_931 = arith.constant 0 : i32
    %add3A_932 = arith.addi %mul3A_2, %add3A_931 : i32
    "tpu.region"() ({
      %run_scoped3A = tpu.sem_alloc : memref<!tpu.dma_semaphore, #tpu.memory_space<semaphore_mem>>
      %dma_start3A_951 = tpu.memref_slice %arg4[%add3A_932] : memref<320000xi32, #tpu.memory_space<hbm>> -> memref<80xi32, #tpu.memory_space<hbm>>
      %dma_start3A_952 = tpu.memref_slice %arg4[%add3A_932] : memref<320000xi32, #tpu.memory_space<hbm>> -> memref<80xi32, #tpu.memory_space<hbm>>
      tpu.enqueue_dma source(%dma_start3A_952 : memref<80xi32, #tpu.memory_space<hbm>>) target(%arg8 : memref<80xi32, #tpu.memory_space<vmem>>) target_semaphore(%run_scoped3A : memref<!tpu.dma_semaphore, #tpu.memory_space<semaphore_mem>>)
      %dma_wait3A_953 = tpu.memref_slice %arg4[%add3A_932] : memref<320000xi32, #tpu.memory_space<hbm>> -> memref<80xi32, #tpu.memory_space<hbm>>
      %dma_wait3A_954 = tpu.memref_slice %arg4[%add3A_932] : memref<320000xi32, #tpu.memory_space<hbm>> -> memref<80xi32, #tpu.memory_space<hbm>>
      tpu.wait_dma2 semaphore(%run_scoped3A : memref<!tpu.dma_semaphore, #tpu.memory_space<semaphore_mem>>) src(%dma_wait3A_954 : memref<80xi32, #tpu.memory_space<hbm>>) dst(%arg8 : memref<80xi32, #tpu.memory_space<vmem>>)
      tpu.yield
    }) : () -> ()
    %dma_start3A = arith.constant 0 : i32
    %dma_start3A_933 = arith.constant 0 : i32
    %dma_start3A_934 = tpu.memref_slice %arg2[%dma_start3A, %dma_start3A_933] : memref<10000x128xf32, #tpu.memory_space<hbm>> -> memref<10000x128xf32, #tpu.memory_space<hbm>>
    tpu.enqueue_indirect_dma source(%dma_start3A_934 : memref<10000x128xf32, #tpu.memory_space<hbm>>) target(%arg10 : memref<80x128xf32, #tpu.memory_space<vmem>>) offsets(%arg6 : memref<80xi32, #tpu.memory_space<vmem>>) semaphore(%arg14 : memref<!tpu.dma_semaphore, #tpu.memory_space<semaphore_mem>>)
    %scan3A = arith.constant 0 : i32
    %scan3A_935 = arith.constant 62 : i32
    %scan3A_936 = arith.addi %scan3A, %scan3A_935 : i32
    %scan3A_937 = arith.constant 1 : i32
    scf.for %scan3A_951 = %scan3A to %scan3A_936 step %scan3A_937  : i32 {
      %mul3A_952 = arith.constant 1 : i32
      %mul3A_953 = arith.muli %scan3A_951, %mul3A_952 : i32
      %add3A_954 = arith.constant 0 : i32
      %add3A_955 = arith.addi %add3A_954, %mul3A_953 : i32
      %mul3A_956 = arith.constant 2 : i32
      %mul3A_957 = arith.muli %mul3A_956, %add3A_955 : i32
      %add3A_958 = arith.constant 1 : i32
      %add3A_959 = arith.addi %mul3A_957, %add3A_958 : i32
      %mul3A_960 = arith.constant 80 : i32
      %mul3A_961 = arith.muli %add3A_959, %mul3A_960 : i32
      %add3A_962 = arith.addi %mul3A_2, %mul3A_961 : i32
      "tpu.region"() ({
        %run_scoped3A = tpu.sem_alloc : memref<!tpu.dma_semaphore, #tpu.memory_space<semaphore_mem>>
        %dma_start3A_986 = tpu.memref_slice %arg3[%add3A_962] : memref<320000xi32, #tpu.memory_space<hbm>> -> memref<80xi32, #tpu.memory_space<hbm>>
        %dma_start3A_987 = tpu.memref_slice %arg3[%add3A_962] : memref<320000xi32, #tpu.memory_space<hbm>> -> memref<80xi32, #tpu.memory_space<hbm>>
        tpu.enqueue_dma source(%dma_start3A_987 : memref<80xi32, #tpu.memory_space<hbm>>) target(%arg7 : memref<80xi32, #tpu.memory_space<vmem>>) target_semaphore(%run_scoped3A : memref<!tpu.dma_semaphore, #tpu.memory_space<semaphore_mem>>)
        %dma_wait3A_988 = tpu.memref_slice %arg3[%add3A_962] : memref<320000xi32, #tpu.memory_space<hbm>> -> memref<80xi32, #tpu.memory_space<hbm>>
        %dma_wait3A_989 = tpu.memref_slice %arg3[%add3A_962] : memref<320000xi32, #tpu.memory_space<hbm>> -> memref<80xi32, #tpu.memory_space<hbm>>
        tpu.wait_dma2 semaphore(%run_scoped3A : memref<!tpu.dma_semaphore, #tpu.memory_space<semaphore_mem>>) src(%dma_wait3A_989 : memref<80xi32, #tpu.memory_space<hbm>>) dst(%arg7 : memref<80xi32, #tpu.memory_space<vmem>>)
        tpu.yield
      }) : () -> ()
      %mul3A_963 = arith.constant 80 : i32
      %mul3A_964 = arith.muli %add3A_959, %mul3A_963 : i32
      %add3A_965 = arith.addi %mul3A_2, %mul3A_964 : i32
      "tpu.region"() ({
        %run_scoped3A = tpu.sem_alloc : memref<!tpu.dma_semaphore, #tpu.memory_space<semaphore_mem>>
        %dma_start3A_986 = tpu.memref_slice %arg4[%add3A_965] : memref<320000xi32, #tpu.memory_space<hbm>> -> memref<80xi32, #tpu.memory_space<hbm>>
        %dma_start3A_987 = tpu.memref_slice %arg4[%add3A_965] : memref<320000xi32, #tpu.memory_space<hbm>> -> memref<80xi32, #tpu.memory_space<hbm>>
        tpu.enqueue_dma source(%dma_start3A_987 : memref<80xi32, #tpu.memory_space<hbm>>) target(%arg9 : memref<80xi32, #tpu.memory_space<vmem>>) target_semaphore(%run_scoped3A : memref<!tpu.dma_semaphore, #tpu.memory_space<semaphore_mem>>)
        %dma_wait3A_988 = tpu.memref_slice %arg4[%add3A_965] : memref<320000xi32, #tpu.memory_space<hbm>> -> memref<80xi32, #tpu.memory_space<hbm>>
        %dma_wait3A_989 = tpu.memref_slice %arg4[%add3A_965] : memref<320000xi32, #tpu.memory_space<hbm>> -> memref<80xi32, #tpu.memory_space<hbm>>
        tpu.wait_dma2 semaphore(%run_scoped3A : memref<!tpu.dma_semaphore, #tpu.memory_space<semaphore_mem>>) src(%dma_wait3A_989 : memref<80xi32, #tpu.memory_space<hbm>>) dst(%arg9 : memref<80xi32, #tpu.memory_space<vmem>>)
        tpu.yield
      }) : () -> ()
      %dma_start3A_966 = arith.constant 0 : i32
      %dma_start3A_967 = arith.constant 0 : i32
      %dma_start3A_968 = tpu.memref_slice %arg2[%dma_start3A_966, %dma_start3A_967] : memref<10000x128xf32, #tpu.memory_space<hbm>> -> memref<10000x128xf32, #tpu.memory_space<hbm>>
      tpu.enqueue_indirect_dma source(%dma_start3A_968 : memref<10000x128xf32, #tpu.memory_space<hbm>>) target(%arg11 : memref<80x128xf32, #tpu.memory_space<vmem>>) offsets(%arg7 : memref<80xi32, #tpu.memory_space<vmem>>) semaphore(%arg15 : memref<!tpu.dma_semaphore, #tpu.memory_space<semaphore_mem>>)
      %dma_wait3A_969 = arith.constant 0 : i32
      %dma_wait3A_970 = arith.constant 0 : i32
      %dma_wait3A_971 = tpu.memref_slice %arg2[%dma_wait3A_969, %dma_wait3A_970] : memref<10000x128xf32, #tpu.memory_space<hbm>> -> memref<10000x128xf32, #tpu.memory_space<hbm>>
      tpu.wait_indirect_dma semaphore(%arg14 : memref<!tpu.dma_semaphore, #tpu.memory_space<semaphore_mem>>) src(%dma_wait3A_971 : memref<10000x128xf32, #tpu.memory_space<hbm>>) dst(%arg10 : memref<80x128xf32, #tpu.memory_space<vmem>>)
      "tpu.region"() ({
        %run_scoped3A = tpu.sem_alloc : memref<!tpu.dma_semaphore, #tpu.memory_space<semaphore_mem>>
        %dma_start3A_986 = arith.constant 0 : i32
        %dma_start3A_987 = arith.constant 0 : i32
        %dma_start3A_988 = tpu.memref_slice %arg13[%dma_start3A_986, %dma_start3A_987] : memref<10000x128xf32, #tpu.memory_space<vmem_shared>> -> memref<10000x128xf32, #tpu.memory_space<vmem_shared>>
        tpu.enqueue_indirect_dma source(%arg10 : memref<80x128xf32, #tpu.memory_space<vmem>>) target(%dma_start3A_988 : memref<10000x128xf32, #tpu.memory_space<vmem_shared>>) offsets(%arg8 : memref<80xi32, #tpu.memory_space<vmem>>) semaphore(%run_scoped3A : memref<!tpu.dma_semaphore, #tpu.memory_space<semaphore_mem>>) {add = true}
        %dma_wait3A_989 = arith.constant 0 : i32
        %dma_wait3A_990 = arith.constant 0 : i32
        %dma_wait3A_991 = tpu.memref_slice %arg13[%dma_wait3A_989, %dma_wait3A_990] : memref<10000x128xf32, #tpu.memory_space<vmem_shared>> -> memref<10000x128xf32, #tpu.memory_space<vmem_shared>>
        tpu.wait_indirect_dma semaphore(%run_scoped3A : memref<!tpu.dma_semaphore, #tpu.memory_space<semaphore_mem>>) src(%arg10 : memref<80x128xf32, #tpu.memory_space<vmem>>) dst(%dma_wait3A_991 : memref<10000x128xf32, #tpu.memory_space<vmem_shared>>)
        tpu.yield
      }) : () -> ()
      %add3A_972 = arith.constant 2 : i32
      %add3A_973 = arith.addi %mul3A_957, %add3A_972 : i32
      %mul3A_974 = arith.constant 80 : i32
      %mul3A_975 = arith.muli %add3A_973, %mul3A_974 : i32
      %add3A_976 = arith.addi %mul3A_2, %mul3A_975 : i32
      "tpu.region"() ({
        %run_scoped3A = tpu.sem_alloc : memref<!tpu.dma_semaphore, #tpu.memory_space<semaphore_mem>>
        %dma_start3A_986 = tpu.memref_slice %arg3[%add3A_976] : memref<320000xi32, #tpu.memory_space<hbm>> -> memref<80xi32, #tpu.memory_space<hbm>>
        %dma_start3A_987 = tpu.memref_slice %arg3[%add3A_976] : memref<320000xi32, #tpu.memory_space<hbm>> -> memref<80xi32, #tpu.memory_space<hbm>>
        tpu.enqueue_dma source(%dma_start3A_987 : memref<80xi32, #tpu.memory_space<hbm>>) target(%arg6 : memref<80xi32, #tpu.memory_space<vmem>>) target_semaphore(%run_scoped3A : memref<!tpu.dma_semaphore, #tpu.memory_space<semaphore_mem>>)
        %dma_wait3A_988 = tpu.memref_slice %arg3[%add3A_976] : memref<320000xi32, #tpu.memory_space<hbm>> -> memref<80xi32, #tpu.memory_space<hbm>>
        %dma_wait3A_989 = tpu.memref_slice %arg3[%add3A_976] : memref<320000xi32, #tpu.memory_space<hbm>> -> memref<80xi32, #tpu.memory_space<hbm>>
        tpu.wait_dma2 semaphore(%run_scoped3A : memref<!tpu.dma_semaphore, #tpu.memory_space<semaphore_mem>>) src(%dma_wait3A_989 : memref<80xi32, #tpu.memory_space<hbm>>) dst(%arg6 : memref<80xi32, #tpu.memory_space<vmem>>)
        tpu.yield
      }) : () -> ()
      %mul3A_977 = arith.constant 80 : i32
      %mul3A_978 = arith.muli %add3A_973, %mul3A_977 : i32
      %add3A_979 = arith.addi %mul3A_2, %mul3A_978 : i32
      "tpu.region"() ({
        %run_scoped3A = tpu.sem_alloc : memref<!tpu.dma_semaphore, #tpu.memory_space<semaphore_mem>>
        %dma_start3A_986 = tpu.memref_slice %arg4[%add3A_979] : memref<320000xi32, #tpu.memory_space<hbm>> -> memref<80xi32, #tpu.memory_space<hbm>>
        %dma_start3A_987 = tpu.memref_slice %arg4[%add3A_979] : memref<320000xi32, #tpu.memory_space<hbm>> -> memref<80xi32, #tpu.memory_space<hbm>>
        tpu.enqueue_dma source(%dma_start3A_987 : memref<80xi32, #tpu.memory_space<hbm>>) target(%arg8 : memref<80xi32, #tpu.memory_space<vmem>>) target_semaphore(%run_scoped3A : memref<!tpu.dma_semaphore, #tpu.memory_space<semaphore_mem>>)
        %dma_wait3A_988 = tpu.memref_slice %arg4[%add3A_979] : memref<320000xi32, #tpu.memory_space<hbm>> -> memref<80xi32, #tpu.memory_space<hbm>>
        %dma_wait3A_989 = tpu.memref_slice %arg4[%add3A_979] : memref<320000xi32, #tpu.memory_space<hbm>> -> memref<80xi32, #tpu.memory_space<hbm>>
        tpu.wait_dma2 semaphore(%run_scoped3A : memref<!tpu.dma_semaphore, #tpu.memory_space<semaphore_mem>>) src(%dma_wait3A_989 : memref<80xi32, #tpu.memory_space<hbm>>) dst(%arg8 : memref<80xi32, #tpu.memory_space<vmem>>)
        tpu.yield
      }) : () -> ()
      %dma_start3A_980 = arith.constant 0 : i32
      %dma_start3A_981 = arith.constant 0 : i32
      %dma_start3A_982 = tpu.memref_slice %arg2[%dma_start3A_980, %dma_start3A_981] : memref<10000x128xf32, #tpu.memory_space<hbm>> -> memref<10000x128xf32, #tpu.memory_space<hbm>>
      tpu.enqueue_indirect_dma source(%dma_start3A_982 : memref<10000x128xf32, #tpu.memory_space<hbm>>) target(%arg10 : memref<80x128xf32, #tpu.memory_space<vmem>>) offsets(%arg6 : memref<80xi32, #tpu.memory_space<vmem>>) semaphore(%arg14 : memref<!tpu.dma_semaphore, #tpu.memory_space<semaphore_mem>>)
      %dma_wait3A_983 = arith.constant 0 : i32
      %dma_wait3A_984 = arith.constant 0 : i32
      %dma_wait3A_985 = tpu.memref_slice %arg2[%dma_wait3A_983, %dma_wait3A_984] : memref<10000x128xf32, #tpu.memory_space<hbm>> -> memref<10000x128xf32, #tpu.memory_space<hbm>>
      tpu.wait_indirect_dma semaphore(%arg15 : memref<!tpu.dma_semaphore, #tpu.memory_space<semaphore_mem>>) src(%dma_wait3A_985 : memref<10000x128xf32, #tpu.memory_space<hbm>>) dst(%arg11 : memref<80x128xf32, #tpu.memory_space<vmem>>)
      "tpu.region"() ({
        %run_scoped3A = tpu.sem_alloc : memref<!tpu.dma_semaphore, #tpu.memory_space<semaphore_mem>>
        %dma_start3A_986 = arith.constant 0 : i32
        %dma_start3A_987 = arith.constant 0 : i32
        %dma_start3A_988 = tpu.memref_slice %arg13[%dma_start3A_986, %dma_start3A_987] : memref<10000x128xf32, #tpu.memory_space<vmem_shared>> -> memref<10000x128xf32, #tpu.memory_space<vmem_shared>>
        tpu.enqueue_indirect_dma source(%arg11 : memref<80x128xf32, #tpu.memory_space<vmem>>) target(%dma_start3A_988 : memref<10000x128xf32, #tpu.memory_space<vmem_shared>>) offsets(%arg9 : memref<80xi32, #tpu.memory_space<vmem>>) semaphore(%run_scoped3A : memref<!tpu.dma_semaphore, #tpu.memory_space<semaphore_mem>>) {add = true}
        %dma_wait3A_989 = arith.constant 0 : i32
        %dma_wait3A_990 = arith.constant 0 : i32
        %dma_wait3A_991 = tpu.memref_slice %arg13[%dma_wait3A_989, %dma_wait3A_990] : memref<10000x128xf32, #tpu.memory_space<vmem_shared>> -> memref<10000x128xf32, #tpu.memory_space<vmem_shared>>
        tpu.wait_indirect_dma semaphore(%run_scoped3A : memref<!tpu.dma_semaphore, #tpu.memory_space<semaphore_mem>>) src(%arg11 : memref<80x128xf32, #tpu.memory_space<vmem>>) dst(%dma_wait3A_991 : memref<10000x128xf32, #tpu.memory_space<vmem_shared>>)
        tpu.yield
      }) : () -> ()
    }
    %scan3A_938 = arith.constant 62 : i32
    %dma_wait3A = arith.constant 0 : i32
    %dma_wait3A_939 = arith.constant 0 : i32
    %dma_wait3A_940 = tpu.memref_slice %arg2[%dma_wait3A, %dma_wait3A_939] : memref<10000x128xf32, #tpu.memory_space<hbm>> -> memref<10000x128xf32, #tpu.memory_space<hbm>>
    tpu.wait_indirect_dma semaphore(%arg14 : memref<!tpu.dma_semaphore, #tpu.memory_space<semaphore_mem>>) src(%dma_wait3A_940 : memref<10000x128xf32, #tpu.memory_space<hbm>>) dst(%arg10 : memref<80x128xf32, #tpu.memory_space<vmem>>)
    "tpu.region"() ({
      %run_scoped3A = tpu.sem_alloc : memref<!tpu.dma_semaphore, #tpu.memory_space<semaphore_mem>>
      %dma_start3A_951 = arith.constant 0 : i32
      %dma_start3A_952 = arith.constant 0 : i32
      %dma_start3A_953 = tpu.memref_slice %arg13[%dma_start3A_951, %dma_start3A_952] : memref<10000x128xf32, #tpu.memory_space<vmem_shared>> -> memref<10000x128xf32, #tpu.memory_space<vmem_shared>>
      tpu.enqueue_indirect_dma source(%arg10 : memref<80x128xf32, #tpu.memory_space<vmem>>) target(%dma_start3A_953 : memref<10000x128xf32, #tpu.memory_space<vmem_shared>>) offsets(%arg8 : memref<80xi32, #tpu.memory_space<vmem>>) semaphore(%run_scoped3A : memref<!tpu.dma_semaphore, #tpu.memory_space<semaphore_mem>>) {add = true}
      %dma_wait3A_954 = arith.constant 0 : i32
      %dma_wait3A_955 = arith.constant 0 : i32
      %dma_wait3A_956 = tpu.memref_slice %arg13[%dma_wait3A_954, %dma_wait3A_955] : memref<10000x128xf32, #tpu.memory_space<vmem_shared>> -> memref<10000x128xf32, #tpu.memory_space<vmem_shared>>
      tpu.wait_indirect_dma semaphore(%run_scoped3A : memref<!tpu.dma_semaphore, #tpu.memory_space<semaphore_mem>>) src(%arg10 : memref<80x128xf32, #tpu.memory_space<vmem>>) dst(%dma_wait3A_956 : memref<10000x128xf32, #tpu.memory_space<vmem_shared>>)
      tpu.yield
    }) : () -> ()
    %barrier3A_941 = arith.constant 0 : index
    tpu.barrier barrier_id(%barrier3A_941)
    %mul3A_942 = arith.constant 624 : i32
    %mul3A_943 = arith.muli %arg1, %mul3A_942 : i32
    %mul3A_944 = arith.constant 624 : i32
    %mul3A_945 = arith.muli %arg1, %mul3A_944 : i32
    "tpu.region"() ({
      %run_scoped3A = tpu.sem_alloc : memref<!tpu.dma_semaphore, #tpu.memory_space<semaphore_mem>>
      %dma_start3A_951 = arith.constant 0 : i32
      %dma_start3A_952 = tpu.memref_slice %arg5[%arg0, %mul3A_945, %dma_start3A_951] : memref<2x10000x128xf32, #tpu.memory_space<hbm>> -> memref<1x624x128xf32, #tpu.memory_space<hbm>>
      %dma_start3A_953 = tpu.memref_squeeze %dma_start3A_952 : memref<1x624x128xf32, #tpu.memory_space<hbm>> -> memref<624x128xf32, #tpu.memory_space<hbm>>
      %dma_start3A_954 = arith.constant 0 : i32
      %dma_start3A_955 = tpu.memref_slice %arg13[%mul3A_943, %dma_start3A_954] : memref<10000x128xf32, #tpu.memory_space<vmem_shared>> -> memref<624x128xf32, #tpu.memory_space<vmem_shared>>
      tpu.enqueue_dma source(%dma_start3A_955 : memref<624x128xf32, #tpu.memory_space<vmem_shared>>) target(%dma_start3A_953 : memref<624x128xf32, #tpu.memory_space<hbm>>) target_semaphore(%run_scoped3A : memref<!tpu.dma_semaphore, #tpu.memory_space<semaphore_mem>>)
      %dma_wait3A_956 = arith.constant 0 : i32
      %dma_wait3A_957 = tpu.memref_slice %arg5[%arg0, %mul3A_945, %dma_wait3A_956] : memref<2x10000x128xf32, #tpu.memory_space<hbm>> -> memref<1x624x128xf32, #tpu.memory_space<hbm>>
      %dma_wait3A_958 = tpu.memref_squeeze %dma_wait3A_957 : memref<1x624x128xf32, #tpu.memory_space<hbm>> -> memref<624x128xf32, #tpu.memory_space<hbm>>
      %dma_wait3A_959 = arith.constant 0 : i32
      %dma_wait3A_960 = tpu.memref_slice %arg13[%mul3A_943, %dma_wait3A_959] : memref<10000x128xf32, #tpu.memory_space<vmem_shared>> -> memref<624x128xf32, #tpu.memory_space<vmem_shared>>
      tpu.wait_dma2 semaphore(%run_scoped3A : memref<!tpu.dma_semaphore, #tpu.memory_space<semaphore_mem>>) src(%dma_wait3A_960 : memref<624x128xf32, #tpu.memory_space<vmem_shared>>) dst(%dma_wait3A_958 : memref<624x128xf32, #tpu.memory_space<hbm>>)
      tpu.yield
    }) : () -> ()
    %eq3A_946 = arith.constant 0 : i32
    %eq3A_947 = arith.cmpi eq, %arg1, %eq3A_946 : i32
    %convert_element_type3A_948 = arith.extui %eq3A_947 : i1 to i32
    %cond3A_949 = arith.constant 0 : i32
    %cond3A_950 = arith.cmpi ne, %convert_element_type3A_948, %cond3A_949 : i32
    scf.if %cond3A_950 {
      "tpu.region"() ({
        %run_scoped3A = tpu.sem_alloc : memref<!tpu.dma_semaphore, #tpu.memory_space<semaphore_mem>>
        %dma_start3A_951 = arith.constant 9984 : i32
        %dma_start3A_952 = arith.constant 0 : i32
        %dma_start3A_953 = tpu.memref_slice %arg5[%arg0, %dma_start3A_951, %dma_start3A_952] : memref<2x10000x128xf32, #tpu.memory_space<hbm>> -> memref<1x16x128xf32, #tpu.memory_space<hbm>>
        %dma_start3A_954 = tpu.memref_squeeze %dma_start3A_953 : memref<1x16x128xf32, #tpu.memory_space<hbm>> -> memref<16x128xf32, #tpu.memory_space<hbm>>
        %dma_start3A_955 = arith.constant 9984 : i32
        %dma_start3A_956 = arith.constant 0 : i32
        %dma_start3A_957 = tpu.memref_slice %arg13[%dma_start3A_955, %dma_start3A_956] : memref<10000x128xf32, #tpu.memory_space<vmem_shared>> -> memref<16x128xf32, #tpu.memory_space<vmem_shared>>
        tpu.enqueue_dma source(%dma_start3A_957 : memref<16x128xf32, #tpu.memory_space<vmem_shared>>) target(%dma_start3A_954 : memref<16x128xf32, #tpu.memory_space<hbm>>) target_semaphore(%run_scoped3A : memref<!tpu.dma_semaphore, #tpu.memory_space<semaphore_mem>>)
        %dma_wait3A_958 = arith.constant 9984 : i32
        %dma_wait3A_959 = arith.constant 0 : i32
        %dma_wait3A_960 = tpu.memref_slice %arg5[%arg0, %dma_wait3A_958, %dma_wait3A_959] : memref<2x10000x128xf32, #tpu.memory_space<hbm>> -> memref<1x16x128xf32, #tpu.memory_space<hbm>>
        %dma_wait3A_961 = tpu.memref_squeeze %dma_wait3A_960 : memref<1x16x128xf32, #tpu.memory_space<hbm>> -> memref<16x128xf32, #tpu.memory_space<hbm>>
        %dma_wait3A_962 = arith.constant 9984 : i32
        %dma_wait3A_963 = arith.constant 0 : i32
        %dma_wait3A_964 = tpu.memref_slice %arg13[%dma_wait3A_962, %dma_wait3A_963] : memref<10000x128xf32, #tpu.memory_space<vmem_shared>> -> memref<16x128xf32, #tpu.memory_space<vmem_shared>>
        tpu.wait_dma2 semaphore(%run_scoped3A : memref<!tpu.dma_semaphore, #tpu.memory_space<semaphore_mem>>) src(%dma_wait3A_964 : memref<16x128xf32, #tpu.memory_space<vmem_shared>>) dst(%dma_wait3A_961 : memref<16x128xf32, #tpu.memory_space<hbm>>)
        tpu.yield
      }) : () -> ()
    } else {
    }
    return
  }
}

module attributes {stable_mosaic.version = 14 : i64} {
  func.func @_enc_body(%arg0: i32, %arg1: memref<1000x128xf32, #tpu.memory_space<vmem>>, %arg2: memref<128x128xf32, #tpu.memory_space<vmem>>, %arg3: memref<1x128xf32, #tpu.memory_space<vmem>>, %arg4: memref<128x128xf32, #tpu.memory_space<vmem>>, %arg5: memref<1x128xf32, #tpu.memory_space<vmem>>, %arg6: memref<1000x128xf32, #tpu.memory_space<vmem>>, %arg7: memref<1000x128xf32, #tpu.memory_space<vmem>>) attributes {dimension_semantics = [#tpu.dimension_semantics<arbitrary>], iteration_bounds = array<i64: 10>, scalar_prefetch = 0 : i64, scratch_operands = 0 : i64, tpu.core_type = #tpu.core_type<tc>, window_params = [{transform_indices = @transform_0, window_bounds = array<i64: 1000, 128>}, {pipeline_mode = #tpu.pipeline_mode<synchronous>, transform_indices = @transform_1, window_bounds = array<i64: 128, 128>}, {pipeline_mode = #tpu.pipeline_mode<synchronous>, transform_indices = @transform_2, window_bounds = array<i64: 1, 128>}, {pipeline_mode = #tpu.pipeline_mode<synchronous>, transform_indices = @transform_3, window_bounds = array<i64: 128, 128>}, {pipeline_mode = #tpu.pipeline_mode<synchronous>, transform_indices = @transform_4, window_bounds = array<i64: 1, 128>}, {transform_indices = @transform_5, window_bounds = array<i64: 1000, 128>}, {transform_indices = @transform_6, window_bounds = array<i64: 1000, 128>}]} {
    %get3A = arith.constant 0 : index
    %get3A_0 = arith.constant 0 : index
    %get3A_1 = vector.load %arg1[%get3A, %get3A_0] : memref<1000x128xf32, #tpu.memory_space<vmem>>, vector<1000x128xf32>
    %get3A_2 = arith.constant 0 : index
    %get3A_3 = arith.constant 0 : index
    %get3A_4 = vector.load %arg2[%get3A_2, %get3A_3] : memref<128x128xf32, #tpu.memory_space<vmem>>, vector<128x128xf32>
    %dot_general3A = arith.constant dense<0.000000e+00> : vector<1000x128xf32>
    %dot_general3A_5 = tpu.matmul %get3A_1, %get3A_4, %dot_general3A {dimension_numbers = #tpu.dot_dimension_numbers<[1], [0], [0], [1], [0, 0, 1, 1], [], []>, transpose_lhs_hint = false} : vector<1000x128xf32>, vector<128x128xf32>, vector<1000x128xf32> -> vector<1000x128xf32>
    %get3A_6 = arith.constant 0 : index
    %get3A_7 = arith.constant 0 : index
    %get3A_8 = vector.load %arg3[%get3A_6, %get3A_7] : memref<1x128xf32, #tpu.memory_space<vmem>>, vector<1x128xf32>
    %add3A = vector.broadcast %get3A_8 : vector<1x128xf32> to vector<1000x128xf32>
    %add3A_9 = arith.addf %dot_general3A_5, %add3A : vector<1000x128xf32>
    %max3A = arith.constant 0.000000e+00 : f32
    %max3A_10 = vector.broadcast %max3A : f32 to vector<1000x128xf32>
    %max3A_11 = arith.maximumf %add3A_9, %max3A_10 : vector<1000x128xf32>
    %swap3A = arith.constant 0 : index
    %swap3A_12 = arith.constant 0 : index
    %swap3A_13 = vector.load %arg6[%swap3A, %swap3A_12] : memref<1000x128xf32, #tpu.memory_space<vmem>>, vector<1000x128xf32>
    tpu.vector_store %arg6[%swap3A, %swap3A_12], %max3A_11 {strides = array<i32>} : memref<1000x128xf32, #tpu.memory_space<vmem>>, vector<1000x128xf32>,
    %get3A_14 = arith.constant 0 : index
    %get3A_15 = arith.constant 0 : index
    %get3A_16 = vector.load %arg4[%get3A_14, %get3A_15] : memref<128x128xf32, #tpu.memory_space<vmem>>, vector<128x128xf32>
    %dot_general3A_17 = arith.constant dense<0.000000e+00> : vector<1000x128xf32>
    %dot_general3A_18 = tpu.matmul %max3A_11, %get3A_16, %dot_general3A_17 {dimension_numbers = #tpu.dot_dimension_numbers<[1], [0], [0], [1], [0, 0, 1, 1], [], []>, transpose_lhs_hint = false} : vector<1000x128xf32>, vector<128x128xf32>, vector<1000x128xf32> -> vector<1000x128xf32>
    %get3A_19 = arith.constant 0 : index
    %get3A_20 = arith.constant 0 : index
    %get3A_21 = vector.load %arg5[%get3A_19, %get3A_20] : memref<1x128xf32, #tpu.memory_space<vmem>>, vector<1x128xf32>
    %add3A_22 = vector.broadcast %get3A_21 : vector<1x128xf32> to vector<1000x128xf32>
    %add3A_23 = arith.addf %dot_general3A_18, %add3A_22 : vector<1000x128xf32>
    %max3A_24 = arith.constant 0.000000e+00 : f32
    %max3A_25 = vector.broadcast %max3A_24 : f32 to vector<1000x128xf32>
    %max3A_26 = arith.maximumf %add3A_23, %max3A_25 : vector<1000x128xf32>
    %swap3A_27 = arith.constant 0 : index
    %swap3A_28 = arith.constant 0 : index
    %swap3A_29 = vector.load %arg7[%swap3A_27, %swap3A_28] : memref<1000x128xf32, #tpu.memory_space<vmem>>, vector<1000x128xf32>
    tpu.vector_store %arg7[%swap3A_27, %swap3A_28], %max3A_26 {strides = array<i32>} : memref<1000x128xf32, #tpu.memory_space<vmem>>, vector<1000x128xf32>,
    return
  }
  func.func @transform_0(%arg0: i32) -> (i32, i32) {
    %c0_i32 = arith.constant 0 : i32
    %c0_i32_0 = arith.constant 0 : i32
    return %arg0, %c0_i32 : i32, i32
  }
  func.func @transform_1(%arg0: i32) -> (i32, i32) {
    %c0_i32 = arith.constant 0 : i32
    %c0_i32_0 = arith.constant 0 : i32
    %c0_i32_1 = arith.constant 0 : i32
    return %c0_i32, %c0_i32_0 : i32, i32
  }
  func.func @transform_2(%arg0: i32) -> (i32, i32) {
    %c0_i32 = arith.constant 0 : i32
    %c0_i32_0 = arith.constant 0 : i32
    %c0_i32_1 = arith.constant 0 : i32
    return %c0_i32, %c0_i32_0 : i32, i32
  }
  func.func @transform_3(%arg0: i32) -> (i32, i32) {
    %c0_i32 = arith.constant 0 : i32
    %c0_i32_0 = arith.constant 0 : i32
    %c0_i32_1 = arith.constant 0 : i32
    return %c0_i32, %c0_i32_0 : i32, i32
  }
  func.func @transform_4(%arg0: i32) -> (i32, i32) {
    %c0_i32 = arith.constant 0 : i32
    %c0_i32_0 = arith.constant 0 : i32
    %c0_i32_1 = arith.constant 0 : i32
    return %c0_i32, %c0_i32_0 : i32, i32
  }
  func.func @transform_5(%arg0: i32) -> (i32, i32) {
    %c0_i32 = arith.constant 0 : i32
    %c0_i32_0 = arith.constant 0 : i32
    return %arg0, %c0_i32 : i32, i32
  }
  func.func @transform_6(%arg0: i32) -> (i32, i32) {
    %c0_i32 = arith.constant 0 : i32
    %c0_i32_0 = arith.constant 0 : i32
    return %arg0, %c0_i32 : i32, i32
  }
}

module attributes {stable_mosaic.version = 14 : i64} {
  func.func @_gru_pool_body(%arg0: i32, %arg1: memref<1000x128xf32, #tpu.memory_space<vmem>>, %arg2: memref<2x1000x128xf32, #tpu.memory_space<vmem>>, %arg3: memref<32x1xi32, #tpu.memory_space<vmem>>, %arg4: memref<32x1xi32, #tpu.memory_space<vmem>>, %arg5: memref<128x384xf32, #tpu.memory_space<vmem>>, %arg6: memref<1x384xf32, #tpu.memory_space<vmem>>, %arg7: memref<128x384xf32, #tpu.memory_space<vmem>>, %arg8: memref<1x384xf32, #tpu.memory_space<vmem>>, %arg9: memref<128x128xf32, #tpu.memory_space<vmem>>, %arg10: memref<1x128xf32, #tpu.memory_space<vmem>>, %arg11: memref<32x128xf32, #tpu.memory_space<vmem>>, %arg12: memref<32x128xf32, #tpu.memory_space<vmem>>) attributes {dimension_semantics = [#tpu.dimension_semantics<arbitrary>], iteration_bounds = array<i64: 10>, scalar_prefetch = 0 : i64, scratch_operands = 1 : i64, tpu.core_type = #tpu.core_type<tc>, window_params = [{transform_indices = @transform_0, window_bounds = array<i64: 1000, 128>}, {transform_indices = @transform_1, window_bounds = array<i64: 2, 1000, 128>}, {pipeline_mode = #tpu.pipeline_mode<synchronous>, transform_indices = @transform_2, window_bounds = array<i64: 32, 1>}, {pipeline_mode = #tpu.pipeline_mode<synchronous>, transform_indices = @transform_3, window_bounds = array<i64: 32, 1>}, {pipeline_mode = #tpu.pipeline_mode<synchronous>, transform_indices = @transform_4, window_bounds = array<i64: 128, 384>}, {pipeline_mode = #tpu.pipeline_mode<synchronous>, transform_indices = @transform_5, window_bounds = array<i64: 1, 384>}, {pipeline_mode = #tpu.pipeline_mode<synchronous>, transform_indices = @transform_6, window_bounds = array<i64: 128, 384>}, {pipeline_mode = #tpu.pipeline_mode<synchronous>, transform_indices = @transform_7, window_bounds = array<i64: 1, 384>}, {pipeline_mode = #tpu.pipeline_mode<synchronous>, transform_indices = @transform_8, window_bounds = array<i64: 128, 128>}, {pipeline_mode = #tpu.pipeline_mode<synchronous>, transform_indices = @transform_9, window_bounds = array<i64: 1, 128>}, {pipeline_mode = #tpu.pipeline_mode<synchronous>, transform_indices = @transform_10, window_bounds = array<i64: 32, 128>}]} {
    %get3A = arith.constant 0 : index
    %get3A_0 = arith.constant 0 : index
    %get3A_1 = vector.load %arg1[%get3A, %get3A_0] : memref<1000x128xf32, #tpu.memory_space<vmem>>, vector<1000x128xf32>
    %get3A_2 = arith.constant 0 : index
    %get3A_3 = arith.constant 0 : index
    %get3A_4 = arith.constant 0 : index
    %get3A_5 = vector.load %arg2[%get3A_2, %get3A_3, %get3A_4] : memref<2x1000x128xf32, #tpu.memory_space<vmem>>, vector<1x1000x128xf32>
    %get3A_6 = vector.shape_cast %get3A_5 : vector<1x1000x128xf32> to vector<1000x128xf32>
    %get3A_7 = arith.constant 1 : index
    %get3A_8 = arith.constant 0 : index
    %get3A_9 = arith.constant 0 : index
    %get3A_10 = vector.load %arg2[%get3A_7, %get3A_8, %get3A_9] : memref<2x1000x128xf32, #tpu.memory_space<vmem>>, vector<1x1000x128xf32>
    %get3A_11 = vector.shape_cast %get3A_10 : vector<1x1000x128xf32> to vector<1000x128xf32>
    %add3A = arith.addf %get3A_6, %get3A_11 : vector<1000x128xf32>
    %get3A_12 = arith.constant 0 : index
    %get3A_13 = arith.constant 0 : index
    %get3A_14 = vector.load %arg5[%get3A_12, %get3A_13] : memref<128x384xf32, #tpu.memory_space<vmem>>, vector<128x384xf32>
    %dot_general3A = arith.constant dense<0.000000e+00> : vector<1000x384xf32>
    %dot_general3A_15 = tpu.matmul %add3A, %get3A_14, %dot_general3A {dimension_numbers = #tpu.dot_dimension_numbers<[1], [0], [0], [1], [0, 0, 1, 1], [], []>, transpose_lhs_hint = false} : vector<1000x128xf32>, vector<128x384xf32>, vector<1000x384xf32> -> vector<1000x384xf32>
    %get3A_16 = arith.constant 0 : index
    %get3A_17 = arith.constant 0 : index
    %get3A_18 = vector.load %arg6[%get3A_16, %get3A_17] : memref<1x384xf32, #tpu.memory_space<vmem>>, vector<1x384xf32>
    %add3A_19 = vector.broadcast %get3A_18 : vector<1x384xf32> to vector<1000x384xf32>
    %add3A_20 = arith.addf %dot_general3A_15, %add3A_19 : vector<1000x384xf32>
    %get3A_21 = arith.constant 0 : index
    %get3A_22 = arith.constant 0 : index
    %get3A_23 = vector.load %arg7[%get3A_21, %get3A_22] : memref<128x384xf32, #tpu.memory_space<vmem>>, vector<128x384xf32>
    %dot_general3A_24 = arith.constant dense<0.000000e+00> : vector<1000x384xf32>
    %dot_general3A_25 = tpu.matmul %get3A_1, %get3A_23, %dot_general3A_24 {dimension_numbers = #tpu.dot_dimension_numbers<[1], [0], [0], [1], [0, 0, 1, 1], [], []>, transpose_lhs_hint = false} : vector<1000x128xf32>, vector<128x384xf32>, vector<1000x384xf32> -> vector<1000x384xf32>
    %get3A_26 = arith.constant 0 : index
    %get3A_27 = arith.constant 0 : index
    %get3A_28 = vector.load %arg8[%get3A_26, %get3A_27] : memref<1x384xf32, #tpu.memory_space<vmem>>, vector<1x384xf32>
    %add3A_29 = vector.broadcast %get3A_28 : vector<1x384xf32> to vector<1000x384xf32>
    %add3A_30 = arith.addf %dot_general3A_25, %add3A_29 : vector<1000x384xf32>
    %slice3A = vector.extract_strided_slice %add3A_20 {offsets = [0, 0], sizes = [1000, 128], strides = [1, 1]} : vector<1000x384xf32> to vector<1000x128xf32>
    %slice3A_31 = vector.extract_strided_slice %add3A_30 {offsets = [0, 0], sizes = [1000, 128], strides = [1, 1]} : vector<1000x384xf32> to vector<1000x128xf32>
    %add3A_32 = arith.addf %slice3A, %slice3A_31 : vector<1000x128xf32>
    %logistic3A = arith.negf %add3A_32 : vector<1000x128xf32>
    %logistic3A_33 = math.exp %logistic3A : vector<1000x128xf32>
    %logistic3A_34 = arith.constant 1.000000e+00 : f32
    %logistic3A_35 = vector.broadcast %logistic3A_34 : f32 to vector<1000x128xf32>
    %logistic3A_36 = arith.addf %logistic3A_35, %logistic3A_33 : vector<1000x128xf32>
    %logistic3A_37 = arith.divf %logistic3A_35, %logistic3A_36 : vector<1000x128xf32>
    %slice3A_38 = vector.extract_strided_slice %add3A_20 {offsets = [0, 128], sizes = [1000, 128], strides = [1, 1]} : vector<1000x384xf32> to vector<1000x128xf32>
    %slice3A_39 = vector.extract_strided_slice %add3A_30 {offsets = [0, 128], sizes = [1000, 128], strides = [1, 1]} : vector<1000x384xf32> to vector<1000x128xf32>
    %add3A_40 = arith.addf %slice3A_38, %slice3A_39 : vector<1000x128xf32>
    %logistic3A_41 = arith.negf %add3A_40 : vector<1000x128xf32>
    %logistic3A_42 = math.exp %logistic3A_41 : vector<1000x128xf32>
    %logistic3A_43 = arith.constant 1.000000e+00 : f32
    %logistic3A_44 = vector.broadcast %logistic3A_43 : f32 to vector<1000x128xf32>
    %logistic3A_45 = arith.addf %logistic3A_44, %logistic3A_42 : vector<1000x128xf32>
    %logistic3A_46 = arith.divf %logistic3A_44, %logistic3A_45 : vector<1000x128xf32>
    %slice3A_47 = vector.extract_strided_slice %add3A_20 {offsets = [0, 256], sizes = [1000, 128], strides = [1, 1]} : vector<1000x384xf32> to vector<1000x128xf32>
    %slice3A_48 = vector.extract_strided_slice %add3A_30 {offsets = [0, 256], sizes = [1000, 128], strides = [1, 1]} : vector<1000x384xf32> to vector<1000x128xf32>
    %mul3A = arith.mulf %logistic3A_37, %slice3A_48 : vector<1000x128xf32>
    %add3A_49 = arith.addf %slice3A_47, %mul3A : vector<1000x128xf32>
    %tanh3A = math.tanh %add3A_49 : vector<1000x128xf32>
    %sub3A = arith.constant 1.000000e+00 : f32
    %sub3A_50 = vector.broadcast %sub3A : f32 to vector<1000x128xf32>
    %sub3A_51 = arith.subf %sub3A_50, %logistic3A_46 : vector<1000x128xf32>
    %mul3A_52 = arith.mulf %sub3A_51, %tanh3A : vector<1000x128xf32>
    %mul3A_53 = arith.mulf %logistic3A_46, %get3A_1 : vector<1000x128xf32>
    %add3A_54 = arith.addf %mul3A_52, %mul3A_53 : vector<1000x128xf32>
    %max3A = arith.constant 0.000000e+00 : f32
    %max3A_55 = vector.broadcast %max3A : f32 to vector<1000x128xf32>
    %max3A_56 = arith.maximumf %add3A_54, %max3A_55 : vector<1000x128xf32>
    %mul3A_57 = arith.constant 1000 : i32
    %mul3A_58 = arith.muli %arg0, %mul3A_57 : i32
    %iota3A = tpu.iota {dimensions = array<i32: 1>} : vector<32x1000xi32>
    %add3A_59 = vector.broadcast %mul3A_58 : i32 to vector<32x1000xi32>
    %add3A_60 = arith.addi %add3A_59, %iota3A : vector<32x1000xi32>
    %get3A_61 = arith.constant 0 : index
    %get3A_62 = arith.constant 0 : index
    %get3A_63 = vector.load %arg3[%get3A_61, %get3A_62] : memref<32x1xi32, #tpu.memory_space<vmem>>, vector<32x1xi32>
    %get3A_64 = arith.constant 0 : index
    %get3A_65 = arith.constant 0 : index
    %get3A_66 = vector.load %arg4[%get3A_64, %get3A_65] : memref<32x1xi32, #tpu.memory_space<vmem>>, vector<32x1xi32>
    %ge3A = vector.broadcast %get3A_63 : vector<32x1xi32> to vector<32x1000xi32>
    %ge3A_67 = arith.cmpi sge, %add3A_60, %ge3A : vector<32x1000xi32>
    %add3A_68 = arith.addi %get3A_63, %get3A_66 : vector<32x1xi32>
    %lt3A = vector.broadcast %add3A_68 : vector<32x1xi32> to vector<32x1000xi32>
    %lt3A_69 = arith.cmpi slt, %add3A_60, %lt3A : vector<32x1000xi32>
    %and3A = arith.andi %ge3A_67, %lt3A_69 : vector<32x1000xi1>
    %eq3A = arith.constant 0 : i32
    %eq3A_70 = arith.cmpi eq, %arg0, %eq3A : i32
    %convert_element_type3A = arith.extui %eq3A_70 : i1 to i32
    %cond3A = arith.constant 0 : i32
    %cond3A_71 = arith.cmpi ne, %convert_element_type3A, %cond3A : i32
    scf.if %cond3A_71 {
      %broadcast_in_dim3A = arith.constant 0.000000e+00 : f32
      %broadcast_in_dim3A_87 = vector.broadcast %broadcast_in_dim3A : f32 to vector<32x128xf32>
      %swap3A_88 = arith.constant 0 : index
      %swap3A_89 = arith.constant 0 : index
      %swap3A_90 = vector.load %arg12[%swap3A_88, %swap3A_89] : memref<32x128xf32, #tpu.memory_space<vmem>>, vector<32x128xf32>
      tpu.vector_store %arg12[%swap3A_88, %swap3A_89], %broadcast_in_dim3A_87 {strides = array<i32>} : memref<32x128xf32, #tpu.memory_space<vmem>>, vector<32x128xf32>,
    } else {
    }
    %get3A_72 = arith.constant 0 : index
    %get3A_73 = arith.constant 0 : index
    %get3A_74 = vector.load %arg12[%get3A_72, %get3A_73] : memref<32x128xf32, #tpu.memory_space<vmem>>, vector<32x128xf32>
    %convert_element_type3A_75 = arith.extui %and3A : vector<32x1000xi1> to vector<32x1000xi32>
    %convert_element_type3A_76 = arith.sitofp %convert_element_type3A_75 : vector<32x1000xi32> to vector<32x1000xf32>
    %dot_general3A_77 = arith.constant dense<0.000000e+00> : vector<32x128xf32>
    %dot_general3A_78 = tpu.matmul %convert_element_type3A_76, %max3A_56, %dot_general3A_77 {dimension_numbers = #tpu.dot_dimension_numbers<[1], [0], [0], [1], [0, 0, 1, 1], [], []>, transpose_lhs_hint = false} : vector<32x1000xf32>, vector<1000x128xf32>, vector<32x128xf32> -> vector<32x128xf32>
    %add3A_79 = arith.addf %get3A_74, %dot_general3A_78 : vector<32x128xf32>
    %swap3A = arith.constant 0 : index
    %swap3A_80 = arith.constant 0 : index
    %swap3A_81 = vector.load %arg12[%swap3A, %swap3A_80] : memref<32x128xf32, #tpu.memory_space<vmem>>, vector<32x128xf32>
    tpu.vector_store %arg12[%swap3A, %swap3A_80], %add3A_79 {strides = array<i32>} : memref<32x128xf32, #tpu.memory_space<vmem>>, vector<32x128xf32>,
    %eq3A_82 = arith.constant 9 : i32
    %eq3A_83 = arith.cmpi eq, %arg0, %eq3A_82 : i32
    %convert_element_type3A_84 = arith.extui %eq3A_83 : i1 to i32
    %cond3A_85 = arith.constant 0 : i32
    %cond3A_86 = arith.cmpi ne, %convert_element_type3A_84, %cond3A_85 : i32
    scf.if %cond3A_86 {
      %max3A_87 = arith.constant 1 : i32
      %max3A_88 = vector.broadcast %max3A_87 : i32 to vector<32x1xi32>
      %max3A_89 = arith.maxsi %get3A_66, %max3A_88 : vector<32x1xi32>
      %convert_element_type3A_90 = arith.sitofp %max3A_89 : vector<32x1xi32> to vector<32x1xf32>
      %gt3A = arith.constant 0 : i32
      %gt3A_91 = vector.broadcast %gt3A : i32 to vector<32x1xi32>
      %gt3A_92 = arith.cmpi sgt, %get3A_66, %gt3A_91 : vector<32x1xi32>
      %get3A_93 = arith.constant 0 : index
      %get3A_94 = arith.constant 0 : index
      %get3A_95 = vector.load %arg12[%get3A_93, %get3A_94] : memref<32x128xf32, #tpu.memory_space<vmem>>, vector<32x128xf32>
      %div3A = vector.broadcast %convert_element_type3A_90 : vector<32x1xf32> to vector<32x128xf32>
      %div3A_96 = arith.divf %get3A_95, %div3A : vector<32x128xf32>
      %jit3A = arith.constant 0.000000e+00 : f32
      %broadcast_in_dim3A = vector.shape_cast %gt3A_92 : vector<32x1xi1> to vector<32x1xi1>
      %broadcast_in_dim3A_97 = vector.broadcast %broadcast_in_dim3A : vector<32x1xi1> to vector<32x128xi1>
      %broadcast_in_dim3A_98 = vector.broadcast %jit3A : f32 to vector<32x128xf32>
      %select_n3A = arith.select %broadcast_in_dim3A_97, %div3A_96, %broadcast_in_dim3A_98 : vector<32x128xi1>, vector<32x128xf32>
      %get3A_99 = arith.constant 0 : index
      %get3A_100 = arith.constant 0 : index
      %get3A_101 = vector.load %arg9[%get3A_99, %get3A_100] : memref<128x128xf32, #tpu.memory_space<vmem>>, vector<128x128xf32>
      %dot_general3A_102 = arith.constant dense<0.000000e+00> : vector<32x128xf32>
      %dot_general3A_103 = tpu.matmul %select_n3A, %get3A_101, %dot_general3A_102 {dimension_numbers = #tpu.dot_dimension_numbers<[1], [0], [0], [1], [0, 0, 1, 1], [], []>, transpose_lhs_hint = false} : vector<32x128xf32>, vector<128x128xf32>, vector<32x128xf32> -> vector<32x128xf32>
      %get3A_104 = arith.constant 0 : index
      %get3A_105 = arith.constant 0 : index
      %get3A_106 = vector.load %arg10[%get3A_104, %get3A_105] : memref<1x128xf32, #tpu.memory_space<vmem>>, vector<1x128xf32>
      %add3A_107 = vector.broadcast %get3A_106 : vector<1x128xf32> to vector<32x128xf32>
      %add3A_108 = arith.addf %dot_general3A_103, %add3A_107 : vector<32x128xf32>
      %swap3A_109 = arith.constant 0 : index
      %swap3A_110 = arith.constant 0 : index
      %swap3A_111 = vector.load %arg11[%swap3A_109, %swap3A_110] : memref<32x128xf32, #tpu.memory_space<vmem>>, vector<32x128xf32>
      tpu.vector_store %arg11[%swap3A_109, %swap3A_110], %add3A_108 {strides = array<i32>} : memref<32x128xf32, #tpu.memory_space<vmem>>, vector<32x128xf32>,
    } else {
    }
    return
  }
  func.func @transform_0(%arg0: i32) -> (i32, i32) {
    %c0_i32 = arith.constant 0 : i32
    %c0_i32_0 = arith.constant 0 : i32
    return %arg0, %c0_i32 : i32, i32
  }
  func.func @transform_1(%arg0: i32) -> (i32, i32, i32) {
    %c0_i32 = arith.constant 0 : i32
    %c0_i32_0 = arith.constant 0 : i32
    %c0_i32_1 = arith.constant 0 : i32
    return %c0_i32, %arg0, %c0_i32_0 : i32, i32, i32
  }
  func.func @transform_2(%arg0: i32) -> (i32, i32) {
    %c0_i32 = arith.constant 0 : i32
    %c0_i32_0 = arith.constant 0 : i32
    %c0_i32_1 = arith.constant 0 : i32
    return %c0_i32, %c0_i32_0 : i32, i32
  }
  func.func @transform_3(%arg0: i32) -> (i32, i32) {
    %c0_i32 = arith.constant 0 : i32
    %c0_i32_0 = arith.constant 0 : i32
    %c0_i32_1 = arith.constant 0 : i32
    return %c0_i32, %c0_i32_0 : i32, i32
  }
  func.func @transform_4(%arg0: i32) -> (i32, i32) {
    %c0_i32 = arith.constant 0 : i32
    %c0_i32_0 = arith.constant 0 : i32
    %c0_i32_1 = arith.constant 0 : i32
    return %c0_i32, %c0_i32_0 : i32, i32
  }
  func.func @transform_5(%arg0: i32) -> (i32, i32) {
    %c0_i32 = arith.constant 0 : i32
    %c0_i32_0 = arith.constant 0 : i32
    %c0_i32_1 = arith.constant 0 : i32
    return %c0_i32, %c0_i32_0 : i32, i32
  }
  func.func @transform_6(%arg0: i32) -> (i32, i32) {
    %c0_i32 = arith.constant 0 : i32
    %c0_i32_0 = arith.constant 0 : i32
    %c0_i32_1 = arith.constant 0 : i32
    return %c0_i32, %c0_i32_0 : i32, i32
  }
  func.func @transform_7(%arg0: i32) -> (i32, i32) {
    %c0_i32 = arith.constant 0 : i32
    %c0_i32_0 = arith.constant 0 : i32
    %c0_i32_1 = arith.constant 0 : i32
    return %c0_i32, %c0_i32_0 : i32, i32
  }
  func.func @transform_8(%arg0: i32) -> (i32, i32) {
    %c0_i32 = arith.constant 0 : i32
    %c0_i32_0 = arith.constant 0 : i32
    %c0_i32_1 = arith.constant 0 : i32
    return %c0_i32, %c0_i32_0 : i32, i32
  }
  func.func @transform_9(%arg0: i32) -> (i32, i32) {
    %c0_i32 = arith.constant 0 : i32
    %c0_i32_0 = arith.constant 0 : i32
    %c0_i32_1 = arith.constant 0 : i32
    return %c0_i32, %c0_i32_0 : i32, i32
  }
  func.func @transform_10(%arg0: i32) -> (i32, i32) {
    %c0_i32 = arith.constant 0 : i32
    %c0_i32_0 = arith.constant 0 : i32
    %c0_i32_1 = arith.constant 0 : i32
    return %c0_i32, %c0_i32_0 : i32, i32
  }
}

</mosaic_0001>

<sc_bundles>
// kernel: kernel.5.cloned.1.call-start
scs
__scs_entry_jumppad:
0x0: {  	(pc) =	sbr.rel $0x88, $3  }
0x1: {  	(tag) =	ssettag $0x0;
	lr =	simm.s32 $0x1  }
0x2: {  	[smem:$0x3F94] =	sst lr;
	_ =	strace $0xD0000000  }
0x3: {  	_ = 	snop  }
0x4: {  	_ = 	snop  }
0x5: {  	_ = 	snop  }
0x6: {  	_ = 	snop  }
0x7: {  	_ = 	snop  }
__scs_overlays_trampoline_lowered:
0x8: {  	[smem:$0x3FA3] =	sst s0  }
0x9: {  	[smem:$0x3FA4] =	sst s1  }
0xa: {  	[smem:$0x3FA5] =	sst s2  }
0xb: {  	[smem:$0x3FA6] =	sst s3  }
0xc: {  	[smem:$0x3FA7] =	sst s4  }
0xd: {  	[smem:$0x3FA8] =	sst s5  }
0xe: {  	[smem:$0x3FA9] =	sst s6  }
0xf: {  	[smem:$0x3FAA] =	sst s7  }
0x10: {  	[smem:$0x3FAB] =	sst s8  }
0x11: {  	[smem:$0x3FAC] =	sst s9;
	s0 =	simm.s32 @!p0 $0x0  }
0x12: {  	s1 =	sld [smem:$0x3F92];
	s0 =	simm.s32 @p0 $0x1  }
0x13: {  	[smem:$0x3FAD] =	sst s0;
	s0 =	simm.s32 @!p1 $0x0  }
0x14: {  	s2 =	sld [smem:$0x3F91];
	s0 =	simm.s32 @p1 $0x1  }
0x15: {  	[smem:$0x3FAE] =	sst s0;
	s0 =	simm.s32 @!p2 $0x0  }
0x16: {  	s3 =	sld [smem:$0x3FDB];
	s0 =	simm.s32 @p2 $0x1  }
0x17: {  	s4 =	simm.s32 $0x1BF5;
	[smem:$0x3FB0] =	sst s0  }
0x18: {  	s0 =	sld [smem:$0x3F93];
	_ =	swait.ge [sflag:s4], $0x0  }
0x19: {  	s7 =	sld [smem:$0x3F94]  }
0x1a: {  	s8 =	sadd.s32 $0xFFFFE003, lr  }
0x1b: {  	s9 =	sadd.s32 $0xFFFFFEF7, lr;
	s5 =	simm.s32 $0xFFFFFFFF;
	p2 =	slt.u32 s8, $0xFFFFF086  }
0x1c: {  	p1 =	slt.u32 s9, $0xF7A;
	s5 =	simm.s32 @!p2 $0x0  }
0x1d: {  	s5 =	simm.s32 @p1 $0x1;
	p0 =	seq.s32 s7, s2  }
0x1e: {  	s7 =	smul.u32 @!p0 $0xF7A, s2;
	p2 =	seq.s32 @!p0 s5, $0x0  }
0x1f: {  	s9 =	smul.u32 $0xF7A, s1;
	s8 =	simm.s32 @!p0 $0x1BF5;
	p2 =	por !p2, p0  }
0x20: {  	[sflag:s8] =	ssyncset.s32 @!p0 $0xFFFFF086;
	s6 =	sadd.s32 @!p0 s3, s7;
	s7 =	simm.s32 @!p0 $0x108  }
0x21: {  	s3 =	sadd.s32 s3, s9;
	s6 =	sadd.s32 @!p0 $0x88, s6;
	s7 =	simm.s32 @p2 $0x1082  }
0x22: {  	[simem:s7], [sflag:s8] =	dma.local @!p0 [hbm:s6], $0xF7A  }
0x23: {  	s9 =	sor.u32 $0xD0000000, s2;
	s6 =	simm.s32 $0x108;
	_ =	swait.ge @!p0 [sflag:s8], $0x0  }
0x24: {  	s3 =	sadd.s32 $0x88, s3;
	s6 =	simm.s32 @!p1 $0x1082;
	[sflag:s4] =	ssyncset.s32 $0xFFFFF086  }
0x25: {  	[simem:s6], [sflag:s4] =	dma.local [hbm:s3], $0xF7A  }
0x26: {  	[smem:$0x3F94] =	sst s1;
	(tag) =	ssettag s2;
	_ =	strace s9  }
0x27: {  	s1 =	sld [smem:$0x3FA4]  }
0x28: {  	s2 =	sld [smem:$0x3FA5]  }
0x29: {  	s4 =	sld [smem:$0x3FA7]  }
0x2a: {  	p0 =	seq.s32 s5, $0x0;
	s5 =	sld [smem:$0x3FA8]  }
0x2b: {  	s6 =	sld [smem:$0x3FA9]  }
0x2c: {  	s7 =	sld [smem:$0x3FAA]  }
0x2d: {  	s3 =	simm.s32 $0x108;
	s8 =	sld [smem:$0x3FAB]  }
0x2e: {  	s3 =	simm.s32 @!p0 $0x1082;
	s9 =	sld [smem:$0x3FAC]  }
0x2f: {  	lr =	sadd.s32 s0, s3;
	s0 =	sld [smem:$0x3FA3]  }
0x30: {  	s3 =	sld [smem:$0x3FA6]  }
0x31: {  	[smem:$0x3FAF] =	sst s10  }
0x32: {  	s10 =	sld [smem:$0x3FAD];
	_ =	sdelay $0x3  }
0x33: {  	p0 =	seq.s32 s10, $0x1;
	s10 =	sld [smem:$0x3FAF];
	_ =	sdelay $0x3  }
0x34: {  	[smem:$0x3FAF] =	sst s10  }
0x35: {  	s10 =	sld [smem:$0x3FAE];
	_ =	sdelay $0x3  }
0x36: {  	p1 =	seq.s32 s10, $0x1;
	s10 =	sld [smem:$0x3FAF];
	_ =	sdelay $0x3  }
0x37: {  	[smem:$0x3FAF] =	sst s10  }
0x38: {  	s10 =	sld [smem:$0x3FB0]  }
0x39: {  	_ = 	snop;
	(pc) =	sbr.ind lr, $3  }
0x3a: {  	_ = 	snop  }
0x3b: {  	_ = 	snop  }
0x3c: {  	p2 =	seq.s32 s10, $0x1;
	s10 =	sld [smem:$0x3FAF]  }
0x3d: {  	_ =	shalt  }
0x3e: {  	_ =	shalt  }
0x3f: {  	_ =	shalt  }
0x40: {  	_ =	shalt  }
0x41: {  	_ =	shalt  }
0x42: {  	_ =	shalt  }
0x43: {  	_ =	shalt  }
0x44: {  	_ =	shalt  }
0x45: {  	_ =	shalt  }
0x46: {  	_ =	shalt  }
0x47: {  	_ =	shalt  }
0x48: {  	_ =	shalt  }
0x49: {  	_ =	shalt  }
0x4a: {  	_ =	shalt  }
0x4b: {  	_ =	shalt  }
0x4c: {  	_ =	shalt  }
0x4d: {  	_ =	shalt  }
0x4e: {  	_ =	shalt  }
0x4f: {  	_ =	shalt  }
0x50: {  	_ =	shalt  }
0x51: {  	_ =	shalt  }
0x52: {  	_ =	shalt  }
0x53: {  	_ =	shalt  }
0x54: {  	_ =	shalt  }
0x55: {  	_ =	shalt  }
0x56: {  	_ =	shalt  }
0x57: {  	_ =	shalt  }
0x58: {  	_ =	shalt  }
0x59: {  	_ =	shalt  }
0x5a: {  	_ =	shalt  }
0x5b: {  	_ =	shalt  }
0x5c: {  	_ =	shalt  }
0x5d: {  	_ =	shalt  }
0x5e: {  	_ =	shalt  }
0x5f: {  	_ =	shalt  }
0x60: {  	_ =	shalt  }
0x61: {  	_ =	shalt  }
0x62: {  	_ =	shalt  }
0x63: {  	_ =	shalt  }
0x64: {  	_ =	shalt  }
0x65: {  	_ =	shalt  }
0x66: {  	_ =	shalt  }
0x67: {  	_ =	shalt  }
0x68: {  	_ =	shalt  }
0x69: {  	_ =	shalt  }
0x6a: {  	_ =	shalt  }
0x6b: {  	_ =	shalt  }
0x6c: {  	_ =	shalt  }
0x6d: {  	_ =	shalt  }
0x6e: {  	_ =	shalt  }
0x6f: {  	_ =	shalt  }
0x70: {  	_ =	shalt  }
0x71: {  	_ =	shalt  }
0x72: {  	_ =	shalt  }
0x73: {  	_ =	shalt  }
0x74: {  	_ =	shalt  }
0x75: {  	_ =	shalt  }
0x76: {  	_ =	shalt  }
0x77: {  	_ =	shalt  }
0x78: {  	_ =	shalt  }
0x79: {  	_ =	shalt  }
0x7a: {  	_ =	shalt  }
0x7b: {  	_ =	shalt  }
0x7c: {  	_ =	shalt  }
0x7d: {  	_ =	shalt  }
0x7e: {  	_ =	shalt  }
0x7f: {  	_ =	shalt  }
0x80: {  	_ =	shalt  }
0x81: {  	_ =	shalt  }
0x82: {  	_ =	shalt  }
0x83: {  	_ =	shalt  }
0x84: {  	_ =	shalt  }
0x85: {  	_ =	shalt  }
0x86: {  	_ =	shalt  }
0x87: {  	_ =	shalt  }
.Lfunc_end0:
.L_simem_size_0:
called_computation_lowered:
.L_overlay_start_0:
0x88: {  	s2 =	sld [smem:$0x3FD9]  }
0x89: {  	s3 =	sld [smem:$0x3FFE];
	_ =	sdelay $0x1  }
0x8a: {  	s1 =	srdreg.scid  }
0x8b: {  	s0 =	sand.u32 $0x1, s1  }
0x8c: {  	s16 =	sshll.u32 s0, $0xA;
	s2 =	sadd.s32 s3, s2  }
0x8d: {  	s2 =	sadd.s32 s2, s16  }
0x8e: {  	[smem:$0x3FBB] =	sst s2  }
0x8f: {  	_ = 	snop  }
0x90: {  	(tm) =	ssettm $0x1  }
0x91: {  	s17 =	sld [smem:$0x3FFB];
	_ =	sdelay $0x3  }
0x92: {  	_ =	strace s17  }
0x93: {  	s2 =	sld [smem:$0x3FFC];
	_ =	sdelay $0x3  }
0x94: {  	_ =	strace s2  }
0x95: {  	s2 =	sld [smem:$0x3FFD];
	_ =	sdelay $0x3  }
0x96: {  	_ =	strace s2  }
0x97: {  	_ =	strace $0x8FFFFFFF  }
0x98: {  	s18 =	sld [smem:$0x3FDB];
	_ =	sdelay $0x1  }
0x99: {  	s19 =	simm.s32 $_scs_section_size  }
0x9a: {  	s4 =	simm.s32 $_size__tile_overlayer_lowered;
	s5 =	simm.s32 $_tile_overlayer_lowered  }
0x9b: {  	s22 =	simm.s32 $0x1BFF;
	s21 =	sshll.u32 s5, $0x1;
	s2 =	sadd.s32 s19, s18  }
0x9c: {  	s6 =	simm.s32 $0x0;
	s20 =	sshll.u32 s4, $0x1;
	s4 =	sadd.s32 s21, s2  }
0x9d: {  	[timem:s6], [sflag:s22] =	dma.local [hbm:s4], s20  }
0x9e: {  	_ =	swait.ge [sflag:s22], s20  }
0x9f: {  	s3 =	ssub.s32 $0x0, s20;
	[sflag:s22] =	ssyncset.done $0x0  }
0xa0: {  	[sflag:s22] =	ssyncadd.s32 s3;
	_ =	sdelay $0x1  }
0xa1: {  	s23 =	simm.s32 $0x1B8B  }
0xa2: {  	_ =	swait.ge [sflag:s23], $0x1  }
0xa3: {  	[sflag:s23] =	ssyncset.done $0x0  }
0xa4: {  	s25 =	simm.s32 $0x1B8E;
	s24 =	sld [smem:$0x3FFE];
	[sflag:s23] =	ssyncadd.s32 $0xFFFFFFFF  }
0xa5: {  	s26 =	simm.s32 $execute0_lowered;
	[smem:$0x3FD2] =	sst s25  }
0xa6: {  	s4 =	sshll.u32 s26, $0x1;
	_ =	strace $0x80000046;
	[dreg:$0x1] =	wrdreg $0xFFFFFFFF  }
0xa7: {  	s28 =	simm.s32 $_size_execute0_lowered;
	s2 =	sadd.s32 s2, s4;
	[dreg:$0x0] =	wrdreg $0x0  }
0xa8: {  	s4 =	sshll.u32 s28, $0x1;
	[dreg:$0x2] =	wrdreg s2  }
0xa9: {  	[dreg:$0x3] =	wrdreg s4  }
0xaa: {  	[dreg:$0x4] =	wrdreg $0xC0  }
0xab: {  	_ =	task [dreg:s6], $0x5FFFF  }
0xac: {  	[dreg:$0x1] =	wrdreg $0xFFFFFFFF  }
0xad: {  	[dreg:$0x0] =	wrdreg $0x60  }
0xae: {  	[dreg:$0x2] =	wrdreg s24  }
0xaf: {  	[dreg:$0x3] =	wrdreg $0x5A000  }
0xb0: {  	[dreg:$0x4] =	wrdreg $0x9  }
0xb1: {  	_ =	task.clear_ibuf [dreg:s6], $0x5FFFF;
	_ =	strace $0x90000046  }
0xb2: {  	s29 =	simm.s32 $0x9;
	_ =	strace $0x80000048  }
0xb3: {  	_ =	swait.ge [sflag:s29], $0x1  }
0xb4: {  	[sflag:s29] =	ssyncadd.s32 $0xFFFFFFFF  }
0xb5: {  	_ =	strace $0x90000048  }
0xb6: {  	_ =	sfence  }
0xb7: {  	s30 =	sld [smem:$0x0];
	_ =	sdelay $0x2  }
0xb8: {  	s31 =	sshll.u32 s1, $0xD;
	s1 =	sshrl.u32 s1, $0x2  }
0xb9: {  	s3 =	sand.u32 $0x4000, s31;
	s1 =	sadd.s32 s1, s30  }
0xba: {  	s0 =	sor.u32 s3, s0;
	s1 =	sshll.u32 s1, $0x11  }
0xbb: {  	s0 =	sor.u32 s1, s0  }
0xbc: {  	s0 =	sadd.s32 $0x8F2B, s0  }
0xbd: {  	[sflag:s0] =	ssyncadd.remote.s32 $0x1  }
0xbe: {  	_ =	sfence.sel $0xFFFF  }
0xbf: {  	[dreg:$0x0] =	wrdreg $0xFFFFFFFF;
	(pc) =	sbr.abs _section_cstart, $3  }
0xc0: {  	[dreg:$0x1] =	wrdreg $0xFFFFFFFF  }
0xc1: {  	_ =	task.clear_ibuf [dreg:s6], $0x2FFFF;
	_ =	strace $0x9FFFFFFF  }
0xc2: {  	(tm) =	ssettm $0x7FFFFFFF  }
0xc3: {  	_ =	shalt  }
tec
execute0_lowered:
.L_overlay_start_1:
0x0: {  	(tag) =	ssettag $0x1  }
0x1: {  	s0 =	rddreg [dreg:$0x0]  }
0x2: {  	s1 =	rddreg [dreg:$0x1]  }
0x3: {  	s2 =	simm.s32 $0x0;
	s4 =	srdreg.scid;
	s13 =	stileid.u32  }
0x4: {  	[smem:$0x7FF] =	sst s2;
	s3 =	sadd.s32 $0x15800, s0;
	s7 =	smul.u32 $0x4E000, s13  }
0x5: {  	s5 =	sadd.s32 $0xBA00, s0;
	s4 =	sand.u32 $0x1, s4;
	s6 =	sadd.s32 $0x1C00, s0  }
0x6: {  	s0 =	sadd.s32 $0x3CA00, s0;
	s23 =	smul.u32 $0x13800, s13;
	s7 =	sshrl.u32 s7, $0x2  }
0x7: {  	s10 =	sshll.u32 s13, $0x1;
	s25 =	smul.u32 $0x4E20, s13;
	s7 =	sadd.s32 s7, s1  }
0x8: {  	p0 =	sne.s32 s13, $0x0;
	_ =	strace $0x80000047;
	s17 =	sadd.s32 $0x800, s7  }
0x9: {  	s8 =	ssub.s32 $0x2, s4;
	s18 =	sadd.s32 $0x1000, s7;
	[dreg:$0x3] =	wrdreg s17  }
0xa: {  	s16 =	sor.u32 s4, s10;
	s19 =	sadd.s32 $0x1800, s7;
	[dreg:$0x4] =	wrdreg s18  }
0xb: {  	s21 =	smul.u32 $0x138800, s4;
	s20 =	sadd.s32 $0x2000, s7;
	[dreg:$0x5] =	wrdreg s19  }
0xc: {  	s4 =	smul.u32 $0x2710, s4;
	s11 =	sadd.s32 $0x2800, s7;
	[dreg:$0x6] =	wrdreg s20  }
0xd: {  	s9 =	sshrl.u32 s8, $0x1;
	s22 =	sadd.s32 $0x3000, s7;
	[dreg:$0x7] =	wrdreg s11  }
0xe: {  	s8 =	ssub.s32 s8, s9;
	s12 =	sadd.s32 $0x3800, s7;
	[dreg:$0x8] =	wrdreg s22  }
0xf: {  	s9 =	smul.u32 $0x2710, s16;
	s24 =	sadd.s32 $0x4000, s7;
	[dreg:$0x9] =	wrdreg s12  }
0x10: {  	s15 =	sadd.s32 s23, s21;
	s14 =	sadd.s32 $0x4800, s7;
	[dreg:$0xa] =	wrdreg s24  }
0x11: {  	s10 =	sshrl.u32 s21, $0x3;
	s26 =	sadd.s32 $0x5000, s7;
	[dreg:$0xb] =	wrdreg s14  }
0x12: {  	s4 =	sadd.s32 s4, s25;
	s8 =	smax.u32 s8, $0x1;
	[dreg:$0xc] =	wrdreg s26  }
0x13: {  	s16 =	sadd.s32 $0x50, s4;
	s21 =	sadd.s32 $0x6800, s7;
	[dreg:$0x11] =	wrdreg s8  }
0x14: {  	s23 =	sadd.s32 $0xA0, s4;
	s4 =	sadd.s32 $0x8800, s7;
	[dreg:$0x14] =	wrdreg s21  }
0x15: {  	s10 =	sadd.s32 s0, s10;
	s13 =	sadd.s32 $0xB800, s7;
	[dreg:$0x18] =	wrdreg s4  }
0x16: {  	s17 =	sadd.s32 $0x27000, s10;
	[dreg:$0x1e] =	wrdreg s13  }
0x17: {  	s19 =	sadd.s32 $0x5800, s7;
	[dreg:$0x10] =	wrdreg s17  }
0x18: {  	s20 =	sadd.s32 $0x6000, s7;
	[dreg:$0x12] =	wrdreg s19  }
0x19: {  	s22 =	sadd.s32 $0x7000, s7;
	[dreg:$0x13] =	wrdreg s20  }
0x1a: {  	s26 =	sadd.s32 $0x7800, s7;
	[dreg:$0x15] =	wrdreg s22  }
0x1b: {  	s8 =	sadd.s32 $0x9000, s7;
	[dreg:$0x16] =	wrdreg s26  }
0x1c: {  	s29 =	sadd.s32 $0x11800, s7;
	s10 =	sadd.s32 $0xA000, s7;
	[dreg:$0x19] =	wrdreg s8  }
0x1d: {  	s30 =	sadd.s32 $0x12000, s7;
	s11 =	sadd.s32 $0xA800, s7;
	[dreg:$0x1b] =	wrdreg s10  }
0x1e: {  	s31 =	sadd.s32 $0x12800, s7;
	s12 =	sadd.s32 $0xB000, s7;
	[dreg:$0x1c] =	wrdreg s11  }
0x1f: {  	s9 =	sshrl.u32 s9, $0x3;
	s14 =	sadd.s32 $0xC000, s7;
	[dreg:$0x1d] =	wrdreg s12  }
0x20: {  	s18 =	sshrl.u32 s16, $0x3;
	s16 =	sadd.s32 $0xD000, s7;
	[dreg:$0x1f] =	wrdreg s14  }
0x21: {  	s21 =	sadd.s32 $0xF800, s7;
	s4 =	sadd.s32 $0x138000, s1;
	[smem:$0x7F5] =	sst s16  }
0x22: {  	s13 =	simm.s32 $0x80;
	s28 =	sadd.s32 s5, s9;
	[smem:$0x7FA] =	sst s21  }
0x23: {  	s9 =	sadd.s32 s6, s9;
	s24 =	sadd.s32 s18, s6;
	[dreg:$0xd] =	wrdreg s28  }
0x24: {  	s25 =	sadd.s32 s18, s5;
	s17 =	sadd.s32 $0xD800, s7;
	[dreg:$0xe] =	wrdreg s9  }
0x25: {  	s18 =	sadd.s32 $0xE000, s7;
	s19 =	sadd.s32 $0xE800, s7;
	[smem:$0x7F6] =	sst s17  }
0x26: {  	s20 =	sadd.s32 $0xF000, s7;
	s22 =	sadd.s32 $0x10000, s7;
	[smem:$0x7F7] =	sst s18  }
0x27: {  	s26 =	sadd.s32 $0x10800, s7;
	s8 =	simm.s32 $0x5200;
	[smem:$0x7F8] =	sst s19  }
0x28: {  	s10 =	simm.s32 $0x100;
	s11 =	simm.s32 $0x50;
	[smem:$0x7F9] =	sst s20  }
0x29: {  	s12 =	simm.s32 $0x200;
	s14 =	simm.s32 $0x180;
	[smem:$0x7FB] =	sst s22  }
0x2a: {  	s16 =	simm.s32 $0x1;
	s28 =	sadd.s32 $0x8000, s7;
	[smem:$0x7FC] =	sst s26  }
0x2b: {  	s9 =	sshrl.u32 s15, $0x3;
	s15 =	sadd.s32 $0xC800, s7;
	[dreg:$0x17] =	wrdreg s28  }
0x2c: {  	s17 =	simm.s32 $0x2;
	s0 =	sadd.s32 s0, s9;
	[smem:$0x7F4] =	sst s15  }
0x2d: {  	s18 =	simm.s32 $0x0;
	s9 =	sadd.s32 $0x9800, s7;
	[dreg:$0xf] =	wrdreg s0  }
0x2e: {  	s28 =	sadd.s32 $0x11000, s7;
	s15 =	simm.s32 $0x2A00;
	[dreg:$0x1a] =	wrdreg s9  }
0x2f: {  	v0 =	vimm.f32 $0.0e+00;
	[smem:$0x7FD] =	sst s28;
	s0 =	sadd.s32 $0x13000, s7;
	s9 =	simm.s32 $0x3  }
.LBB2_1:
0x30: {  	[tilespmem:$0x5200] =	vst v0  }
0x31: {  	[tilespmem:$0x5210] =	vst v0  }
0x32: {  	[tilespmem:$0x5220] =	vst v0  }
0x33: {  	[tilespmem:$0x5230] =	vst v0  }
0x34: {  	[tilespmem:$0x5240] =	vst v0  }
0x35: {  	[tilespmem:$0x5250] =	vst v0  }
0x36: {  	[tilespmem:$0x5260] =	vst v0  }
0x37: {  	[tilespmem:$0x5270] =	vst v0  }
0x38: {  	[tilespmem:$0x5280] =	vst v0  }
0x39: {  	[tilespmem:$0x5290] =	vst v0  }
0x3a: {  	[tilespmem:$0x52A0] =	vst v0  }
0x3b: {  	[tilespmem:$0x52B0] =	vst v0  }
0x3c: {  	[tilespmem:$0x52C0] =	vst v0  }
0x3d: {  	[tilespmem:$0x52D0] =	vst v0  }
0x3e: {  	[tilespmem:$0x52E0] =	vst v0  }
0x3f: {  	[tilespmem:$0x52F0] =	vst v0  }
0x40: {  	[tilespmem:$0x5300] =	vst v0  }
0x41: {  	[tilespmem:$0x5310] =	vst v0  }
0x42: {  	[tilespmem:$0x5320] =	vst v0  }
0x43: {  	[tilespmem:$0x5330] =	vst v0  }
0x44: {  	[tilespmem:$0x5340] =	vst v0  }
0x45: {  	[tilespmem:$0x5350] =	vst v0  }
0x46: {  	[tilespmem:$0x5360] =	vst v0  }
0x47: {  	[tilespmem:$0x5370] =	vst v0  }
0x48: {  	[tilespmem:$0x5380] =	vst v0  }
0x49: {  	[tilespmem:$0x5390] =	vst v0  }
0x4a: {  	[tilespmem:$0x53A0] =	vst v0  }
0x4b: {  	[tilespmem:$0x53B0] =	vst v0  }
0x4c: {  	[tilespmem:$0x53C0] =	vst v0  }
0x4d: {  	[tilespmem:$0x53D0] =	vst v0  }
0x4e: {  	[tilespmem:$0x53E0] =	vst v0  }
0x4f: {  	[tilespmem:$0x53F0] =	vst v0  }
0x50: {  	[tilespmem:$0x5400] =	vst v0  }
0x51: {  	[tilespmem:$0x5410] =	vst v0  }
0x52: {  	[tilespmem:$0x5420] =	vst v0  }
0x53: {  	[tilespmem:$0x5430] =	vst v0  }
0x54: {  	[tilespmem:$0x5440] =	vst v0  }
0x55: {  	[tilespmem:$0x5450] =	vst v0  }
0x56: {  	[tilespmem:$0x5460] =	vst v0  }
0x57: {  	[tilespmem:$0x5470] =	vst v0  }
0x58: {  	[tilespmem:$0x5480] =	vst v0  }
0x59: {  	[tilespmem:$0x5490] =	vst v0  }
0x5a: {  	[tilespmem:$0x54A0] =	vst v0  }
0x5b: {  	[tilespmem:$0x54B0] =	vst v0  }
0x5c: {  	[tilespmem:$0x54C0] =	vst v0  }
0x5d: {  	[tilespmem:$0x54D0] =	vst v0  }
0x5e: {  	[tilespmem:$0x54E0] =	vst v0  }
0x5f: {  	[tilespmem:$0x54F0] =	vst v0  }
0x60: {  	[tilespmem:$0x5500] =	vst v0  }
0x61: {  	[tilespmem:$0x5510] =	vst v0  }
0x62: {  	[tilespmem:$0x5520] =	vst v0  }
0x63: {  	[tilespmem:$0x5530] =	vst v0  }
0x64: {  	[tilespmem:$0x5540] =	vst v0  }
0x65: {  	[tilespmem:$0x5550] =	vst v0  }
0x66: {  	[tilespmem:$0x5560] =	vst v0  }
0x67: {  	[tilespmem:$0x5570] =	vst v0  }
0x68: {  	[tilespmem:$0x5580] =	vst v0  }
0x69: {  	[tilespmem:$0x5590] =	vst v0  }
0x6a: {  	[tilespmem:$0x55A0] =	vst v0  }
0x6b: {  	[tilespmem:$0x55B0] =	vst v0  }
0x6c: {  	[tilespmem:$0x55C0] =	vst v0  }
0x6d: {  	[tilespmem:$0x55D0] =	vst v0  }
0x6e: {  	[tilespmem:$0x55E0] =	vst v0  }
0x6f: {  	[tilespmem:$0x55F0] =	vst v0  }
0x70: {  	[tilespmem:$0x5600] =	vst v0  }
0x71: {  	[tilespmem:$0x5610] =	vst v0  }
0x72: {  	[tilespmem:$0x5620] =	vst v0  }
0x73: {  	[tilespmem:$0x5630] =	vst v0  }
0x74: {  	[tilespmem:$0x5640] =	vst v0  }
0x75: {  	[tilespmem:$0x5650] =	vst v0  }
0x76: {  	[tilespmem:$0x5660] =	vst v0  }
0x77: {  	[tilespmem:$0x5670] =	vst v0  }
0x78: {  	[tilespmem:$0x5680] =	vst v0  }
0x79: {  	[tilespmem:$0x5690] =	vst v0  }
0x7a: {  	[tilespmem:$0x56A0] =	vst v0  }
0x7b: {  	[tilespmem:$0x56B0] =	vst v0  }
0x7c: {  	[tilespmem:$0x56C0] =	vst v0  }
0x7d: {  	[tilespmem:$0x56D0] =	vst v0  }
0x7e: {  	[tilespmem:$0x56E0] =	vst v0  }
0x7f: {  	[tilespmem:$0x56F0] =	vst v0  }
0x80: {  	[tilespmem:$0x5700] =	vst v0  }
0x81: {  	[tilespmem:$0x5710] =	vst v0  }
0x82: {  	[tilespmem:$0x5720] =	vst v0  }
0x83: {  	[tilespmem:$0x5730] =	vst v0  }
0x84: {  	[tilespmem:$0x5740] =	vst v0  }
0x85: {  	[tilespmem:$0x5750] =	vst v0  }
0x86: {  	[tilespmem:$0x5760] =	vst v0  }
0x87: {  	[tilespmem:$0x5770] =	vst v0  }
0x88: {  	[tilespmem:$0x5780] =	vst v0  }
0x89: {  	[tilespmem:$0x5790] =	vst v0  }
0x8a: {  	[tilespmem:$0x57A0] =	vst v0  }
0x8b: {  	[tilespmem:$0x57B0] =	vst v0  }
0x8c: {  	[tilespmem:$0x57C0] =	vst v0  }
0x8d: {  	[tilespmem:$0x57D0] =	vst v0  }
0x8e: {  	[tilespmem:$0x57E0] =	vst v0  }
0x8f: {  	[tilespmem:$0x57F0] =	vst v0  }
0x90: {  	[tilespmem:$0x5800] =	vst v0  }
0x91: {  	[tilespmem:$0x5810] =	vst v0  }
0x92: {  	[tilespmem:$0x5820] =	vst v0  }
0x93: {  	[tilespmem:$0x5830] =	vst v0  }
0x94: {  	[tilespmem:$0x5840] =	vst v0  }
0x95: {  	[tilespmem:$0x5850] =	vst v0  }
0x96: {  	[tilespmem:$0x5860] =	vst v0  }
0x97: {  	[tilespmem:$0x5870] =	vst v0  }
0x98: {  	[tilespmem:$0x5880] =	vst v0  }
0x99: {  	[tilespmem:$0x5890] =	vst v0  }
0x9a: {  	[tilespmem:$0x58A0] =	vst v0  }
0x9b: {  	[tilespmem:$0x58B0] =	vst v0  }
0x9c: {  	[tilespmem:$0x58C0] =	vst v0  }
0x9d: {  	[tilespmem:$0x58D0] =	vst v0  }
0x9e: {  	[tilespmem:$0x58E0] =	vst v0  }
0x9f: {  	[tilespmem:$0x58F0] =	vst v0  }
0xa0: {  	[tilespmem:$0x5900] =	vst v0  }
0xa1: {  	[tilespmem:$0x5910] =	vst v0  }
0xa2: {  	[tilespmem:$0x5920] =	vst v0  }
0xa3: {  	[tilespmem:$0x5930] =	vst v0  }
0xa4: {  	[tilespmem:$0x5940] =	vst v0  }
0xa5: {  	[tilespmem:$0x5950] =	vst v0  }
0xa6: {  	[tilespmem:$0x5960] =	vst v0  }
0xa7: {  	[tilespmem:$0x5970] =	vst v0  }
0xa8: {  	[tilespmem:$0x5980] =	vst v0  }
0xa9: {  	[tilespmem:$0x5990] =	vst v0  }
0xaa: {  	[tilespmem:$0x59A0] =	vst v0  }
0xab: {  	[tilespmem:$0x59B0] =	vst v0  }
0xac: {  	[tilespmem:$0x59C0] =	vst v0  }
0xad: {  	[tilespmem:$0x59D0] =	vst v0  }
0xae: {  	[tilespmem:$0x59E0] =	vst v0  }
0xaf: {  	[tilespmem:$0x59F0] =	vst v0  }
0xb0: {  	[spmem:s7] =	stream.linear.scatter [tilespmem:s8], [sflag:$0x3], $0x800, $0x38;
	[tilespmem:$0x19280] =	vst v63  }
0xb1: {  	_ =	swait.ge [sflag:s9], $0x800  }
0xb2: {  	[sflag:s9] =	ssyncset.done $0x0  }
0xb3: {  	s19 =	rddreg [dreg:$0x3];
	[sflag:s9] =	ssyncadd.s32 $0xFFFFF800  }
0xb4: {  	[spmem:s19] =	stream.linear.scatter [tilespmem:s8], [sflag:$0x3], $0x800, $0x38;
	[tilespmem:$0x19280] =	vst v63  }
0xb5: {  	_ =	swait.ge [sflag:s9], $0x800  }
0xb6: {  	[sflag:s9] =	ssyncset.done $0x0  }
0xb7: {  	s22 =	rddreg [dreg:$0x4];
	[sflag:s9] =	ssyncadd.s32 $0xFFFFF800  }
0xb8: {  	[spmem:s22] =	stream.linear.scatter [tilespmem:s8], [sflag:$0x3], $0x800, $0x38;
	[tilespmem:$0x19280] =	vst v63  }
0xb9: {  	_ =	swait.ge [sflag:s9], $0x800  }
0xba: {  	[sflag:s9] =	ssyncset.done $0x0  }
0xbb: {  	s26 =	rddreg [dreg:$0x5];
	[sflag:s9] =	ssyncadd.s32 $0xFFFFF800  }
0xbc: {  	[spmem:s26] =	stream.linear.scatter [tilespmem:s8], [sflag:$0x3], $0x800, $0x38;
	[tilespmem:$0x19280] =	vst v63  }
0xbd: {  	_ =	swait.ge [sflag:s9], $0x800  }
0xbe: {  	[sflag:s9] =	ssyncset.done $0x0  }
0xbf: {  	s28 =	rddreg [dreg:$0x6];
	[sflag:s9] =	ssyncadd.s32 $0xFFFFF800  }
0xc0: {  	[spmem:s28] =	stream.linear.scatter [tilespmem:s8], [sflag:$0x3], $0x800, $0x38;
	[tilespmem:$0x19280] =	vst v63  }
0xc1: {  	_ =	swait.ge [sflag:s9], $0x800  }
0xc2: {  	[sflag:s9] =	ssyncset.done $0x0  }
0xc3: {  	s20 =	rddreg [dreg:$0x7];
	[sflag:s9] =	ssyncadd.s32 $0xFFFFF800  }
0xc4: {  	[spmem:s20] =	stream.linear.scatter [tilespmem:s8], [sflag:$0x3], $0x800, $0x38;
	[tilespmem:$0x19280] =	vst v63  }
0xc5: {  	_ =	swait.ge [sflag:s9], $0x800  }
0xc6: {  	[sflag:s9] =	ssyncset.done $0x0  }
0xc7: {  	s21 =	rddreg [dreg:$0x8];
	[sflag:s9] =	ssyncadd.s32 $0xFFFFF800  }
0xc8: {  	[spmem:s21] =	stream.linear.scatter [tilespmem:s8], [sflag:$0x3], $0x800, $0x38;
	[tilespmem:$0x19280] =	vst v63  }
0xc9: {  	_ =	swait.ge [sflag:s9], $0x800  }
0xca: {  	[sflag:s9] =	ssyncset.done $0x0  }
0xcb: {  	s22 =	rddreg [dreg:$0x9];
	[sflag:s9] =	ssyncadd.s32 $0xFFFFF800  }
0xcc: {  	[spmem:s22] =	stream.linear.scatter [tilespmem:s8], [sflag:$0x3], $0x800, $0x38;
	[tilespmem:$0x19280] =	vst v63  }
0xcd: {  	_ =	swait.ge [sflag:s9], $0x800  }
0xce: {  	[sflag:s9] =	ssyncset.done $0x0  }
0xcf: {  	s26 =	rddreg [dreg:$0xa];
	[sflag:s9] =	ssyncadd.s32 $0xFFFFF800  }
0xd0: {  	[spmem:s26] =	stream.linear.scatter [tilespmem:s8], [sflag:$0x3], $0x800, $0x38;
	[tilespmem:$0x19280] =	vst v63  }
0xd1: {  	_ =	swait.ge [sflag:s9], $0x800  }
0xd2: {  	[sflag:s9] =	ssyncset.done $0x0  }
0xd3: {  	s28 =	rddreg [dreg:$0xb];
	[sflag:s9] =	ssyncadd.s32 $0xFFFFF800  }
0xd4: {  	[spmem:s28] =	stream.linear.scatter [tilespmem:s8], [sflag:$0x3], $0x800, $0x38;
	[tilespmem:$0x19280] =	vst v63  }
0xd5: {  	_ =	swait.ge [sflag:s9], $0x800  }
0xd6: {  	[sflag:s9] =	ssyncset.done $0x0  }
0xd7: {  	s20 =	rddreg [dreg:$0xc];
	[sflag:s9] =	ssyncadd.s32 $0xFFFFF800  }
0xd8: {  	[spmem:s20] =	stream.linear.scatter [tilespmem:s8], [sflag:$0x3], $0x800, $0x38;
	[tilespmem:$0x19280] =	vst v63  }
0xd9: {  	_ =	swait.ge [sflag:s9], $0x800  }
0xda: {  	[sflag:s9] =	ssyncset.done $0x0  }
0xdb: {  	s21 =	rddreg [dreg:$0x12];
	[sflag:s9] =	ssyncadd.s32 $0xFFFFF800  }
0xdc: {  	[spmem:s21] =	stream.linear.scatter [tilespmem:s8], [sflag:$0x3], $0x800, $0x38;
	[tilespmem:$0x19280] =	vst v63  }
0xdd: {  	_ =	swait.ge [sflag:s9], $0x800  }
0xde: {  	[sflag:s9] =	ssyncset.done $0x0  }
0xdf: {  	s22 =	rddreg [dreg:$0x13];
	[sflag:s9] =	ssyncadd.s32 $0xFFFFF800  }
0xe0: {  	[spmem:s22] =	stream.linear.scatter [tilespmem:s8], [sflag:$0x3], $0x800, $0x38;
	[tilespmem:$0x19280] =	vst v63  }
0xe1: {  	_ =	swait.ge [sflag:s9], $0x800  }
0xe2: {  	[sflag:s9] =	ssyncset.done $0x0  }
0xe3: {  	s26 =	rddreg [dreg:$0x14];
	[sflag:s9] =	ssyncadd.s32 $0xFFFFF800  }
0xe4: {  	[spmem:s26] =	stream.linear.scatter [tilespmem:s8], [sflag:$0x3], $0x800, $0x38;
	[tilespmem:$0x19280] =	vst v63  }
0xe5: {  	_ =	swait.ge [sflag:s9], $0x800  }
0xe6: {  	[sflag:s9] =	ssyncset.done $0x0  }
0xe7: {  	s28 =	rddreg [dreg:$0x15];
	[sflag:s9] =	ssyncadd.s32 $0xFFFFF800  }
0xe8: {  	[spmem:s28] =	stream.linear.scatter [tilespmem:s8], [sflag:$0x3], $0x800, $0x38;
	[tilespmem:$0x19280] =	vst v63  }
0xe9: {  	_ =	swait.ge [sflag:s9], $0x800  }
0xea: {  	[sflag:s9] =	ssyncset.done $0x0  }
0xeb: {  	s20 =	rddreg [dreg:$0x16];
	[sflag:s9] =	ssyncadd.s32 $0xFFFFF800  }
0xec: {  	[spmem:s20] =	stream.linear.scatter [tilespmem:s8], [sflag:$0x3], $0x800, $0x38;
	[tilespmem:$0x19280] =	vst v63  }
0xed: {  	_ =	swait.ge [sflag:s9], $0x800  }
0xee: {  	[sflag:s9] =	ssyncset.done $0x0  }
0xef: {  	s21 =	rddreg [dreg:$0x17];
	[sflag:s9] =	ssyncadd.s32 $0xFFFFF800  }
0xf0: {  	[spmem:s21] =	stream.linear.scatter [tilespmem:s8], [sflag:$0x3], $0x800, $0x38;
	[tilespmem:$0x19280] =	vst v63  }
0xf1: {  	_ =	swait.ge [sflag:s9], $0x800  }
0xf2: {  	[sflag:s9] =	ssyncset.done $0x0  }
0xf3: {  	s22 =	rddreg [dreg:$0x18];
	[sflag:s9] =	ssyncadd.s32 $0xFFFFF800  }
0xf4: {  	[spmem:s22] =	stream.linear.scatter [tilespmem:s8], [sflag:$0x3], $0x800, $0x38;
	[tilespmem:$0x19280] =	vst v63  }
0xf5: {  	_ =	swait.ge [sflag:s9], $0x800  }
0xf6: {  	[sflag:s9] =	ssyncset.done $0x0  }
0xf7: {  	s26 =	rddreg [dreg:$0x19];
	[sflag:s9] =	ssyncadd.s32 $0xFFFFF800  }
0xf8: {  	[spmem:s26] =	stream.linear.scatter [tilespmem:s8], [sflag:$0x3], $0x800, $0x38;
	[tilespmem:$0x19280] =	vst v63  }
0xf9: {  	_ =	swait.ge [sflag:s9], $0x800  }
0xfa: {  	[sflag:s9] =	ssyncset.done $0x0  }
0xfb: {  	s28 =	rddreg [dreg:$0x1a];
	[sflag:s9] =	ssyncadd.s32 $0xFFFFF800  }
0xfc: {  	[spmem:s28] =	stream.linear.scatter [tilespmem:s8], [sflag:$0x3], $0x800, $0x38;
	[tilespmem:$0x19280] =	vst v63  }
0xfd: {  	_ =	swait.ge [sflag:s9], $0x800  }
0xfe: {  	[sflag:s9] =	ssyncset.done $0x0  }
0xff: {  	s20 =	rddreg [dreg:$0x1b];
	[sflag:s9] =	ssyncadd.s32 $0xFFFFF800  }
0x100: {  	[spmem:s20] =	stream.linear.scatter [tilespmem:s8], [sflag:$0x3], $0x800, $0x38;
	[tilespmem:$0x19280] =	vst v63  }
0x101: {  	_ =	swait.ge [sflag:s9], $0x800  }
0x102: {  	[sflag:s9] =	ssyncset.done $0x0  }
0x103: {  	s21 =	rddreg [dreg:$0x1c];
	[sflag:s9] =	ssyncadd.s32 $0xFFFFF800  }
0x104: {  	[spmem:s21] =	stream.linear.scatter [tilespmem:s8], [sflag:$0x3], $0x800, $0x38;
	[tilespmem:$0x19280] =	vst v63  }
0x105: {  	_ =	swait.ge [sflag:s9], $0x800  }
0x106: {  	[sflag:s9] =	ssyncset.done $0x0  }
0x107: {  	s22 =	rddreg [dreg:$0x1d];
	[sflag:s9] =	ssyncadd.s32 $0xFFFFF800  }
0x108: {  	[spmem:s22] =	stream.linear.scatter [tilespmem:s8], [sflag:$0x3], $0x800, $0x38;
	[tilespmem:$0x19280] =	vst v63  }
0x109: {  	_ =	swait.ge [sflag:s9], $0x800  }
0x10a: {  	[sflag:s9] =	ssyncset.done $0x0  }
0x10b: {  	s26 =	rddreg [dreg:$0x1e];
	[sflag:s9] =	ssyncadd.s32 $0xFFFFF800  }
0x10c: {  	[spmem:s26] =	stream.linear.scatter [tilespmem:s8], [sflag:$0x3], $0x800, $0x38;
	[tilespmem:$0x19280] =	vst v63  }
0x10d: {  	_ =	swait.ge [sflag:s9], $0x800  }
0x10e: {  	[sflag:s9] =	ssyncset.done $0x0  }
0x10f: {  	s28 =	rddreg [dreg:$0x1f];
	[sflag:s9] =	ssyncadd.s32 $0xFFFFF800  }
0x110: {  	[spmem:s28] =	stream.linear.scatter [tilespmem:s8], [sflag:$0x3], $0x800, $0x38;
	[tilespmem:$0x19280] =	vst v63  }
0x111: {  	_ =	swait.ge [sflag:s9], $0x800  }
0x112: {  	s20 =	sld [smem:$0x7F4]  }
0x113: {  	[sflag:s9] =	ssyncset.done $0x0  }
0x114: {  	[sflag:s9] =	ssyncadd.s32 $0xFFFFF800  }
0x115: {  	[spmem:s20] =	stream.linear.scatter [tilespmem:s8], [sflag:$0x3], $0x800, $0x38;
	[tilespmem:$0x19280] =	vst v63  }
0x116: {  	_ =	swait.ge [sflag:s9], $0x800  }
0x117: {  	s21 =	sld [smem:$0x7F5]  }
0x118: {  	[sflag:s9] =	ssyncset.done $0x0  }
0x119: {  	[sflag:s9] =	ssyncadd.s32 $0xFFFFF800  }
0x11a: {  	[spmem:s21] =	stream.linear.scatter [tilespmem:s8], [sflag:$0x3], $0x800, $0x38;
	[tilespmem:$0x19280] =	vst v63  }
0x11b: {  	_ =	swait.ge [sflag:s9], $0x800  }
0x11c: {  	s22 =	sld [smem:$0x7F6]  }
0x11d: {  	[sflag:s9] =	ssyncset.done $0x0  }
0x11e: {  	[sflag:s9] =	ssyncadd.s32 $0xFFFFF800  }
0x11f: {  	[spmem:s22] =	stream.linear.scatter [tilespmem:s8], [sflag:$0x3], $0x800, $0x38;
	[tilespmem:$0x19280] =	vst v63  }
0x120: {  	_ =	swait.ge [sflag:s9], $0x800  }
0x121: {  	s26 =	sld [smem:$0x7F7]  }
0x122: {  	[sflag:s9] =	ssyncset.done $0x0  }
0x123: {  	[sflag:s9] =	ssyncadd.s32 $0xFFFFF800  }
0x124: {  	[spmem:s26] =	stream.linear.scatter [tilespmem:s8], [sflag:$0x3], $0x800, $0x38;
	[tilespmem:$0x19280] =	vst v63  }
0x125: {  	_ =	swait.ge [sflag:s9], $0x800  }
0x126: {  	s28 =	sld [smem:$0x7F8]  }
0x127: {  	[sflag:s9] =	ssyncset.done $0x0  }
0x128: {  	[sflag:s9] =	ssyncadd.s32 $0xFFFFF800  }
0x129: {  	[spmem:s28] =	stream.linear.scatter [tilespmem:s8], [sflag:$0x3], $0x800, $0x38;
	[tilespmem:$0x19280] =	vst v63  }
0x12a: {  	_ =	swait.ge [sflag:s9], $0x800  }
0x12b: {  	s20 =	sld [smem:$0x7F9]  }
0x12c: {  	[sflag:s9] =	ssyncset.done $0x0  }
0x12d: {  	[sflag:s9] =	ssyncadd.s32 $0xFFFFF800  }
0x12e: {  	[spmem:s20] =	stream.linear.scatter [tilespmem:s8], [sflag:$0x3], $0x800, $0x38;
	[tilespmem:$0x19280] =	vst v63  }
0x12f: {  	_ =	swait.ge [sflag:s9], $0x800  }
0x130: {  	s21 =	sld [smem:$0x7FA]  }
0x131: {  	[sflag:s9] =	ssyncset.done $0x0  }
0x132: {  	[sflag:s9] =	ssyncadd.s32 $0xFFFFF800  }
0x133: {  	[spmem:s21] =	stream.linear.scatter [tilespmem:s8], [sflag:$0x3], $0x800, $0x38;
	[tilespmem:$0x19280] =	vst v63  }
0x134: {  	_ =	swait.ge [sflag:s9], $0x800  }
0x135: {  	s22 =	sld [smem:$0x7FB]  }
0x136: {  	[sflag:s9] =	ssyncset.done $0x0  }
0x137: {  	[sflag:s9] =	ssyncadd.s32 $0xFFFFF800  }
0x138: {  	[spmem:s22] =	stream.linear.scatter [tilespmem:s8], [sflag:$0x3], $0x800, $0x38;
	[tilespmem:$0x19280] =	vst v63  }
0x139: {  	_ =	swait.ge [sflag:s9], $0x800  }
0x13a: {  	s26 =	sld [smem:$0x7FC]  }
0x13b: {  	[sflag:s9] =	ssyncset.done $0x0  }
0x13c: {  	[sflag:s9] =	ssyncadd.s32 $0xFFFFF800  }
0x13d: {  	[spmem:s26] =	stream.linear.scatter [tilespmem:s8], [sflag:$0x3], $0x800, $0x38;
	[tilespmem:$0x19280] =	vst v63  }
0x13e: {  	_ =	swait.ge [sflag:s9], $0x800  }
0x13f: {  	s28 =	sld [smem:$0x7FD]  }
0x140: {  	[sflag:s9] =	ssyncset.done $0x0  }
0x141: {  	[sflag:s9] =	ssyncadd.s32 $0xFFFFF800  }
0x142: {  	[spmem:s28] =	stream.linear.scatter [tilespmem:s8], [sflag:$0x3], $0x800, $0x38;
	[tilespmem:$0x19280] =	vst v63  }
0x143: {  	_ =	swait.ge [sflag:s9], $0x800  }
0x144: {  	[sflag:s9] =	ssyncset.done $0x0  }
0x145: {  	[sflag:s9] =	ssyncadd.s32 $0xFFFFF800  }
0x146: {  	[spmem:s29] =	stream.linear.scatter [tilespmem:s8], [sflag:$0x3], $0x800, $0x38;
	[tilespmem:$0x19280] =	vst v63  }
0x147: {  	_ =	swait.ge [sflag:s9], $0x800  }
0x148: {  	[sflag:s9] =	ssyncset.done $0x0  }
0x149: {  	[sflag:s9] =	ssyncadd.s32 $0xFFFFF800  }
0x14a: {  	[spmem:s30] =	stream.linear.scatter [tilespmem:s8], [sflag:$0x3], $0x800, $0x38;
	[tilespmem:$0x19280] =	vst v63  }
0x14b: {  	_ =	swait.ge [sflag:s9], $0x800  }
0x14c: {  	[sflag:s9] =	ssyncset.done $0x0  }
0x14d: {  	[sflag:s9] =	ssyncadd.s32 $0xFFFFF800  }
0x14e: {  	[spmem:s31] =	stream.linear.scatter [tilespmem:s8], [sflag:$0x3], $0x800, $0x38;
	[tilespmem:$0x19280] =	vst v63  }
0x14f: {  	_ =	swait.ge [sflag:s9], $0x800  }
0x150: {  	[sflag:s9] =	ssyncset.done $0x0  }
0x151: {  	[sflag:s9] =	ssyncadd.s32 $0xFFFFF800  }
0x152: {  	[spmem:s0] =	stream.linear.scatter [tilespmem:s8], [sflag:$0x3], $0x800, $0x38;
	[tilespmem:$0x19280] =	vst v63  }
0x153: {  	_ =	swait.ge [sflag:s9], $0x800  }
0x154: {  	[sflag:s9] =	ssyncset.done $0x0  }
0x155: {  	s19 =	simm.s32 @!p0 $0x5200;
	[sflag:s9] =	ssyncadd.s32 $0xFFFFF800  }
0x156: {  	[spmem:s4] =	stream.linear.scatter @!p0 [tilespmem:s19], [sflag:$0x3], $0x800, $0x38;
	[tilespmem:$0x19280] =	vst v63  }
0x157: {  	s19 =	simm.s32 @!p0 $0x3  }
0x158: {  	_ =	swait.ge @!p0 [sflag:s19], $0x800  }
0x159: {  	[sflag:s19] =	ssyncset.done @!p0 $0x0  }
0x15a: {  	[sflag:s19] =	ssyncadd.s32 @!p0 $0xFFFFF800  }
0x15b: {  	[bflag:$0x0] =	sbarrier.arrive $0xFFFF  }
0x15c: {  	s20 =	rddreg [dreg:$0xd]  }
0x15d: {  	[tilespmem:s2], [sflag:$0x3] =	stream.linear.gather [hbm4b:s20+s2], $0x50, $0x38;
	[tilespmem:$0x19280] =	vst v63  }
0x15e: {  	_ =	swait.ge [sflag:s9], $0x50  }
0x15f: {  	[sflag:s9] =	ssyncset.done $0x0  }
0x160: {  	s21 =	rddreg [dreg:$0xe];
	[sflag:s9] =	ssyncadd.s32 $0xFFFFFFB0  }
0x161: {  	[tilespmem:s10], [sflag:$0x3] =	stream.linear.gather [hbm4b:s21+s2], $0x50, $0x38;
	[tilespmem:$0x19280] =	vst v63  }
0x162: {  	_ =	swait.ge [sflag:s9], $0x50  }
0x163: {  	[sflag:s9] =	ssyncset.done $0x0  }
0x164: {  	[sflag:s9] =	ssyncadd.s32 $0xFFFFFFB0  }
0x165: {  	[tilespmem:s12], [sflag:$0x1] =	stream.indirect.gather [hbm4b:s3+s11], $0x80, s2, s11, $0xb8;
	[tilespmem:$0x19280] =	vst v63  }
0x166: {  	s22 =	sadd.s32 $0x0, s25  }
0x167: {  	[tilespmem:s13], [sflag:$0x3] =	stream.linear.gather [hbm4b:s22+s2], $0x50, $0x38;
	[tilespmem:$0x19280] =	vst v63  }
0x168: {  	_ =	swait.ge [sflag:s9], $0x50  }
0x169: {  	[sflag:s9] =	ssyncset.done $0x0  }
0x16a: {  	s26 =	sadd.s32 $0x0, s24;
	[sflag:s9] =	ssyncadd.s32 $0xFFFFFFB0  }
0x16b: {  	[tilespmem:s14], [sflag:$0x3] =	stream.linear.gather [hbm4b:s26+s2], $0x50, $0x38;
	[tilespmem:$0x19280] =	vst v63  }
0x16c: {  	_ =	swait.ge [sflag:s9], $0x50  }
0x16d: {  	[sflag:s9] =	ssyncset.done $0x0  }
0x16e: {  	[sflag:s9] =	ssyncadd.s32 $0xFFFFFFB0  }
0x16f: {  	[tilespmem:s15], [sflag:$0x2] =	stream.indirect.gather [hbm4b:s3+s11], $0x80, s13, s11, $0xb8;
	[tilespmem:$0x19280] =	vst v63  }
0x170: {  	_ =	swait.ge [sflag:s16], $0x2800  }
0x171: {  	[sflag:s16] =	ssyncset.done $0x0  }
0x172: {  	[sflag:s16] =	ssyncadd.s32 $0xFFFFD800  }
0x173: {  	[spmem:s1] =	stream.indirect.scatter.add.f32 [tilespmem:s12], [sflag:$0x3], $0x80, s10, s11, $0xb8;
	[tilespmem:$0x19280] =	vst v63  }
0x174: {  	_ =	swait.ge [sflag:s9], $0x2800  }
0x175: {  	s28 =	sshrl.u32 s23, $0x3;
	[sflag:s9] =	ssyncset.done $0x0  }
0x176: {  	s20 =	sadd.s32 s5, s28;
	[sflag:s9] =	ssyncadd.s32 $0xFFFFD800  }
0x177: {  	[tilespmem:s2], [sflag:$0x3] =	stream.linear.gather [hbm4b:s20+s2], $0x50, $0x38;
	[tilespmem:$0x19280] =	vst v63  }
0x178: {  	_ =	swait.ge [sflag:s9], $0x50  }
0x179: {  	[sflag:s9] =	ssyncset.done $0x0  }
0x17a: {  	s19 =	sadd.s32 s6, s28;
	[sflag:s9] =	ssyncadd.s32 $0xFFFFFFB0  }
0x17b: {  	[tilespmem:s10], [sflag:$0x3] =	stream.linear.gather [hbm4b:s19+s2], $0x50, $0x38;
	[tilespmem:$0x19280] =	vst v63  }
0x17c: {  	_ =	swait.ge [sflag:s9], $0x50  }
0x17d: {  	[sflag:s9] =	ssyncset.done $0x0  }
0x17e: {  	[sflag:s9] =	ssyncadd.s32 $0xFFFFFFB0  }
0x17f: {  	[tilespmem:s12], [sflag:$0x1] =	stream.indirect.gather [hbm4b:s3+s11], $0x80, s2, s11, $0xb8;
	[tilespmem:$0x19280] =	vst v63  }
0x180: {  	_ =	swait.ge [sflag:s17], $0x2800  }
0x181: {  	[sflag:s17] =	ssyncset.done $0x0  }
0x182: {  	[sflag:s17] =	ssyncadd.s32 $0xFFFFD800  }
0x183: {  	[spmem:s1] =	stream.indirect.scatter.add.f32 [tilespmem:s15], [sflag:$0x3], $0x80, s14, s11, $0xb8;
	[tilespmem:$0x19280] =	vst v63  }
0x184: {  	s21 =	simm.s32 $0x28;
	_ =	swait.ge [sflag:s9], $0x2800  }
0x185: {  	s20 =	simm.s32 $0x14;
	s19 =	sadd.s32 $0xA0, s23;
	[sflag:s9] =	ssyncset.done $0x0  }
.LBB2_2:
0x186: {  	s26 =	sadd.s32 s20, s25  }
0x187: {  	[sflag:s9] =	ssyncadd.s32 $0xFFFFD800;
	s28 =	smov.u32 s21;
	s22 =	sadd.s32 $0x14, s21  }
0x188: {  	[tilespmem:s13], [sflag:$0x3] =	stream.linear.gather [hbm4b:s26+s2], $0x50, $0x38;
	[tilespmem:$0x19280] =	vst v63  }
0x189: {  	p1 =	sne.s32 s21, $0x4C4;
	_ =	swait.ge [sflag:s9], $0x50  }
0x18a: {  	[sflag:s9] =	ssyncset.done $0x0  }
0x18b: {  	s21 =	sadd.s32 s20, s24;
	s20 =	smov.u32 s28;
	[sflag:s9] =	ssyncadd.s32 $0xFFFFFFB0  }
0x18c: {  	[tilespmem:s14], [sflag:$0x3] =	stream.linear.gather [hbm4b:s21+s2], $0x50, $0x38;
	[tilespmem:$0x19280] =	vst v63  }
0x18d: {  	_ =	swait.ge [sflag:s9], $0x50  }
0x18e: {  	[sflag:s9] =	ssyncset.done $0x0  }
0x18f: {  	[sflag:s9] =	ssyncadd.s32 $0xFFFFFFB0  }
0x190: {  	[tilespmem:s15], [sflag:$0x2] =	stream.indirect.gather [hbm4b:s3+s11], $0x80, s13, s11, $0xb8;
	[tilespmem:$0x19280] =	vst v63  }
0x191: {  	_ =	swait.ge [sflag:s16], $0x2800  }
0x192: {  	[sflag:s16] =	ssyncset.done $0x0  }
0x193: {  	[sflag:s16] =	ssyncadd.s32 $0xFFFFD800  }
0x194: {  	[spmem:s1] =	stream.indirect.scatter.add.f32 [tilespmem:s12], [sflag:$0x3], $0x80, s10, s11, $0xb8;
	[tilespmem:$0x19280] =	vst v63  }
0x195: {  	_ =	swait.ge [sflag:s9], $0x2800  }
0x196: {  	s21 =	sshrl.u32 s19, $0x3;
	[sflag:s9] =	ssyncset.done $0x0  }
0x197: {  	s26 =	sadd.s32 s5, s21;
	[sflag:s9] =	ssyncadd.s32 $0xFFFFD800  }
0x198: {  	[tilespmem:s2], [sflag:$0x3] =	stream.linear.gather [hbm4b:s26+s2], $0x50, $0x38;
	[tilespmem:$0x19280] =	vst v63  }
0x199: {  	_ =	swait.ge [sflag:s9], $0x50  }
0x19a: {  	[sflag:s9] =	ssyncset.done $0x0  }
0x19b: {  	s21 =	sadd.s32 s6, s21;
	[sflag:s9] =	ssyncadd.s32 $0xFFFFFFB0  }
0x19c: {  	[tilespmem:s10], [sflag:$0x3] =	stream.linear.gather [hbm4b:s21+s2], $0x50, $0x38;
	[tilespmem:$0x19280] =	vst v63  }
0x19d: {  	_ =	swait.ge [sflag:s9], $0x50  }
0x19e: {  	[sflag:s9] =	ssyncset.done $0x0  }
0x19f: {  	[sflag:s9] =	ssyncadd.s32 $0xFFFFFFB0  }
0x1a0: {  	[tilespmem:s12], [sflag:$0x1] =	stream.indirect.gather [hbm4b:s3+s11], $0x80, s2, s11, $0xb8;
	[tilespmem:$0x19280] =	vst v63  }
0x1a1: {  	_ =	swait.ge [sflag:s17], $0x2800  }
.Ltmp0:
0x1a2: {  	[sflag:s17] =	ssyncset.done $0x0;
	(pc) =	sbr.rel @p1 .LBB2_2-.Ltmp0, $4  }
0x1a3: {  	[sflag:s17] =	ssyncadd.s32 $0xFFFFD800  }
0x1a4: {  	[spmem:s1] =	stream.indirect.scatter.add.f32 [tilespmem:s15], [sflag:$0x3], $0x80, s14, s11, $0xb8;
	[tilespmem:$0x19280] =	vst v63  }
0x1a5: {  	_ =	swait.ge [sflag:s9], $0x2800  }
0x1a6: {  	s19 =	sadd.s32 $0xA0, s19;
	s21 =	smov.u32 s22;
	[sflag:s9] =	ssyncset.done $0x0  }
0x1a7: {  	s21 =	sadd.s32 s20, s25;
	[sflag:s9] =	ssyncadd.s32 $0xFFFFD800  }
0x1a8: {  	[tilespmem:s13], [sflag:$0x3] =	stream.linear.gather [hbm4b:s21+s2], $0x50, $0x38;
	[tilespmem:$0x19280] =	vst v63  }
0x1a9: {  	_ =	swait.ge [sflag:s9], $0x50  }
0x1aa: {  	[sflag:s9] =	ssyncset.done $0x0  }
0x1ab: {  	s26 =	sadd.s32 s20, s24;
	[sflag:s9] =	ssyncadd.s32 $0xFFFFFFB0  }
0x1ac: {  	[tilespmem:s14], [sflag:$0x3] =	stream.linear.gather [hbm4b:s26+s2], $0x50, $0x38;
	[tilespmem:$0x19280] =	vst v63  }
0x1ad: {  	_ =	swait.ge [sflag:s9], $0x50  }
0x1ae: {  	[sflag:s9] =	ssyncset.done $0x0  }
0x1af: {  	[sflag:s9] =	ssyncadd.s32 $0xFFFFFFB0  }
0x1b0: {  	[tilespmem:s15], [sflag:$0x2] =	stream.indirect.gather [hbm4b:s3+s11], $0x80, s13, s11, $0xb8;
	[tilespmem:$0x19280] =	vst v63  }
0x1b1: {  	_ =	swait.ge [sflag:s16], $0x2800  }
0x1b2: {  	[sflag:s16] =	ssyncset.done $0x0  }
0x1b3: {  	[sflag:s16] =	ssyncadd.s32 $0xFFFFD800  }
0x1b4: {  	[spmem:s1] =	stream.indirect.scatter.add.f32 [tilespmem:s12], [sflag:$0x3], $0x80, s10, s11, $0xb8;
	[tilespmem:$0x19280] =	vst v63  }
0x1b5: {  	_ =	swait.ge [sflag:s9], $0x2800  }
0x1b6: {  	s19 =	sshrl.u32 s19, $0x3;
	[sflag:s9] =	ssyncset.done $0x0  }
0x1b7: {  	s28 =	sadd.s32 s5, s19;
	[sflag:s9] =	ssyncadd.s32 $0xFFFFD800  }
0x1b8: {  	[tilespmem:s2], [sflag:$0x3] =	stream.linear.gather [hbm4b:s28+s2], $0x50, $0x38;
	[tilespmem:$0x19280] =	vst v63  }
0x1b9: {  	_ =	swait.ge [sflag:s9], $0x50  }
0x1ba: {  	[sflag:s9] =	ssyncset.done $0x0  }
0x1bb: {  	s19 =	sadd.s32 s6, s19;
	[sflag:s9] =	ssyncadd.s32 $0xFFFFFFB0  }
0x1bc: {  	[tilespmem:s10], [sflag:$0x3] =	stream.linear.gather [hbm4b:s19+s2], $0x50, $0x38;
	[tilespmem:$0x19280] =	vst v63  }
0x1bd: {  	_ =	swait.ge [sflag:s9], $0x50  }
0x1be: {  	[sflag:s9] =	ssyncset.done $0x0  }
0x1bf: {  	[sflag:s9] =	ssyncadd.s32 $0xFFFFFFB0  }
0x1c0: {  	[tilespmem:s12], [sflag:$0x1] =	stream.indirect.gather [hbm4b:s3+s11], $0x80, s2, s11, $0xb8;
	[tilespmem:$0x19280] =	vst v63  }
0x1c1: {  	_ =	swait.ge [sflag:s17], $0x2800  }
0x1c2: {  	[sflag:s17] =	ssyncset.done $0x0  }
0x1c3: {  	[sflag:s17] =	ssyncadd.s32 $0xFFFFD800  }
0x1c4: {  	[spmem:s1] =	stream.indirect.scatter.add.f32 [tilespmem:s15], [sflag:$0x3], $0x80, s14, s11, $0xb8;
	[tilespmem:$0x19280] =	vst v63  }
0x1c5: {  	_ =	swait.ge [sflag:s9], $0x2800  }
0x1c6: {  	[sflag:s9] =	ssyncset.done $0x0  }
0x1c7: {  	[sflag:s9] =	ssyncadd.s32 $0xFFFFD800  }
0x1c8: {  	_ =	swait.ge [sflag:s16], $0x2800  }
0x1c9: {  	[sflag:s16] =	ssyncset.done $0x0  }
0x1ca: {  	[sflag:s16] =	ssyncadd.s32 $0xFFFFD800  }
0x1cb: {  	[spmem:s1] =	stream.indirect.scatter.add.f32 [tilespmem:s12], [sflag:$0x3], $0x80, s10, s11, $0xb8;
	[tilespmem:$0x19280] =	vst v63  }
0x1cc: {  	_ =	swait.ge [sflag:s9], $0x2800  }
0x1cd: {  	[sflag:s9] =	ssyncset.done $0x0  }
0x1ce: {  	s21 =	stileid.u32;
	[sflag:s9] =	ssyncadd.s32 $0xFFFFD800  }
0x1cf: {  	s19 =	sshll.u32 s21, $0x6;
	[bflag:$0x0] =	sbarrier.arrive $0xFFFF  }
0x1d0: {  	s22 =	sshrl.u32 s7, $0x3;
	s19 =	sor.u32 $0x1C03, s19;
	s26 =	rddreg [dreg:$0xf]  }
0x1d1: {  	[hbm:s26], [sflag:s19] =	dma.local [spmem:s22], $0x2700  }
0x1d2: {  	_ =	swait.ge [sflag:s9], $0x2700  }
0x1d3: {  	[sflag:s9] =	ssyncset.done $0x0  }
0x1d4: {  	s20 =	sshrl.u32 @!p0 s4, $0x3;
	s21 =	rddreg [dreg:$0x10];
	[sflag:s9] =	ssyncadd.s32 $0xFFFFD900  }
0x1d5: {  	[hbm:s21], [sflag:s19] =	dma.local @!p0 [spmem:s20], $0x100  }
0x1d6: {  	s19 =	simm.s32 @!p0 $0x3  }
0x1d7: {  	_ =	swait.ge @!p0 [sflag:s19], $0x100  }
0x1d8: {  	s18 =	sadd.s32 $0x1, s18;
	s28 =	rddreg [dreg:$0x11]  }
0x1d9: {  	p1 =	sne.s32 s18, s28  }
.Ltmp1:
0x1da: {  	_ = 	snop;
	(pc) =	sbr.rel @p1 .LBB2_1-.Ltmp1, $3  }
0x1db: {  	_ =	sdelay $0x1  }
0x1dc: {  	[sflag:s19] =	ssyncset.done @!p0 $0x0  }
0x1dd: {  	[sflag:s19] =	ssyncadd.s32 @!p0 $0xFFFFFF00  }
0x1de: {  	_ =	sfence.sel $0x180000  }
0x1df: {  	[bflag:$0x0] =	sbarrier.arrive $0xFFFF  }
0x1e0: {  	_ =	strace $0x90000047  }
0x1e1: {  	[bflag:$0x2] =	sbarrier.arrive $0xFFFF  }
0x1e2: {  	s0 =	rddreg [dreg:$0x2]  }
0x1e3: {  	s0 =	sadd.s32 @!p0 $0x100000, s0  }
0x1e4: {  	[sflag:s0] =	ssyncadd.tile.s32 @!p0 $0x1;
	_ =	shalt  }
.Lfunc_end2:
_tile_overlayer_lowered:
.L_overlay_start_2:
0x1e5: {  	(tag) =	ssettag $0x2  }
0x1e6: {  	s0 =	rddreg [dreg:$0x0];
	s2 =	stileid.u32  }
0x1e7: {  	s1 =	rddreg [dreg:$0x1];
	p0 =	sne.s32 s2, $0x0  }
0x1e8: {  	s3 =	rddreg [dreg:$0x2];
	[bflag:$0x3] =	sbarrier.arrive $0xFFFF;
	s2 =	simm.s32 @!p0 $0x1C03  }
0x1e9: {  	[timem:s3], [sflag:s2] =	dma.local @!p0 [hbm:s0], s1  }
0x1ea: {  	s0 =	simm.s32 @!p0 $0x3  }
0x1eb: {  	_ =	swait.ge @!p0 [sflag:s0], s1  }
0x1ec: {  	s1 =	ssub.s32 @!p0 $0x0, s1;
	[sflag:s0] =	ssyncset.done @!p0 $0x0  }
0x1ed: {  	[sflag:s0] =	ssyncadd.s32 @!p0 s1  }
0x1ee: {  	[bflag:$0x3] =	sbarrier.arrive $0xFFFF  }
0x1ef: {  	_ =	shalt  }

</sc_bundles>
